<compile_context>
chip_gen: v7x
topology: tpu7x:2x2x1
jax: 0.10.2.dev20260603
libtpu: 0.0.44.dev20260713+nightly
codegen_flags: <defaults>
</compile_context>

<pallas_src>
import jax
import jax.numpy as jnp
import numpy as np
from jax import lax
from jax.experimental import pallas as pl
from jax.experimental.pallas import tpu as pltpu
from jax.experimental.pallas import tpu_sc as plsc

N_NODES_K = 100000
N_EDGES_K = 6400000
N_GRAPHS_K = 128

NUM_CORES = 2
NUM_SUBCORES = 16
NUM_TILES = NUM_CORES * NUM_SUBCORES

NBLK = N_EDGES_K // 128
BPC = 16
CHUNK = BPC * 128
NCHUNKS_TOTAL = NBLK // BPC
CHUNKS_PER_TILE = -(-NCHUNKS_TOTAL // NUM_TILES)
NPAIRS = CHUNKS_PER_TILE // 2

_PERM = np.array([0, 5, 4, 5, 1, 3, 4, 3, 2], dtype=np.int32)
_STRESS_G = np.repeat(np.arange(N_GRAPHS_K, dtype=np.int32), 9)
_STRESS_C = np.tile(_PERM, N_GRAPHS_K).astype(np.int32)


def _rsqrt_len(l2):
    bits = plsc.bitcast(l2, jnp.int32)
    y = plsc.bitcast(jnp.full((16,), 0x5F3759DF, jnp.int32)
                     - lax.shift_right_logical(bits, 1), jnp.float32)
    xhalf = l2 * 0.5
    y = y * (1.5 - xhalf * y * y)
    y = y * (1.5 - xhalf * y * y)
    y = y * (1.5 - xhalf * y * y)
    ln = l2 * y
    return jnp.where(l2 > 0.0, ln, 0.0)


def _body(pos_hbm, ei_hbm, shifts_hbm, ptr_hbm, voigt_hbm, gidx_hbm,
          cidx_hbm, vec_out, len_out, nat_out, stress_out,
          idx0_v, idx1_v, rows0_v, rows1_v, shv0_v, shv1_v,
          vecv0_v, vecv1_v, lenv0_v, lenv1_v,
          ptr_v, nat_v, voigt_v, gidx_v, cidx_v, stress_v,
          sem_g0, sem_g1, sem_w0, sem_w1):
    wid = lax.axis_index("s") * NUM_CORES + lax.axis_index("c")
    iota = lax.iota(jnp.int32, 16)
    c0 = jnp.full((16,), 0, jnp.int32)
    c1 = jnp.full((16,), 1, jnp.int32)
    c2 = jnp.full((16,), 2, jnp.int32)

    def fetch(cid, idx_v, rows_v, shv_v, sem):
        blk0 = cid * BPC
        pltpu.sync_copy(ei_hbm.at[pl.ds(blk0 * 256, 2 * CHUNK)], idx_v)
        pltpu.async_copy(pos_hbm.at[idx_v], rows_v, sem)
        pltpu.sync_copy(shifts_hbm.at[pl.ds(blk0, BPC)], shv_v)

    def compute(rows_v, shv_v, vecv_v, lenv_v):
        def grp_body(t, _):
            b = t // 8
            l0 = (t % 8) * 16
            jj_s = 256 * b + l0 + iota
            jj_r = jj_s + 128
            vx = (plsc.load_gather(rows_v, [jj_r, c0])
                  - plsc.load_gather(rows_v, [jj_s, c0])
                  + shv_v[b, 0, pl.ds(l0, 16)])
            vy = (plsc.load_gather(rows_v, [jj_r, c1])
                  - plsc.load_gather(rows_v, [jj_s, c1])
                  + shv_v[b, 1, pl.ds(l0, 16)])
            vz = (plsc.load_gather(rows_v, [jj_r, c2])
                  - plsc.load_gather(rows_v, [jj_s, c2])
                  + shv_v[b, 2, pl.ds(l0, 16)])
            vecv_v[b, 0, pl.ds(l0, 16)] = vx
            vecv_v[b, 1, pl.ds(l0, 16)] = vy
            vecv_v[b, 2, pl.ds(l0, 16)] = vz
            l2 = vx * vx + vy * vy + vz * vz
            lenv_v[b, pl.ds(l0, 16)] = _rsqrt_len(l2)
            return ()

        lax.fori_loop(0, 8 * BPC, grp_body, (), unroll=8)

    def wait_gather(idx_v, rows_v, sem):
        pltpu.make_async_copy(pos_hbm.at[idx_v], rows_v, sem).wait()

    def wait_wb0():
        pltpu.make_async_copy(vecv0_v, vec_out.at[pl.ds(0, BPC)],
                              sem_w0).wait()
        pltpu.make_async_copy(lenv0_v, len_out.at[pl.ds(0, BPC)],
                              sem_w0).wait()

    def wait_wb1():
        pltpu.make_async_copy(vecv1_v, vec_out.at[pl.ds(0, BPC)],
                              sem_w1).wait()
        pltpu.make_async_copy(lenv1_v, len_out.at[pl.ds(0, BPC)],
                              sem_w1).wait()

    fetch(wid, idx0_v, rows0_v, shv0_v, sem_g0)

    def pair_body(m, _):
        cid0 = wid + (2 * m) * NUM_TILES
        cid1 = wid + (2 * m + 1) * NUM_TILES
        cid2 = wid + (2 * m + 2) * NUM_TILES

        @pl.when(m > 0)
        def _():
            wait_wb0()

        wait_gather(idx0_v, rows0_v, sem_g0)

        @pl.when(cid1 < NCHUNKS_TOTAL)
        def _():
            fetch(cid1, idx1_v, rows1_v, shv1_v, sem_g1)

        compute(rows0_v, shv0_v, vecv0_v, lenv0_v)
        blk0 = cid0 * BPC
        pltpu.async_copy(vecv0_v, vec_out.at[pl.ds(blk0, BPC)], sem_w0)
        pltpu.async_copy(lenv0_v, len_out.at[pl.ds(blk0, BPC)], sem_w0)

        @pl.when(cid2 < NCHUNKS_TOTAL)
        def _():
            fetch(cid2, idx0_v, rows0_v, shv0_v, sem_g0)

        @pl.when(cid1 < NCHUNKS_TOTAL)
        def _():
            wait_gather(idx1_v, rows1_v, sem_g1)

            @pl.when(m > 0)
            def _():
                wait_wb1()

            compute(rows1_v, shv1_v, vecv1_v, lenv1_v)
            blk1 = cid1 * BPC
            pltpu.async_copy(vecv1_v, vec_out.at[pl.ds(blk1, BPC)], sem_w1)
            pltpu.async_copy(lenv1_v, len_out.at[pl.ds(blk1, BPC)], sem_w1)

        return ()

    lax.fori_loop(0, NPAIRS, pair_body, ())
    wait_wb0()
    wait_wb1()

    @pl.when(wid == 0)
    def _tiny():
        pltpu.sync_copy(ptr_hbm, ptr_v)

        def nat_body(i, _):
            a = plsc.load_gather(ptr_v, [i * 16 + iota])
            b = plsc.load_gather(ptr_v, [i * 16 + 1 + iota])
            nat_v[pl.ds(i * 16, 16)] = b - a
            return ()

        lax.fori_loop(0, N_GRAPHS_K // 16, nat_body, ())
        pltpu.sync_copy(nat_v, nat_out)

        pltpu.sync_copy(voigt_hbm, voigt_v)
        pltpu.sync_copy(gidx_hbm, gidx_v)
        pltpu.sync_copy(cidx_hbm, cidx_v)

        def stress_body(k, _):
            gg = gidx_v[pl.ds(k * 16, 16)]
            cc = cidx_v[pl.ds(k * 16, 16)]
            stress_v[pl.ds(k * 16, 16)] = plsc.load_gather(voigt_v, [gg, cc])
            return ()

        lax.fori_loop(0, (N_GRAPHS_K * 9) // 16, stress_body, ())
        pltpu.sync_copy(stress_v, stress_out)


@jax.jit
def _run(pos8, ei_flat, shifts_blk, ptr, voigts, gidx, cidx):
    mesh = plsc.VectorSubcoreMesh(core_axis_name="c", subcore_axis_name="s",
                                  num_cores=NUM_CORES,
                                  num_subcores=NUM_SUBCORES)
    f = pl.kernel(
        _body,
        out_type=[
            jax.ShapeDtypeStruct((NBLK, 4, 128), jnp.float32),
            jax.ShapeDtypeStruct((NBLK, 128), jnp.float32),
            jax.ShapeDtypeStruct((N_GRAPHS_K,), jnp.int32),
            jax.ShapeDtypeStruct((N_GRAPHS_K * 9,), jnp.float32),
        ],
        mesh=mesh,
        scratch_types=[
            pltpu.VMEM((2 * CHUNK,), jnp.int32),
            pltpu.VMEM((2 * CHUNK,), jnp.int32),
            pltpu.VMEM((2 * CHUNK, 8), jnp.float32),
            pltpu.VMEM((2 * CHUNK, 8), jnp.float32),
            pltpu.VMEM((BPC, 4, 128), jnp.float32),
            pltpu.VMEM((BPC, 4, 128), jnp.float32),
            pltpu.VMEM((BPC, 4, 128), jnp.float32),
            pltpu.VMEM((BPC, 4, 128), jnp.float32),
            pltpu.VMEM((BPC, 128), jnp.float32),
            pltpu.VMEM((BPC, 128), jnp.float32),
            pltpu.VMEM((N_GRAPHS_K + 1,), jnp.int32),
            pltpu.VMEM((N_GRAPHS_K,), jnp.int32),
            pltpu.VMEM((N_GRAPHS_K, 6), jnp.float32),
            pltpu.VMEM((N_GRAPHS_K * 9,), jnp.int32),
            pltpu.VMEM((N_GRAPHS_K * 9,), jnp.int32),
            pltpu.VMEM((N_GRAPHS_K * 9,), jnp.float32),
            pltpu.SemaphoreType.DMA,
            pltpu.SemaphoreType.DMA,
            pltpu.SemaphoreType.DMA,
            pltpu.SemaphoreType.DMA,
        ],
        compiler_params=pltpu.CompilerParams(needs_layout_passes=False,
                                             use_tc_tiling_on_sc=False),
    )
    return f(pos8, ei_flat, shifts_blk, ptr, voigts, gidx, cidx)


def kernel(positions, edge_index, shifts, ptr, voigts):
    pos8 = jnp.pad(positions, ((0, 0), (0, 5)))
    ei_flat = (edge_index.astype(jnp.int32)
               .reshape(2, NBLK, 128).transpose(1, 0, 2).reshape(-1))
    shifts_blk = (jnp.pad(shifts, ((0, 0), (0, 1)))
                  .T.reshape(4, NBLK, 128).transpose(1, 0, 2))
    vec_blk, len_blk, num_atoms, stress = _run(
        pos8, ei_flat, shifts_blk, ptr.astype(jnp.int32), voigts,
        jnp.asarray(_STRESS_G), jnp.asarray(_STRESS_C))
    vec = vec_blk.transpose(0, 2, 1).reshape(N_EDGES_K, 4)[:, :3]
    lengths = len_blk.reshape(N_EDGES_K, 1)
    return (vec, lengths, num_atoms, stress.reshape(N_GRAPHS_K, 3, 3))

# --- scband reference (transcript-rebuilt; emitter-appended) ---
"""Pipeline reference for scband-sevennet-wrapper-1005022347442 (READ-ONLY COPY).

The authoritative reference and input builder live on the scoring server;
editing this copy changes nothing except your own understanding.
"""

import jax, jax.numpy as jnp
import numpy as np

N_NODES = 100000
N_EDGES = 6400000
N_GRAPHS = 128

def setup_inputs(seed: int = 0) -> dict:
    key = jax.random.key(seed)
    k1, k2, k3, k4, k5 = jax.random.split(key, 5)
    positions = jax.random.normal(k1, (N_NODES, 3), dtype=jnp.float32) * 10.0
    edge_index = jax.random.randint(k2, (2, N_EDGES), 0, N_NODES, dtype=jnp.int64)
    shifts = jax.random.normal(k3, (N_EDGES, 3), dtype=jnp.float32) * 0.1
    ptr = jnp.sort(jax.random.randint(k4, (N_GRAPHS + 1,), 0, N_NODES, dtype=jnp.int64))
    ptr = ptr.at[0].set(0).at[-1].set(N_NODES)
    voigts = jax.random.normal(k5, (N_GRAPHS, 6), dtype=jnp.float32)
    return {"positions": positions, "edge_index": edge_index, "shifts": shifts, "ptr": ptr, "voigts": voigts}

def batch_voigt_to_tensor(voigts):
    t = jnp.zeros((voigts.shape[0], 3, 3), dtype=voigts.dtype)
    t = t.at[:, 0, 0].set(voigts[:, 0])
    t = t.at[:, 1, 1].set(voigts[:, 1])
    t = t.at[:, 2, 2].set(voigts[:, 2])
    t = t.at[:, 1, 2].set(voigts[:, 3])
    t = t.at[:, 2, 1].set(voigts[:, 3])
    t = t.at[:, 0, 2].set(voigts[:, 4])
    t = t.at[:, 2, 0].set(voigts[:, 4])
    t = t.at[:, 0, 1].set(voigts[:, 5])
    t = t.at[:, 1, 0].set(voigts[:, 5])
    return t

def reference(positions, edge_index, shifts, ptr, voigts):
    # get_edge_vectors_and_lengths: gather positions by edge endpoints (SparseCore gather)
    sender = edge_index[0]
    receiver = edge_index[1]
    vectors = jnp.take(positions, receiver, axis=0) - jnp.take(positions, sender, axis=0) + shifts
    lengths = jnp.linalg.norm(vectors, axis=-1, keepdims=True)
    # num_atoms per graph
    num_atoms = ptr[1:] - ptr[:-1]
    # stress voigt -> full 3x3 tensor (stand-in for model inferred_stress postprocessing)
    stress = batch_voigt_to_tensor(voigts).astype(jnp.float32)
    return (vectors, lengths, num_atoms, stress)

if __name__ == "__main__":
    import jax
    _d = setup_inputs()
    print(jax.jit(kernel)(*tuple(_d.values())))

</pallas_src>

<mosaic_0001>
#map = affine_map<(d0, d1) -> (0, 0)>
#map1 = affine_map<(d0, d1) -> (0)>
#map2 = affine_map<(d0, d1) -> (0, 0, 0)>
module attributes {stable_mosaic.version = 14 : i64} {
  func.func @_body(%arg0: i32, %arg1: i32, %arg2: memref<100000x8xf32, #tpu.memory_space<hbm>>, %arg3: memref<12800000xi32, #tpu.memory_space<hbm>>, %arg4: memref<50000x4x128xf32, #tpu.memory_space<hbm>>, %arg5: memref<129xi32, #tpu.memory_space<hbm>>, %arg6: memref<128x6xf32, #tpu.memory_space<hbm>>, %arg7: memref<1152xi32, #tpu.memory_space<hbm>>, %arg8: memref<1152xi32, #tpu.memory_space<hbm>>, %arg9: memref<50000x4x128xf32, #tpu.memory_space<hbm>>, %arg10: memref<50000x128xf32, #tpu.memory_space<hbm>>, %arg11: memref<128xi32, #tpu.memory_space<hbm>>, %arg12: memref<1152xf32, #tpu.memory_space<hbm>>, %arg13: memref<4096xi32, #tpu.memory_space<vmem>>, %arg14: memref<4096xi32, #tpu.memory_space<vmem>>, %arg15: memref<4096x8xf32, #tpu.memory_space<vmem>>, %arg16: memref<4096x8xf32, #tpu.memory_space<vmem>>, %arg17: memref<16x4x128xf32, #tpu.memory_space<vmem>>, %arg18: memref<16x4x128xf32, #tpu.memory_space<vmem>>, %arg19: memref<16x4x128xf32, #tpu.memory_space<vmem>>, %arg20: memref<16x4x128xf32, #tpu.memory_space<vmem>>, %arg21: memref<16x128xf32, #tpu.memory_space<vmem>>, %arg22: memref<16x128xf32, #tpu.memory_space<vmem>>, %arg23: memref<129xi32, #tpu.memory_space<vmem>>, %arg24: memref<128xi32, #tpu.memory_space<vmem>>, %arg25: memref<128x6xf32, #tpu.memory_space<vmem>>, %arg26: memref<1152xi32, #tpu.memory_space<vmem>>, %arg27: memref<1152xi32, #tpu.memory_space<vmem>>, %arg28: memref<1152xf32, #tpu.memory_space<vmem>>, %arg29: memref<!tpu.dma_semaphore, #tpu.memory_space<semaphore_mem>>, %arg30: memref<!tpu.dma_semaphore, #tpu.memory_space<semaphore_mem>>, %arg31: memref<!tpu.dma_semaphore, #tpu.memory_space<semaphore_mem>>, %arg32: memref<!tpu.dma_semaphore, #tpu.memory_space<semaphore_mem>>) attributes {dimension_semantics = [#tpu.dimension_semantics<core_parallel>, #tpu.dimension_semantics<subcore_parallel>], iteration_bounds = array<i64: 2, 16>, scalar_prefetch = 0 : i64, scratch_operands = 20 : i64, tpu.core_type = #tpu.core_type<sc_vector_subcore>, window_params = [{transform_indices = #map}, {transform_indices = #map1}, {transform_indices = #map2}, {transform_indices = #map1}, {transform_indices = #map}, {transform_indices = #map1}, {transform_indices = #map1}, {transform_indices = #map2}, {transform_indices = #map}, {transform_indices = #map1}, {transform_indices = #map1}]} {
    %mul3A = arith.constant 2 : i32
    %mul3A_0 = arith.muli %arg1, %mul3A : i32
    %add3A = arith.addi %mul3A_0, %arg0 : i32
    %iota3A = tpu.iota {dimensions = array<i32: 0>} : vector<16xi32>
    %broadcast_in_dim3A = arith.constant 0 : i32
    %broadcast_in_dim3A_1 = vector.broadcast %broadcast_in_dim3A : i32 to vector<16xi32>
    %broadcast_in_dim3A_2 = arith.constant 1 : i32
    %broadcast_in_dim3A_3 = vector.broadcast %broadcast_in_dim3A_2 : i32 to vector<16xi32>
    %broadcast_in_dim3A_4 = arith.constant 2 : i32
    %broadcast_in_dim3A_5 = vector.broadcast %broadcast_in_dim3A_4 : i32 to vector<16xi32>
    %mul3A_6 = arith.constant 16 : i32
    %mul3A_7 = arith.muli %add3A, %mul3A_6 : i32
    %mul3A_8 = arith.constant 256 : i32
    %mul3A_9 = arith.muli %mul3A_7, %mul3A_8 : i32
    "tpu.region"() ({
      %run_scoped3A = tpu.sem_alloc : memref<!tpu.dma_semaphore, #tpu.memory_space<semaphore_mem>>
      %dma_start3A_45 = tpu.memref_slice %arg3[%mul3A_9] : memref<12800000xi32, #tpu.memory_space<hbm>> -> memref<4096xi32, #tpu.memory_space<hbm>>
      %dma_start3A_46 = tpu.memref_slice %arg3[%mul3A_9] : memref<12800000xi32, #tpu.memory_space<hbm>> -> memref<4096xi32, #tpu.memory_space<hbm>>
      tpu.enqueue_dma source(%dma_start3A_46 : memref<4096xi32, #tpu.memory_space<hbm>>) target(%arg13 : memref<4096xi32, #tpu.memory_space<vmem>>) target_semaphore(%run_scoped3A : memref<!tpu.dma_semaphore, #tpu.memory_space<semaphore_mem>>)
      %dma_wait3A_47 = tpu.memref_slice %arg3[%mul3A_9] : memref<12800000xi32, #tpu.memory_space<hbm>> -> memref<4096xi32, #tpu.memory_space<hbm>>
      %dma_wait3A_48 = tpu.memref_slice %arg3[%mul3A_9] : memref<12800000xi32, #tpu.memory_space<hbm>> -> memref<4096xi32, #tpu.memory_space<hbm>>
      tpu.wait_dma2 semaphore(%run_scoped3A : memref<!tpu.dma_semaphore, #tpu.memory_space<semaphore_mem>>) src(%dma_wait3A_48 : memref<4096xi32, #tpu.memory_space<hbm>>) dst(%arg13 : memref<4096xi32, #tpu.memory_space<vmem>>)
      tpu.yield
    }) : () -> ()
    %dma_start3A = arith.constant 0 : i32
    %dma_start3A_10 = arith.constant 0 : i32
    %dma_start3A_11 = tpu.memref_slice %arg2[%dma_start3A, %dma_start3A_10] : memref<100000x8xf32, #tpu.memory_space<hbm>> -> memref<100000x8xf32, #tpu.memory_space<hbm>>
    tpu.enqueue_indirect_dma source(%dma_start3A_11 : memref<100000x8xf32, #tpu.memory_space<hbm>>) target(%arg15 : memref<4096x8xf32, #tpu.memory_space<vmem>>) offsets(%arg13 : memref<4096xi32, #tpu.memory_space<vmem>>) semaphore(%arg29 : memref<!tpu.dma_semaphore, #tpu.memory_space<semaphore_mem>>)
    "tpu.region"() ({
      %run_scoped3A = tpu.sem_alloc : memref<!tpu.dma_semaphore, #tpu.memory_space<semaphore_mem>>
      %dma_start3A_45 = arith.constant 0 : i32
      %dma_start3A_46 = arith.constant 0 : i32
      %dma_start3A_47 = tpu.memref_slice %arg4[%mul3A_7, %dma_start3A_45, %dma_start3A_46] : memref<50000x4x128xf32, #tpu.memory_space<hbm>> -> memref<16x4x128xf32, #tpu.memory_space<hbm>>
      %dma_start3A_48 = arith.constant 0 : i32
      %dma_start3A_49 = arith.constant 0 : i32
      %dma_start3A_50 = tpu.memref_slice %arg4[%mul3A_7, %dma_start3A_48, %dma_start3A_49] : memref<50000x4x128xf32, #tpu.memory_space<hbm>> -> memref<16x4x128xf32, #tpu.memory_space<hbm>>
      tpu.enqueue_dma source(%dma_start3A_50 : memref<16x4x128xf32, #tpu.memory_space<hbm>>) target(%arg17 : memref<16x4x128xf32, #tpu.memory_space<vmem>>) target_semaphore(%run_scoped3A : memref<!tpu.dma_semaphore, #tpu.memory_space<semaphore_mem>>)
      %dma_wait3A_51 = arith.constant 0 : i32
      %dma_wait3A_52 = arith.constant 0 : i32
      %dma_wait3A_53 = tpu.memref_slice %arg4[%mul3A_7, %dma_wait3A_51, %dma_wait3A_52] : memref<50000x4x128xf32, #tpu.memory_space<hbm>> -> memref<16x4x128xf32, #tpu.memory_space<hbm>>
      %dma_wait3A_54 = arith.constant 0 : i32
      %dma_wait3A_55 = arith.constant 0 : i32
      %dma_wait3A_56 = tpu.memref_slice %arg4[%mul3A_7, %dma_wait3A_54, %dma_wait3A_55] : memref<50000x4x128xf32, #tpu.memory_space<hbm>> -> memref<16x4x128xf32, #tpu.memory_space<hbm>>
      tpu.wait_dma2 semaphore(%run_scoped3A : memref<!tpu.dma_semaphore, #tpu.memory_space<semaphore_mem>>) src(%dma_wait3A_56 : memref<16x4x128xf32, #tpu.memory_space<hbm>>) dst(%arg17 : memref<16x4x128xf32, #tpu.memory_space<vmem>>)
      tpu.yield
    }) : () -> ()
    %scan3A = arith.constant 0 : i32
    %scan3A_12 = arith.constant 49 : i32
    %scan3A_13 = arith.addi %scan3A, %scan3A_12 : i32
    %scan3A_14 = arith.constant 1 : i32
    scf.for %scan3A_45 = %scan3A to %scan3A_13 step %scan3A_14  : i32 {
      %mul3A_46 = arith.constant 2 : i32
      %mul3A_47 = arith.muli %mul3A_46, %scan3A_45 : i32
      %mul3A_48 = arith.constant 32 : i32
      %mul3A_49 = arith.muli %mul3A_47, %mul3A_48 : i32
      %add3A_50 = arith.addi %add3A, %mul3A_49 : i32
      %mul3A_51 = arith.constant 2 : i32
      %mul3A_52 = arith.muli %mul3A_51, %scan3A_45 : i32
      %add3A_53 = arith.constant 1 : i32
      %add3A_54 = arith.addi %mul3A_52, %add3A_53 : i32
      %mul3A_55 = arith.constant 32 : i32
      %mul3A_56 = arith.muli %add3A_54, %mul3A_55 : i32
      %add3A_57 = arith.addi %add3A, %mul3A_56 : i32
      %mul3A_58 = arith.constant 2 : i32
      %mul3A_59 = arith.muli %mul3A_58, %scan3A_45 : i32
      %add3A_60 = arith.constant 2 : i32
      %add3A_61 = arith.addi %mul3A_59, %add3A_60 : i32
      %mul3A_62 = arith.constant 32 : i32
      %mul3A_63 = arith.muli %add3A_61, %mul3A_62 : i32
      %add3A_64 = arith.addi %add3A, %mul3A_63 : i32
      %gt3A = arith.constant 0 : i32
      %gt3A_65 = arith.cmpi sgt, %scan3A_45, %gt3A : i32
      %convert_element_type3A_66 = arith.extui %gt3A_65 : i1 to i32
      %cond3A_67 = arith.constant 0 : i32
      %cond3A_68 = arith.cmpi ne, %convert_element_type3A_66, %cond3A_67 : i32
      scf.if %cond3A_68 {
        %dma_wait3A_103 = arith.constant 0 : i32
        %dma_wait3A_104 = arith.constant 0 : i32
        %dma_wait3A_105 = arith.constant 0 : i32
        %dma_wait3A_106 = tpu.memref_slice %arg9[%dma_wait3A_103, %dma_wait3A_104, %dma_wait3A_105] : memref<50000x4x128xf32, #tpu.memory_space<hbm>> -> memref<16x4x128xf32, #tpu.memory_space<hbm>>
        %dma_wait3A_107 = arith.constant 0 : i32
        %dma_wait3A_108 = arith.constant 0 : i32
        %dma_wait3A_109 = arith.constant 0 : i32
        %dma_wait3A_110 = tpu.memref_slice %arg9[%dma_wait3A_107, %dma_wait3A_108, %dma_wait3A_109] : memref<50000x4x128xf32, #tpu.memory_space<hbm>> -> memref<16x4x128xf32, #tpu.memory_space<hbm>>
        tpu.wait_dma2 semaphore(%arg31 : memref<!tpu.dma_semaphore, #tpu.memory_space<semaphore_mem>>) src(%arg19 : memref<16x4x128xf32, #tpu.memory_space<vmem>>) dst(%dma_wait3A_110 : memref<16x4x128xf32, #tpu.memory_space<hbm>>)
        %dma_wait3A_111 = arith.constant 0 : i32
        %dma_wait3A_112 = arith.constant 0 : i32
        %dma_wait3A_113 = tpu.memref_slice %arg10[%dma_wait3A_111, %dma_wait3A_112] : memref<50000x128xf32, #tpu.memory_space<hbm>> -> memref<16x128xf32, #tpu.memory_space<hbm>>
        %dma_wait3A_114 = arith.constant 0 : i32
        %dma_wait3A_115 = arith.constant 0 : i32
        %dma_wait3A_116 = tpu.memref_slice %arg10[%dma_wait3A_114, %dma_wait3A_115] : memref<50000x128xf32, #tpu.memory_space<hbm>> -> memref<16x128xf32, #tpu.memory_space<hbm>>
        tpu.wait_dma2 semaphore(%arg31 : memref<!tpu.dma_semaphore, #tpu.memory_space<semaphore_mem>>) src(%arg21 : memref<16x128xf32, #tpu.memory_space<vmem>>) dst(%dma_wait3A_116 : memref<16x128xf32, #tpu.memory_space<hbm>>)
      } else {
      }
      %dma_wait3A_69 = arith.constant 0 : i32
      %dma_wait3A_70 = arith.constant 0 : i32
      %dma_wait3A_71 = tpu.memref_slice %arg2[%dma_wait3A_69, %dma_wait3A_70] : memref<100000x8xf32, #tpu.memory_space<hbm>> -> memref<100000x8xf32, #tpu.memory_space<hbm>>
      tpu.wait_indirect_dma semaphore(%arg29 : memref<!tpu.dma_semaphore, #tpu.memory_space<semaphore_mem>>) src(%dma_wait3A_71 : memref<100000x8xf32, #tpu.memory_space<hbm>>) dst(%arg15 : memref<4096x8xf32, #tpu.memory_space<vmem>>)
      %lt3A = arith.constant 3125 : i32
      %lt3A_72 = arith.cmpi slt, %add3A_57, %lt3A : i32
      %convert_element_type3A_73 = arith.extui %lt3A_72 : i1 to i32
      %cond3A_74 = arith.constant 0 : i32
      %cond3A_75 = arith.cmpi ne, %convert_element_type3A_73, %cond3A_74 : i32
      scf.if %cond3A_75 {
        %mul3A_103 = arith.constant 16 : i32
        %mul3A_104 = arith.muli %add3A_57, %mul3A_103 : i32
        %mul3A_105 = arith.constant 256 : i32
        %mul3A_106 = arith.muli %mul3A_104, %mul3A_105 : i32
        "tpu.region"() ({
          %run_scoped3A = tpu.sem_alloc : memref<!tpu.dma_semaphore, #tpu.memory_space<semaphore_mem>>
          %dma_start3A_110 = tpu.memref_slice %arg3[%mul3A_106] : memref<12800000xi32, #tpu.memory_space<hbm>> -> memref<4096xi32, #tpu.memory_space<hbm>>
          %dma_start3A_111 = tpu.memref_slice %arg3[%mul3A_106] : memref<12800000xi32, #tpu.memory_space<hbm>> -> memref<4096xi32, #tpu.memory_space<hbm>>
          tpu.enqueue_dma source(%dma_start3A_111 : memref<4096xi32, #tpu.memory_space<hbm>>) target(%arg14 : memref<4096xi32, #tpu.memory_space<vmem>>) target_semaphore(%run_scoped3A : memref<!tpu.dma_semaphore, #tpu.memory_space<semaphore_mem>>)
          %dma_wait3A_112 = tpu.memref_slice %arg3[%mul3A_106] : memref<12800000xi32, #tpu.memory_space<hbm>> -> memref<4096xi32, #tpu.memory_space<hbm>>
          %dma_wait3A_113 = tpu.memref_slice %arg3[%mul3A_106] : memref<12800000xi32, #tpu.memory_space<hbm>> -> memref<4096xi32, #tpu.memory_space<hbm>>
          tpu.wait_dma2 semaphore(%run_scoped3A : memref<!tpu.dma_semaphore, #tpu.memory_space<semaphore_mem>>) src(%dma_wait3A_113 : memref<4096xi32, #tpu.memory_space<hbm>>) dst(%arg14 : memref<4096xi32, #tpu.memory_space<vmem>>)
          tpu.yield
        }) : () -> ()
        %dma_start3A_107 = arith.constant 0 : i32
        %dma_start3A_108 = arith.constant 0 : i32
        %dma_start3A_109 = tpu.memref_slice %arg2[%dma_start3A_107, %dma_start3A_108] : memref<100000x8xf32, #tpu.memory_space<hbm>> -> memref<100000x8xf32, #tpu.memory_space<hbm>>
        tpu.enqueue_indirect_dma source(%dma_start3A_109 : memref<100000x8xf32, #tpu.memory_space<hbm>>) target(%arg16 : memref<4096x8xf32, #tpu.memory_space<vmem>>) offsets(%arg14 : memref<4096xi32, #tpu.memory_space<vmem>>) semaphore(%arg30 : memref<!tpu.dma_semaphore, #tpu.memory_space<semaphore_mem>>)
        "tpu.region"() ({
          %run_scoped3A = tpu.sem_alloc : memref<!tpu.dma_semaphore, #tpu.memory_space<semaphore_mem>>
          %dma_start3A_110 = arith.constant 0 : i32
          %dma_start3A_111 = arith.constant 0 : i32
          %dma_start3A_112 = tpu.memref_slice %arg4[%mul3A_104, %dma_start3A_110, %dma_start3A_111] : memref<50000x4x128xf32, #tpu.memory_space<hbm>> -> memref<16x4x128xf32, #tpu.memory_space<hbm>>
          %dma_start3A_113 = arith.constant 0 : i32
          %dma_start3A_114 = arith.constant 0 : i32
          %dma_start3A_115 = tpu.memref_slice %arg4[%mul3A_104, %dma_start3A_113, %dma_start3A_114] : memref<50000x4x128xf32, #tpu.memory_space<hbm>> -> memref<16x4x128xf32, #tpu.memory_space<hbm>>
          tpu.enqueue_dma source(%dma_start3A_115 : memref<16x4x128xf32, #tpu.memory_space<hbm>>) target(%arg18 : memref<16x4x128xf32, #tpu.memory_space<vmem>>) target_semaphore(%run_scoped3A : memref<!tpu.dma_semaphore, #tpu.memory_space<semaphore_mem>>)
          %dma_wait3A_116 = arith.constant 0 : i32
          %dma_wait3A_117 = arith.constant 0 : i32
          %dma_wait3A_118 = tpu.memref_slice %arg4[%mul3A_104, %dma_wait3A_116, %dma_wait3A_117] : memref<50000x4x128xf32, #tpu.memory_space<hbm>> -> memref<16x4x128xf32, #tpu.memory_space<hbm>>
          %dma_wait3A_119 = arith.constant 0 : i32
          %dma_wait3A_120 = arith.constant 0 : i32
          %dma_wait3A_121 = tpu.memref_slice %arg4[%mul3A_104, %dma_wait3A_119, %dma_wait3A_120] : memref<50000x4x128xf32, #tpu.memory_space<hbm>> -> memref<16x4x128xf32, #tpu.memory_space<hbm>>
          tpu.wait_dma2 semaphore(%run_scoped3A : memref<!tpu.dma_semaphore, #tpu.memory_space<semaphore_mem>>) src(%dma_wait3A_121 : memref<16x4x128xf32, #tpu.memory_space<hbm>>) dst(%arg18 : memref<16x4x128xf32, #tpu.memory_space<vmem>>)
          tpu.yield
        }) : () -> ()
      } else {
      }
      %scan3A_76 = arith.constant 0 : i32
      %scan3A_77 = arith.constant 128 : i32
      %scan3A_78 = arith.addi %scan3A_76, %scan3A_77 : i32
      %scan3A_79 = arith.constant 8 : i32
      scf.for %scan3A_103 = %scan3A_76 to %scan3A_78 step %scan3A_79  : i32 {
        %jit3A = arith.constant 8 : i32
        %div3A = arith.divsi %scan3A_103, %jit3A : i32
        %sign3A = arith.constant 0 : i32
        %sign3A_104 = arith.cmpi sgt, %scan3A_103, %sign3A : i32
        %sign3A_105 = arith.extui %sign3A_104 : i1 to i32
        %sign3A_106 = arith.constant 0 : i32
        %sign3A_107 = arith.cmpi slt, %scan3A_103, %sign3A_106 : i32
        %sign3A_108 = arith.extui %sign3A_107 : i1 to i32
        %sign3A_109 = arith.subi %sign3A_105, %sign3A_108 : i32
        %sign3A_110 = arith.constant 0 : i32
        %sign3A_111 = arith.cmpi sgt, %jit3A, %sign3A_110 : i32
        %sign3A_112 = arith.extui %sign3A_111 : i1 to i32
        %sign3A_113 = arith.constant 0 : i32
        %sign3A_114 = arith.cmpi slt, %jit3A, %sign3A_113 : i32
        %sign3A_115 = arith.extui %sign3A_114 : i1 to i32
        %sign3A_116 = arith.subi %sign3A_112, %sign3A_115 : i32
        %ne3A = arith.cmpi ne, %sign3A_109, %sign3A_116 : i32
        %rem3A = arith.remsi %scan3A_103, %jit3A : i32
        %ne3A_117 = arith.constant 0 : i32
        %ne3A_118 = arith.cmpi ne, %rem3A, %ne3A_117 : i32
        %and3A = arith.andi %ne3A, %ne3A_118 : i1
        %sub3A = arith.constant 1 : i32
        %sub3A_119 = arith.subi %div3A, %sub3A : i32
        %select_n3A = arith.select %and3A, %sub3A_119, %div3A : i32
        %jit3A_120 = arith.constant 8 : i32
        %eq3A_121 = arith.constant 0 : i32
        %eq3A_122 = arith.cmpi eq, %jit3A_120, %eq3A_121 : i32
        %jit3A_123 = arith.constant 1 : i32
        %select_n3A_124 = arith.select %eq3A_122, %jit3A_123, %jit3A_120 : i32
        %rem3A_125 = arith.remsi %scan3A_103, %select_n3A_124 : i32
        %ne3A_126 = arith.constant 0 : i32
        %ne3A_127 = arith.cmpi ne, %rem3A_125, %ne3A_126 : i32
        %lt3A_128 = arith.constant 0 : i32
        %lt3A_129 = arith.cmpi slt, %rem3A_125, %lt3A_128 : i32
        %lt3A_130 = arith.constant 0 : i32
        %lt3A_131 = arith.cmpi slt, %select_n3A_124, %lt3A_130 : i32
        %ne3A_132 = arith.xori %lt3A_129, %lt3A_131 : i1
        %and3A_133 = arith.andi %ne3A_132, %ne3A_127 : i1
        %add3A_134 = arith.addi %rem3A_125, %select_n3A_124 : i32
        %select_n3A_135 = arith.select %and3A_133, %add3A_134, %rem3A_125 : i32
        %mul3A_136 = arith.constant 16 : i32
        %mul3A_137 = arith.muli %select_n3A_135, %mul3A_136 : i32
        %mul3A_138 = arith.constant 256 : i32
        %mul3A_139 = arith.muli %mul3A_138, %select_n3A : i32
        %add3A_140 = arith.addi %mul3A_139, %mul3A_137 : i32
        %add3A_141 = vector.broadcast %add3A_140 : i32 to vector<16xi32>
        %add3A_142 = arith.addi %add3A_141, %iota3A : vector<16xi32>
        %add3A_143 = arith.constant 128 : i32
        %add3A_144 = vector.broadcast %add3A_143 : i32 to vector<16xi32>
        %add3A_145 = arith.addi %add3A_142, %add3A_144 : vector<16xi32>
        %gather3A = tpu.vector_load_idx %arg15[%add3A_145, %broadcast_in_dim3A_1] : memref<4096x8xf32, #tpu.memory_space<vmem>>[vector<16xi32>, vector<16xi32>], vector<16xf32>,
        %gather3A_146 = tpu.vector_load_idx %arg15[%add3A_142, %broadcast_in_dim3A_1] : memref<4096x8xf32, #tpu.memory_space<vmem>>[vector<16xi32>, vector<16xi32>], vector<16xf32>,
        %sub3A_147 = arith.subf %gather3A, %gather3A_146 : vector<16xf32>
        %get3A = arith.constant 0 : i32
        %get3A_148 = arith.index_cast %select_n3A : i32 to index
        %get3A_149 = arith.index_cast %get3A : i32 to index
        %get3A_150 = arith.index_cast %mul3A_137 : i32 to index
        %get3A_151 = tpu.vector_load %arg17[%get3A_148, %get3A_149, %get3A_150] {strides = array<i32>} : memref<16x4x128xf32, #tpu.memory_space<vmem>>, vector<16xf32>,
        %add3A_152 = arith.addf %sub3A_147, %get3A_151 : vector<16xf32>
        %gather3A_153 = tpu.vector_load_idx %arg15[%add3A_145, %broadcast_in_dim3A_3] : memref<4096x8xf32, #tpu.memory_space<vmem>>[vector<16xi32>, vector<16xi32>], vector<16xf32>,
        %gather3A_154 = tpu.vector_load_idx %arg15[%add3A_142, %broadcast_in_dim3A_3] : memref<4096x8xf32, #tpu.memory_space<vmem>>[vector<16xi32>, vector<16xi32>], vector<16xf32>,
        %sub3A_155 = arith.subf %gather3A_153, %gather3A_154 : vector<16xf32>
        %get3A_156 = arith.constant 1 : i32
        %get3A_157 = arith.index_cast %select_n3A : i32 to index
        %get3A_158 = arith.index_cast %get3A_156 : i32 to index
        %get3A_159 = arith.index_cast %mul3A_137 : i32 to index
        %get3A_160 = tpu.vector_load %arg17[%get3A_157, %get3A_158, %get3A_159] {strides = array<i32>} : memref<16x4x128xf32, #tpu.memory_space<vmem>>, vector<16xf32>,
        %add3A_161 = arith.addf %sub3A_155, %get3A_160 : vector<16xf32>
        %gather3A_162 = tpu.vector_load_idx %arg15[%add3A_145, %broadcast_in_dim3A_5] : memref<4096x8xf32, #tpu.memory_space<vmem>>[vector<16xi32>, vector<16xi32>], vector<16xf32>,
        %gather3A_163 = tpu.vector_load_idx %arg15[%add3A_142, %broadcast_in_dim3A_5] : memref<4096x8xf32, #tpu.memory_space<vmem>>[vector<16xi32>, vector<16xi32>], vector<16xf32>,
        %sub3A_164 = arith.subf %gather3A_162, %gather3A_163 : vector<16xf32>
        %get3A_165 = arith.constant 2 : i32
        %get3A_166 = arith.index_cast %select_n3A : i32 to index
        %get3A_167 = arith.index_cast %get3A_165 : i32 to index
        %get3A_168 = arith.index_cast %mul3A_137 : i32 to index
        %get3A_169 = tpu.vector_load %arg17[%get3A_166, %get3A_167, %get3A_168] {strides = array<i32>} : memref<16x4x128xf32, #tpu.memory_space<vmem>>, vector<16xf32>,
        %add3A_170 = arith.addf %sub3A_164, %get3A_169 : vector<16xf32>
        %swap3A = arith.constant 0 : i32
        %swap3A_171 = arith.index_cast %select_n3A : i32 to index
        %swap3A_172 = arith.index_cast %swap3A : i32 to index
        %swap3A_173 = arith.index_cast %mul3A_137 : i32 to index
        %swap3A_174 = tpu.vector_load %arg19[%swap3A_171, %swap3A_172, %swap3A_173] {strides = array<i32>} : memref<16x4x128xf32, #tpu.memory_space<vmem>>, vector<16xf32>,
        tpu.vector_store %arg19[%swap3A_171, %swap3A_172, %swap3A_173], %add3A_152 {strides = array<i32>} : memref<16x4x128xf32, #tpu.memory_space<vmem>>, vector<16xf32>,
        %swap3A_175 = arith.constant 1 : i32
        %swap3A_176 = arith.index_cast %select_n3A : i32 to index
        %swap3A_177 = arith.index_cast %swap3A_175 : i32 to index
        %swap3A_178 = arith.index_cast %mul3A_137 : i32 to index
        %swap3A_179 = tpu.vector_load %arg19[%swap3A_176, %swap3A_177, %swap3A_178] {strides = array<i32>} : memref<16x4x128xf32, #tpu.memory_space<vmem>>, vector<16xf32>,
        tpu.vector_store %arg19[%swap3A_176, %swap3A_177, %swap3A_178], %add3A_161 {strides = array<i32>} : memref<16x4x128xf32, #tpu.memory_space<vmem>>, vector<16xf32>,
        %swap3A_180 = arith.constant 2 : i32
        %swap3A_181 = arith.index_cast %select_n3A : i32 to index
        %swap3A_182 = arith.index_cast %swap3A_180 : i32 to index
        %swap3A_183 = arith.index_cast %mul3A_137 : i32 to index
        %swap3A_184 = tpu.vector_load %arg19[%swap3A_181, %swap3A_182, %swap3A_183] {strides = array<i32>} : memref<16x4x128xf32, #tpu.memory_space<vmem>>, vector<16xf32>,
        tpu.vector_store %arg19[%swap3A_181, %swap3A_182, %swap3A_183], %add3A_170 {strides = array<i32>} : memref<16x4x128xf32, #tpu.memory_space<vmem>>, vector<16xf32>,
        %mul3A_185 = arith.mulf %add3A_152, %add3A_152 : vector<16xf32>
        %mul3A_186 = arith.mulf %add3A_161, %add3A_161 : vector<16xf32>
        %add3A_187 = arith.addf %mul3A_185, %mul3A_186 : vector<16xf32>
        %mul3A_188 = arith.mulf %add3A_170, %add3A_170 : vector<16xf32>
        %add3A_189 = arith.addf %add3A_187, %mul3A_188 : vector<16xf32>
        %bitcast3A = vector.bitcast %add3A_189 : vector<16xf32> to vector<16xi32>
        %broadcast_in_dim3A_190 = arith.constant 1597463007 : i32
        %broadcast_in_dim3A_191 = vector.broadcast %broadcast_in_dim3A_190 : i32 to vector<16xi32>
        %shift_right_logical3A = arith.constant 1 : i32
        %shift_right_logical3A_192 = vector.broadcast %shift_right_logical3A : i32 to vector<16xi32>
        %shift_right_logical3A_193 = arith.shrui %bitcast3A, %shift_right_logical3A_192 : vector<16xi32>
        %sub3A_194 = arith.subi %broadcast_in_dim3A_191, %shift_right_logical3A_193 : vector<16xi32>
        %bitcast3A_195 = vector.bitcast %sub3A_194 : vector<16xi32> to vector<16xf32>
        %mul3A_196 = arith.constant 5.000000e-01 : f32
        %mul3A_197 = vector.broadcast %mul3A_196 : f32 to vector<16xf32>
        %mul3A_198 = arith.mulf %add3A_189, %mul3A_197 : vector<16xf32>
        %mul3A_199 = arith.mulf %mul3A_198, %bitcast3A_195 : vector<16xf32>
        %mul3A_200 = arith.mulf %mul3A_199, %bitcast3A_195 : vector<16xf32>
        %sub3A_201 = arith.constant 1.500000e+00 : f32
        %sub3A_202 = vector.broadcast %sub3A_201 : f32 to vector<16xf32>
        %sub3A_203 = arith.subf %sub3A_202, %mul3A_200 : vector<16xf32>
        %mul3A_204 = arith.mulf %bitcast3A_195, %sub3A_203 : vector<16xf32>
        %mul3A_205 = arith.mulf %mul3A_198, %mul3A_204 : vector<16xf32>
        %mul3A_206 = arith.mulf %mul3A_205, %mul3A_204 : vector<16xf32>
        %sub3A_207 = arith.constant 1.500000e+00 : f32
        %sub3A_208 = vector.broadcast %sub3A_207 : f32 to vector<16xf32>
        %sub3A_209 = arith.subf %sub3A_208, %mul3A_206 : vector<16xf32>
        %mul3A_210 = arith.mulf %mul3A_204, %sub3A_209 : vector<16xf32>
        %mul3A_211 = arith.mulf %mul3A_198, %mul3A_210 : vector<16xf32>
        %mul3A_212 = arith.mulf %mul3A_211, %mul3A_210 : vector<16xf32>
        %sub3A_213 = arith.constant 1.500000e+00 : f32
        %sub3A_214 = vector.broadcast %sub3A_213 : f32 to vector<16xf32>
        %sub3A_215 = arith.subf %sub3A_214, %mul3A_212 : vector<16xf32>
        %mul3A_216 = arith.mulf %mul3A_210, %sub3A_215 : vector<16xf32>
        %mul3A_217 = arith.mulf %add3A_189, %mul3A_216 : vector<16xf32>
        %gt3A_218 = arith.constant 0.000000e+00 : f32
        %gt3A_219 = vector.broadcast %gt3A_218 : f32 to vector<16xf32>
        %gt3A_220 = arith.cmpf ogt, %add3A_189, %gt3A_219 : vector<16xf32>
        %jit3A_221 = arith.constant 0.000000e+00 : f32
        %broadcast_in_dim3A_222 = vector.broadcast %jit3A_221 : f32 to vector<16xf32>
        %select_n3A_223 = arith.select %gt3A_220, %mul3A_217, %broadcast_in_dim3A_222 : vector<16xi1>, vector<16xf32>
        %swap3A_224 = arith.index_cast %select_n3A : i32 to index
        %swap3A_225 = arith.index_cast %mul3A_137 : i32 to index
        %swap3A_226 = tpu.vector_load %arg21[%swap3A_224, %swap3A_225] {strides = array<i32>} : memref<16x128xf32, #tpu.memory_space<vmem>>, vector<16xf32>,
        tpu.vector_store %arg21[%swap3A_224, %swap3A_225], %select_n3A_223 {strides = array<i32>} : memref<16x128xf32, #tpu.memory_space<vmem>>, vector<16xf32>,
        %scan3A_227 = arith.constant 1 : i32
        %scan3A_228 = arith.addi %scan3A_103, %scan3A_227 : i32
        %jit3A_229 = arith.constant 8 : i32
        %div3A_230 = arith.divsi %scan3A_228, %jit3A_229 : i32
        %sign3A_231 = arith.constant 0 : i32
        %sign3A_232 = arith.cmpi sgt, %scan3A_228, %sign3A_231 : i32
        %sign3A_233 = arith.extui %sign3A_232 : i1 to i32
        %sign3A_234 = arith.constant 0 : i32
        %sign3A_235 = arith.cmpi slt, %scan3A_228, %sign3A_234 : i32
        %sign3A_236 = arith.extui %sign3A_235 : i1 to i32
        %sign3A_237 = arith.subi %sign3A_233, %sign3A_236 : i32
        %sign3A_238 = arith.constant 0 : i32
        %sign3A_239 = arith.cmpi sgt, %jit3A_229, %sign3A_238 : i32
        %sign3A_240 = arith.extui %sign3A_239 : i1 to i32
        %sign3A_241 = arith.constant 0 : i32
        %sign3A_242 = arith.cmpi slt, %jit3A_229, %sign3A_241 : i32
        %sign3A_243 = arith.extui %sign3A_242 : i1 to i32
        %sign3A_244 = arith.subi %sign3A_240, %sign3A_243 : i32
        %ne3A_245 = arith.cmpi ne, %sign3A_237, %sign3A_244 : i32
        %rem3A_246 = arith.remsi %scan3A_228, %jit3A_229 : i32
        %ne3A_247 = arith.constant 0 : i32
        %ne3A_248 = arith.cmpi ne, %rem3A_246, %ne3A_247 : i32
        %and3A_249 = arith.andi %ne3A_245, %ne3A_248 : i1
        %sub3A_250 = arith.constant 1 : i32
        %sub3A_251 = arith.subi %div3A_230, %sub3A_250 : i32
        %select_n3A_252 = arith.select %and3A_249, %sub3A_251, %div3A_230 : i32
        %jit3A_253 = arith.constant 8 : i32
        %eq3A_254 = arith.constant 0 : i32
        %eq3A_255 = arith.cmpi eq, %jit3A_253, %eq3A_254 : i32
        %jit3A_256 = arith.constant 1 : i32
        %select_n3A_257 = arith.select %eq3A_255, %jit3A_256, %jit3A_253 : i32
        %rem3A_258 = arith.remsi %scan3A_228, %select_n3A_257 : i32
        %ne3A_259 = arith.constant 0 : i32
        %ne3A_260 = arith.cmpi ne, %rem3A_258, %ne3A_259 : i32
        %lt3A_261 = arith.constant 0 : i32
        %lt3A_262 = arith.cmpi slt, %rem3A_258, %lt3A_261 : i32
        %lt3A_263 = arith.constant 0 : i32
        %lt3A_264 = arith.cmpi slt, %select_n3A_257, %lt3A_263 : i32
        %ne3A_265 = arith.xori %lt3A_262, %lt3A_264 : i1
        %and3A_266 = arith.andi %ne3A_265, %ne3A_260 : i1
        %add3A_267 = arith.addi %rem3A_258, %select_n3A_257 : i32
        %select_n3A_268 = arith.select %and3A_266, %add3A_267, %rem3A_258 : i32
        %mul3A_269 = arith.constant 16 : i32
        %mul3A_270 = arith.muli %select_n3A_268, %mul3A_269 : i32
        %mul3A_271 = arith.constant 256 : i32
        %mul3A_272 = arith.muli %mul3A_271, %select_n3A_252 : i32
        %add3A_273 = arith.addi %mul3A_272, %mul3A_270 : i32
        %add3A_274 = vector.broadcast %add3A_273 : i32 to vector<16xi32>
        %add3A_275 = arith.addi %add3A_274, %iota3A : vector<16xi32>
        %add3A_276 = arith.constant 128 : i32
        %add3A_277 = vector.broadcast %add3A_276 : i32 to vector<16xi32>
        %add3A_278 = arith.addi %add3A_275, %add3A_277 : vector<16xi32>
        %gather3A_279 = tpu.vector_load_idx %arg15[%add3A_278, %broadcast_in_dim3A_1] : memref<4096x8xf32, #tpu.memory_space<vmem>>[vector<16xi32>, vector<16xi32>], vector<16xf32>,
        %gather3A_280 = tpu.vector_load_idx %arg15[%add3A_275, %broadcast_in_dim3A_1] : memref<4096x8xf32, #tpu.memory_space<vmem>>[vector<16xi32>, vector<16xi32>], vector<16xf32>,
        %sub3A_281 = arith.subf %gather3A_279, %gather3A_280 : vector<16xf32>
        %get3A_282 = arith.constant 0 : i32
        %get3A_283 = arith.index_cast %select_n3A_252 : i32 to index
        %get3A_284 = arith.index_cast %get3A_282 : i32 to index
        %get3A_285 = arith.index_cast %mul3A_270 : i32 to index
        %get3A_286 = tpu.vector_load %arg17[%get3A_283, %get3A_284, %get3A_285] {strides = array<i32>} : memref<16x4x128xf32, #tpu.memory_space<vmem>>, vector<16xf32>,
        %add3A_287 = arith.addf %sub3A_281, %get3A_286 : vector<16xf32>
        %gather3A_288 = tpu.vector_load_idx %arg15[%add3A_278, %broadcast_in_dim3A_3] : memref<4096x8xf32, #tpu.memory_space<vmem>>[vector<16xi32>, vector<16xi32>], vector<16xf32>,
        %gather3A_289 = tpu.vector_load_idx %arg15[%add3A_275, %broadcast_in_dim3A_3] : memref<4096x8xf32, #tpu.memory_space<vmem>>[vector<16xi32>, vector<16xi32>], vector<16xf32>,
        %sub3A_290 = arith.subf %gather3A_288, %gather3A_289 : vector<16xf32>
        %get3A_291 = arith.constant 1 : i32
        %get3A_292 = arith.index_cast %select_n3A_252 : i32 to index
        %get3A_293 = arith.index_cast %get3A_291 : i32 to index
        %get3A_294 = arith.index_cast %mul3A_270 : i32 to index
        %get3A_295 = tpu.vector_load %arg17[%get3A_292, %get3A_293, %get3A_294] {strides = array<i32>} : memref<16x4x128xf32, #tpu.memory_space<vmem>>, vector<16xf32>,
        %add3A_296 = arith.addf %sub3A_290, %get3A_295 : vector<16xf32>
        %gather3A_297 = tpu.vector_load_idx %arg15[%add3A_278, %broadcast_in_dim3A_5] : memref<4096x8xf32, #tpu.memory_space<vmem>>[vector<16xi32>, vector<16xi32>], vector<16xf32>,
        %gather3A_298 = tpu.vector_load_idx %arg15[%add3A_275, %broadcast_in_dim3A_5] : memref<4096x8xf32, #tpu.memory_space<vmem>>[vector<16xi32>, vector<16xi32>], vector<16xf32>,
        %sub3A_299 = arith.subf %gather3A_297, %gather3A_298 : vector<16xf32>
        %get3A_300 = arith.constant 2 : i32
        %get3A_301 = arith.index_cast %select_n3A_252 : i32 to index
        %get3A_302 = arith.index_cast %get3A_300 : i32 to index
        %get3A_303 = arith.index_cast %mul3A_270 : i32 to index
        %get3A_304 = tpu.vector_load %arg17[%get3A_301, %get3A_302, %get3A_303] {strides = array<i32>} : memref<16x4x128xf32, #tpu.memory_space<vmem>>, vector<16xf32>,
        %add3A_305 = arith.addf %sub3A_299, %get3A_304 : vector<16xf32>
        %swap3A_306 = arith.constant 0 : i32
        %swap3A_307 = arith.index_cast %select_n3A_252 : i32 to index
        %swap3A_308 = arith.index_cast %swap3A_306 : i32 to index
        %swap3A_309 = arith.index_cast %mul3A_270 : i32 to index
        %swap3A_310 = tpu.vector_load %arg19[%swap3A_307, %swap3A_308, %swap3A_309] {strides = array<i32>} : memref<16x4x128xf32, #tpu.memory_space<vmem>>, vector<16xf32>,
        tpu.vector_store %arg19[%swap3A_307, %swap3A_308, %swap3A_309], %add3A_287 {strides = array<i32>} : memref<16x4x128xf32, #tpu.memory_space<vmem>>, vector<16xf32>,
        %swap3A_311 = arith.constant 1 : i32
        %swap3A_312 = arith.index_cast %select_n3A_252 : i32 to index
        %swap3A_313 = arith.index_cast %swap3A_311 : i32 to index
        %swap3A_314 = arith.index_cast %mul3A_270 : i32 to index
        %swap3A_315 = tpu.vector_load %arg19[%swap3A_312, %swap3A_313, %swap3A_314] {strides = array<i32>} : memref<16x4x128xf32, #tpu.memory_space<vmem>>, vector<16xf32>,
        tpu.vector_store %arg19[%swap3A_312, %swap3A_313, %swap3A_314], %add3A_296 {strides = array<i32>} : memref<16x4x128xf32, #tpu.memory_space<vmem>>, vector<16xf32>,
        %swap3A_316 = arith.constant 2 : i32
        %swap3A_317 = arith.index_cast %select_n3A_252 : i32 to index
        %swap3A_318 = arith.index_cast %swap3A_316 : i32 to index
        %swap3A_319 = arith.index_cast %mul3A_270 : i32 to index
        %swap3A_320 = tpu.vector_load %arg19[%swap3A_317, %swap3A_318, %swap3A_319] {strides = array<i32>} : memref<16x4x128xf32, #tpu.memory_space<vmem>>, vector<16xf32>,
        tpu.vector_store %arg19[%swap3A_317, %swap3A_318, %swap3A_319], %add3A_305 {strides = array<i32>} : memref<16x4x128xf32, #tpu.memory_space<vmem>>, vector<16xf32>,
        %mul3A_321 = arith.mulf %add3A_287, %add3A_287 : vector<16xf32>
        %mul3A_322 = arith.mulf %add3A_296, %add3A_296 : vector<16xf32>
        %add3A_323 = arith.addf %mul3A_321, %mul3A_322 : vector<16xf32>
        %mul3A_324 = arith.mulf %add3A_305, %add3A_305 : vector<16xf32>
        %add3A_325 = arith.addf %add3A_323, %mul3A_324 : vector<16xf32>
        %bitcast3A_326 = vector.bitcast %add3A_325 : vector<16xf32> to vector<16xi32>
        %broadcast_in_dim3A_327 = arith.constant 1597463007 : i32
        %broadcast_in_dim3A_328 = vector.broadcast %broadcast_in_dim3A_327 : i32 to vector<16xi32>
        %shift_right_logical3A_329 = arith.constant 1 : i32
        %shift_right_logical3A_330 = vector.broadcast %shift_right_logical3A_329 : i32 to vector<16xi32>
        %shift_right_logical3A_331 = arith.shrui %bitcast3A_326, %shift_right_logical3A_330 : vector<16xi32>
        %sub3A_332 = arith.subi %broadcast_in_dim3A_328, %shift_right_logical3A_331 : vector<16xi32>
        %bitcast3A_333 = vector.bitcast %sub3A_332 : vector<16xi32> to vector<16xf32>
        %mul3A_334 = arith.constant 5.000000e-01 : f32
        %mul3A_335 = vector.broadcast %mul3A_334 : f32 to vector<16xf32>
        %mul3A_336 = arith.mulf %add3A_325, %mul3A_335 : vector<16xf32>
        %mul3A_337 = arith.mulf %mul3A_336, %bitcast3A_333 : vector<16xf32>
        %mul3A_338 = arith.mulf %mul3A_337, %bitcast3A_333 : vector<16xf32>
        %sub3A_339 = arith.constant 1.500000e+00 : f32
        %sub3A_340 = vector.broadcast %sub3A_339 : f32 to vector<16xf32>
        %sub3A_341 = arith.subf %sub3A_340, %mul3A_338 : vector<16xf32>
        %mul3A_342 = arith.mulf %bitcast3A_333, %sub3A_341 : vector<16xf32>
        %mul3A_343 = arith.mulf %mul3A_336, %mul3A_342 : vector<16xf32>
        %mul3A_344 = arith.mulf %mul3A_343, %mul3A_342 : vector<16xf32>
        %sub3A_345 = arith.constant 1.500000e+00 : f32
        %sub3A_346 = vector.broadcast %sub3A_345 : f32 to vector<16xf32>
        %sub3A_347 = arith.subf %sub3A_346, %mul3A_344 : vector<16xf32>
        %mul3A_348 = arith.mulf %mul3A_342, %sub3A_347 : vector<16xf32>
        %mul3A_349 = arith.mulf %mul3A_336, %mul3A_348 : vector<16xf32>
        %mul3A_350 = arith.mulf %mul3A_349, %mul3A_348 : vector<16xf32>
        %sub3A_351 = arith.constant 1.500000e+00 : f32
        %sub3A_352 = vector.broadcast %sub3A_351 : f32 to vector<16xf32>
        %sub3A_353 = arith.subf %sub3A_352, %mul3A_350 : vector<16xf32>
        %mul3A_354 = arith.mulf %mul3A_348, %sub3A_353 : vector<16xf32>
        %mul3A_355 = arith.mulf %add3A_325, %mul3A_354 : vector<16xf32>
        %gt3A_356 = arith.constant 0.000000e+00 : f32
        %gt3A_357 = vector.broadcast %gt3A_356 : f32 to vector<16xf32>
        %gt3A_358 = arith.cmpf ogt, %add3A_325, %gt3A_357 : vector<16xf32>
        %jit3A_359 = arith.constant 0.000000e+00 : f32
        %broadcast_in_dim3A_360 = vector.broadcast %jit3A_359 : f32 to vector<16xf32>
        %select_n3A_361 = arith.select %gt3A_358, %mul3A_355, %broadcast_in_dim3A_360 : vector<16xi1>, vector<16xf32>
        %swap3A_362 = arith.index_cast %select_n3A_252 : i32 to index
        %swap3A_363 = arith.index_cast %mul3A_270 : i32 to index
        %swap3A_364 = tpu.vector_load %arg21[%swap3A_362, %swap3A_363] {strides = array<i32>} : memref<16x128xf32, #tpu.memory_space<vmem>>, vector<16xf32>,
        tpu.vector_store %arg21[%swap3A_362, %swap3A_363], %select_n3A_361 {strides = array<i32>} : memref<16x128xf32, #tpu.memory_space<vmem>>, vector<16xf32>,
        %scan3A_365 = arith.constant 2 : i32
        %scan3A_366 = arith.addi %scan3A_103, %scan3A_365 : i32
        %jit3A_367 = arith.constant 8 : i32
        %div3A_368 = arith.divsi %scan3A_366, %jit3A_367 : i32
        %sign3A_369 = arith.constant 0 : i32
        %sign3A_370 = arith.cmpi sgt, %scan3A_366, %sign3A_369 : i32
        %sign3A_371 = arith.extui %sign3A_370 : i1 to i32
        %sign3A_372 = arith.constant 0 : i32
        %sign3A_373 = arith.cmpi slt, %scan3A_366, %sign3A_372 : i32
        %sign3A_374 = arith.extui %sign3A_373 : i1 to i32
        %sign3A_375 = arith.subi %sign3A_371, %sign3A_374 : i32
        %sign3A_376 = arith.constant 0 : i32
        %sign3A_377 = arith.cmpi sgt, %jit3A_367, %sign3A_376 : i32
        %sign3A_378 = arith.extui %sign3A_377 : i1 to i32
        %sign3A_379 = arith.constant 0 : i32
        %sign3A_380 = arith.cmpi slt, %jit3A_367, %sign3A_379 : i32
        %sign3A_381 = arith.extui %sign3A_380 : i1 to i32
        %sign3A_382 = arith.subi %sign3A_378, %sign3A_381 : i32
        %ne3A_383 = arith.cmpi ne, %sign3A_375, %sign3A_382 : i32
        %rem3A_384 = arith.remsi %scan3A_366, %jit3A_367 : i32
        %ne3A_385 = arith.constant 0 : i32
        %ne3A_386 = arith.cmpi ne, %rem3A_384, %ne3A_385 : i32
        %and3A_387 = arith.andi %ne3A_383, %ne3A_386 : i1
        %sub3A_388 = arith.constant 1 : i32
        %sub3A_389 = arith.subi %div3A_368, %sub3A_388 : i32
        %select_n3A_390 = arith.select %and3A_387, %sub3A_389, %div3A_368 : i32
        %jit3A_391 = arith.constant 8 : i32
        %eq3A_392 = arith.constant 0 : i32
        %eq3A_393 = arith.cmpi eq, %jit3A_391, %eq3A_392 : i32
        %jit3A_394 = arith.constant 1 : i32
        %select_n3A_395 = arith.select %eq3A_393, %jit3A_394, %jit3A_391 : i32
        %rem3A_396 = arith.remsi %scan3A_366, %select_n3A_395 : i32
        %ne3A_397 = arith.constant 0 : i32
        %ne3A_398 = arith.cmpi ne, %rem3A_396, %ne3A_397 : i32
        %lt3A_399 = arith.constant 0 : i32
        %lt3A_400 = arith.cmpi slt, %rem3A_396, %lt3A_399 : i32
        %lt3A_401 = arith.constant 0 : i32
        %lt3A_402 = arith.cmpi slt, %select_n3A_395, %lt3A_401 : i32
        %ne3A_403 = arith.xori %lt3A_400, %lt3A_402 : i1
        %and3A_404 = arith.andi %ne3A_403, %ne3A_398 : i1
        %add3A_405 = arith.addi %rem3A_396, %select_n3A_395 : i32
        %select_n3A_406 = arith.select %and3A_404, %add3A_405, %rem3A_396 : i32
        %mul3A_407 = arith.constant 16 : i32
        %mul3A_408 = arith.muli %select_n3A_406, %mul3A_407 : i32
        %mul3A_409 = arith.constant 256 : i32
        %mul3A_410 = arith.muli %mul3A_409, %select_n3A_390 : i32
        %add3A_411 = arith.addi %mul3A_410, %mul3A_408 : i32
        %add3A_412 = vector.broadcast %add3A_411 : i32 to vector<16xi32>
        %add3A_413 = arith.addi %add3A_412, %iota3A : vector<16xi32>
        %add3A_414 = arith.constant 128 : i32
        %add3A_415 = vector.broadcast %add3A_414 : i32 to vector<16xi32>
        %add3A_416 = arith.addi %add3A_413, %add3A_415 : vector<16xi32>
        %gather3A_417 = tpu.vector_load_idx %arg15[%add3A_416, %broadcast_in_dim3A_1] : memref<4096x8xf32, #tpu.memory_space<vmem>>[vector<16xi32>, vector<16xi32>], vector<16xf32>,
        %gather3A_418 = tpu.vector_load_idx %arg15[%add3A_413, %broadcast_in_dim3A_1] : memref<4096x8xf32, #tpu.memory_space<vmem>>[vector<16xi32>, vector<16xi32>], vector<16xf32>,
        %sub3A_419 = arith.subf %gather3A_417, %gather3A_418 : vector<16xf32>
        %get3A_420 = arith.constant 0 : i32
        %get3A_421 = arith.index_cast %select_n3A_390 : i32 to index
        %get3A_422 = arith.index_cast %get3A_420 : i32 to index
        %get3A_423 = arith.index_cast %mul3A_408 : i32 to index
        %get3A_424 = tpu.vector_load %arg17[%get3A_421, %get3A_422, %get3A_423] {strides = array<i32>} : memref<16x4x128xf32, #tpu.memory_space<vmem>>, vector<16xf32>,
        %add3A_425 = arith.addf %sub3A_419, %get3A_424 : vector<16xf32>
        %gather3A_426 = tpu.vector_load_idx %arg15[%add3A_416, %broadcast_in_dim3A_3] : memref<4096x8xf32, #tpu.memory_space<vmem>>[vector<16xi32>, vector<16xi32>], vector<16xf32>,
        %gather3A_427 = tpu.vector_load_idx %arg15[%add3A_413, %broadcast_in_dim3A_3] : memref<4096x8xf32, #tpu.memory_space<vmem>>[vector<16xi32>, vector<16xi32>], vector<16xf32>,
        %sub3A_428 = arith.subf %gather3A_426, %gather3A_427 : vector<16xf32>
        %get3A_429 = arith.constant 1 : i32
        %get3A_430 = arith.index_cast %select_n3A_390 : i32 to index
        %get3A_431 = arith.index_cast %get3A_429 : i32 to index
        %get3A_432 = arith.index_cast %mul3A_408 : i32 to index
        %get3A_433 = tpu.vector_load %arg17[%get3A_430, %get3A_431, %get3A_432] {strides = array<i32>} : memref<16x4x128xf32, #tpu.memory_space<vmem>>, vector<16xf32>,
        %add3A_434 = arith.addf %sub3A_428, %get3A_433 : vector<16xf32>
        %gather3A_435 = tpu.vector_load_idx %arg15[%add3A_416, %broadcast_in_dim3A_5] : memref<4096x8xf32, #tpu.memory_space<vmem>>[vector<16xi32>, vector<16xi32>], vector<16xf32>,
        %gather3A_436 = tpu.vector_load_idx %arg15[%add3A_413, %broadcast_in_dim3A_5] : memref<4096x8xf32, #tpu.memory_space<vmem>>[vector<16xi32>, vector<16xi32>], vector<16xf32>,
        %sub3A_437 = arith.subf %gather3A_435, %gather3A_436 : vector<16xf32>
        %get3A_438 = arith.constant 2 : i32
        %get3A_439 = arith.index_cast %select_n3A_390 : i32 to index
        %get3A_440 = arith.index_cast %get3A_438 : i32 to index
        %get3A_441 = arith.index_cast %mul3A_408 : i32 to index
        %get3A_442 = tpu.vector_load %arg17[%get3A_439, %get3A_440, %get3A_441] {strides = array<i32>} : memref<16x4x128xf32, #tpu.memory_space<vmem>>, vector<16xf32>,
        %add3A_443 = arith.addf %sub3A_437, %get3A_442 : vector<16xf32>
        %swap3A_444 = arith.constant 0 : i32
        %swap3A_445 = arith.index_cast %select_n3A_390 : i32 to index
        %swap3A_446 = arith.index_cast %swap3A_444 : i32 to index
        %swap3A_447 = arith.index_cast %mul3A_408 : i32 to index
        %swap3A_448 = tpu.vector_load %arg19[%swap3A_445, %swap3A_446, %swap3A_447] {strides = array<i32>} : memref<16x4x128xf32, #tpu.memory_space<vmem>>, vector<16xf32>,
        tpu.vector_store %arg19[%swap3A_445, %swap3A_446, %swap3A_447], %add3A_425 {strides = array<i32>} : memref<16x4x128xf32, #tpu.memory_space<vmem>>, vector<16xf32>,
        %swap3A_449 = arith.constant 1 : i32
        %swap3A_450 = arith.index_cast %select_n3A_390 : i32 to index
        %swap3A_451 = arith.index_cast %swap3A_449 : i32 to index
        %swap3A_452 = arith.index_cast %mul3A_408 : i32 to index
        %swap3A_453 = tpu.vector_load %arg19[%swap3A_450, %swap3A_451, %swap3A_452] {strides = array<i32>} : memref<16x4x128xf32, #tpu.memory_space<vmem>>, vector<16xf32>,
        tpu.vector_store %arg19[%swap3A_450, %swap3A_451, %swap3A_452], %add3A_434 {strides = array<i32>} : memref<16x4x128xf32, #tpu.memory_space<vmem>>, vector<16xf32>,
        %swap3A_454 = arith.constant 2 : i32
        %swap3A_455 = arith.index_cast %select_n3A_390 : i32 to index
        %swap3A_456 = arith.index_cast %swap3A_454 : i32 to index
        %swap3A_457 = arith.index_cast %mul3A_408 : i32 to index
        %swap3A_458 = tpu.vector_load %arg19[%swap3A_455, %swap3A_456, %swap3A_457] {strides = array<i32>} : memref<16x4x128xf32, #tpu.memory_space<vmem>>, vector<16xf32>,
        tpu.vector_store %arg19[%swap3A_455, %swap3A_456, %swap3A_457], %add3A_443 {strides = array<i32>} : memref<16x4x128xf32, #tpu.memory_space<vmem>>, vector<16xf32>,
        %mul3A_459 = arith.mulf %add3A_425, %add3A_425 : vector<16xf32>
        %mul3A_460 = arith.mulf %add3A_434, %add3A_434 : vector<16xf32>
        %add3A_461 = arith.addf %mul3A_459, %mul3A_460 : vector<16xf32>
        %mul3A_462 = arith.mulf %add3A_443, %add3A_443 : vector<16xf32>
        %add3A_463 = arith.addf %add3A_461, %mul3A_462 : vector<16xf32>
        %bitcast3A_464 = vector.bitcast %add3A_463 : vector<16xf32> to vector<16xi32>
        %broadcast_in_dim3A_465 = arith.constant 1597463007 : i32
        %broadcast_in_dim3A_466 = vector.broadcast %broadcast_in_dim3A_465 : i32 to vector<16xi32>
        %shift_right_logical3A_467 = arith.constant 1 : i32
        %shift_right_logical3A_468 = vector.broadcast %shift_right_logical3A_467 : i32 to vector<16xi32>
        %shift_right_logical3A_469 = arith.shrui %bitcast3A_464, %shift_right_logical3A_468 : vector<16xi32>
        %sub3A_470 = arith.subi %broadcast_in_dim3A_466, %shift_right_logical3A_469 : vector<16xi32>
        %bitcast3A_471 = vector.bitcast %sub3A_470 : vector<16xi32> to vector<16xf32>
        %mul3A_472 = arith.constant 5.000000e-01 : f32
        %mul3A_473 = vector.broadcast %mul3A_472 : f32 to vector<16xf32>
        %mul3A_474 = arith.mulf %add3A_463, %mul3A_473 : vector<16xf32>
        %mul3A_475 = arith.mulf %mul3A_474, %bitcast3A_471 : vector<16xf32>
        %mul3A_476 = arith.mulf %mul3A_475, %bitcast3A_471 : vector<16xf32>
        %sub3A_477 = arith.constant 1.500000e+00 : f32
        %sub3A_478 = vector.broadcast %sub3A_477 : f32 to vector<16xf32>
        %sub3A_479 = arith.subf %sub3A_478, %mul3A_476 : vector<16xf32>
        %mul3A_480 = arith.mulf %bitcast3A_471, %sub3A_479 : vector<16xf32>
        %mul3A_481 = arith.mulf %mul3A_474, %mul3A_480 : vector<16xf32>
        %mul3A_482 = arith.mulf %mul3A_481, %mul3A_480 : vector<16xf32>
        %sub3A_483 = arith.constant 1.500000e+00 : f32
        %sub3A_484 = vector.broadcast %sub3A_483 : f32 to vector<16xf32>
        %sub3A_485 = arith.subf %sub3A_484, %mul3A_482 : vector<16xf32>
        %mul3A_486 = arith.mulf %mul3A_480, %sub3A_485 : vector<16xf32>
        %mul3A_487 = arith.mulf %mul3A_474, %mul3A_486 : vector<16xf32>
        %mul3A_488 = arith.mulf %mul3A_487, %mul3A_486 : vector<16xf32>
        %sub3A_489 = arith.constant 1.500000e+00 : f32
        %sub3A_490 = vector.broadcast %sub3A_489 : f32 to vector<16xf32>
        %sub3A_491 = arith.subf %sub3A_490, %mul3A_488 : vector<16xf32>
        %mul3A_492 = arith.mulf %mul3A_486, %sub3A_491 : vector<16xf32>
        %mul3A_493 = arith.mulf %add3A_463, %mul3A_492 : vector<16xf32>
        %gt3A_494 = arith.constant 0.000000e+00 : f32
        %gt3A_495 = vector.broadcast %gt3A_494 : f32 to vector<16xf32>
        %gt3A_496 = arith.cmpf ogt, %add3A_463, %gt3A_495 : vector<16xf32>
        %jit3A_497 = arith.constant 0.000000e+00 : f32
        %broadcast_in_dim3A_498 = vector.broadcast %jit3A_497 : f32 to vector<16xf32>
        %select_n3A_499 = arith.select %gt3A_496, %mul3A_493, %broadcast_in_dim3A_498 : vector<16xi1>, vector<16xf32>
        %swap3A_500 = arith.index_cast %select_n3A_390 : i32 to index
        %swap3A_501 = arith.index_cast %mul3A_408 : i32 to index
        %swap3A_502 = tpu.vector_load %arg21[%swap3A_500, %swap3A_501] {strides = array<i32>} : memref<16x128xf32, #tpu.memory_space<vmem>>, vector<16xf32>,
        tpu.vector_store %arg21[%swap3A_500, %swap3A_501], %select_n3A_499 {strides = array<i32>} : memref<16x128xf32, #tpu.memory_space<vmem>>, vector<16xf32>,
        %scan3A_503 = arith.constant 3 : i32
        %scan3A_504 = arith.addi %scan3A_103, %scan3A_503 : i32
        %jit3A_505 = arith.constant 8 : i32
        %div3A_506 = arith.divsi %scan3A_504, %jit3A_505 : i32
        %sign3A_507 = arith.constant 0 : i32
        %sign3A_508 = arith.cmpi sgt, %scan3A_504, %sign3A_507 : i32
        %sign3A_509 = arith.extui %sign3A_508 : i1 to i32
        %sign3A_510 = arith.constant 0 : i32
        %sign3A_511 = arith.cmpi slt, %scan3A_504, %sign3A_510 : i32
        %sign3A_512 = arith.extui %sign3A_511 : i1 to i32
        %sign3A_513 = arith.subi %sign3A_509, %sign3A_512 : i32
        %sign3A_514 = arith.constant 0 : i32
        %sign3A_515 = arith.cmpi sgt, %jit3A_505, %sign3A_514 : i32
        %sign3A_516 = arith.extui %sign3A_515 : i1 to i32
        %sign3A_517 = arith.constant 0 : i32
        %sign3A_518 = arith.cmpi slt, %jit3A_505, %sign3A_517 : i32
        %sign3A_519 = arith.extui %sign3A_518 : i1 to i32
        %sign3A_520 = arith.subi %sign3A_516, %sign3A_519 : i32
        %ne3A_521 = arith.cmpi ne, %sign3A_513, %sign3A_520 : i32
        %rem3A_522 = arith.remsi %scan3A_504, %jit3A_505 : i32
        %ne3A_523 = arith.constant 0 : i32
        %ne3A_524 = arith.cmpi ne, %rem3A_522, %ne3A_523 : i32
        %and3A_525 = arith.andi %ne3A_521, %ne3A_524 : i1
        %sub3A_526 = arith.constant 1 : i32
        %sub3A_527 = arith.subi %div3A_506, %sub3A_526 : i32
        %select_n3A_528 = arith.select %and3A_525, %sub3A_527, %div3A_506 : i32
        %jit3A_529 = arith.constant 8 : i32
        %eq3A_530 = arith.constant 0 : i32
        %eq3A_531 = arith.cmpi eq, %jit3A_529, %eq3A_530 : i32
        %jit3A_532 = arith.constant 1 : i32
        %select_n3A_533 = arith.select %eq3A_531, %jit3A_532, %jit3A_529 : i32
        %rem3A_534 = arith.remsi %scan3A_504, %select_n3A_533 : i32
        %ne3A_535 = arith.constant 0 : i32
        %ne3A_536 = arith.cmpi ne, %rem3A_534, %ne3A_535 : i32
        %lt3A_537 = arith.constant 0 : i32
        %lt3A_538 = arith.cmpi slt, %rem3A_534, %lt3A_537 : i32
        %lt3A_539 = arith.constant 0 : i32
        %lt3A_540 = arith.cmpi slt, %select_n3A_533, %lt3A_539 : i32
        %ne3A_541 = arith.xori %lt3A_538, %lt3A_540 : i1
        %and3A_542 = arith.andi %ne3A_541, %ne3A_536 : i1
        %add3A_543 = arith.addi %rem3A_534, %select_n3A_533 : i32
        %select_n3A_544 = arith.select %and3A_542, %add3A_543, %rem3A_534 : i32
        %mul3A_545 = arith.constant 16 : i32
        %mul3A_546 = arith.muli %select_n3A_544, %mul3A_545 : i32
        %mul3A_547 = arith.constant 256 : i32
        %mul3A_548 = arith.muli %mul3A_547, %select_n3A_528 : i32
        %add3A_549 = arith.addi %mul3A_548, %mul3A_546 : i32
        %add3A_550 = vector.broadcast %add3A_549 : i32 to vector<16xi32>
        %add3A_551 = arith.addi %add3A_550, %iota3A : vector<16xi32>
        %add3A_552 = arith.constant 128 : i32
        %add3A_553 = vector.broadcast %add3A_552 : i32 to vector<16xi32>
        %add3A_554 = arith.addi %add3A_551, %add3A_553 : vector<16xi32>
        %gather3A_555 = tpu.vector_load_idx %arg15[%add3A_554, %broadcast_in_dim3A_1] : memref<4096x8xf32, #tpu.memory_space<vmem>>[vector<16xi32>, vector<16xi32>], vector<16xf32>,
        %gather3A_556 = tpu.vector_load_idx %arg15[%add3A_551, %broadcast_in_dim3A_1] : memref<4096x8xf32, #tpu.memory_space<vmem>>[vector<16xi32>, vector<16xi32>], vector<16xf32>,
        %sub3A_557 = arith.subf %gather3A_555, %gather3A_556 : vector<16xf32>
        %get3A_558 = arith.constant 0 : i32
        %get3A_559 = arith.index_cast %select_n3A_528 : i32 to index
        %get3A_560 = arith.index_cast %get3A_558 : i32 to index
        %get3A_561 = arith.index_cast %mul3A_546 : i32 to index
        %get3A_562 = tpu.vector_load %arg17[%get3A_559, %get3A_560, %get3A_561] {strides = array<i32>} : memref<16x4x128xf32, #tpu.memory_space<vmem>>, vector<16xf32>,
        %add3A_563 = arith.addf %sub3A_557, %get3A_562 : vector<16xf32>
        %gather3A_564 = tpu.vector_load_idx %arg15[%add3A_554, %broadcast_in_dim3A_3] : memref<4096x8xf32, #tpu.memory_space<vmem>>[vector<16xi32>, vector<16xi32>], vector<16xf32>,
        %gather3A_565 = tpu.vector_load_idx %arg15[%add3A_551, %broadcast_in_dim3A_3] : memref<4096x8xf32, #tpu.memory_space<vmem>>[vector<16xi32>, vector<16xi32>], vector<16xf32>,
        %sub3A_566 = arith.subf %gather3A_564, %gather3A_565 : vector<16xf32>
        %get3A_567 = arith.constant 1 : i32
        %get3A_568 = arith.index_cast %select_n3A_528 : i32 to index
        %get3A_569 = arith.index_cast %get3A_567 : i32 to index
        %get3A_570 = arith.index_cast %mul3A_546 : i32 to index
        %get3A_571 = tpu.vector_load %arg17[%get3A_568, %get3A_569, %get3A_570] {strides = array<i32>} : memref<16x4x128xf32, #tpu.memory_space<vmem>>, vector<16xf32>,
        %add3A_572 = arith.addf %sub3A_566, %get3A_571 : vector<16xf32>
        %gather3A_573 = tpu.vector_load_idx %arg15[%add3A_554, %broadcast_in_dim3A_5] : memref<4096x8xf32, #tpu.memory_space<vmem>>[vector<16xi32>, vector<16xi32>], vector<16xf32>,
        %gather3A_574 = tpu.vector_load_idx %arg15[%add3A_551, %broadcast_in_dim3A_5] : memref<4096x8xf32, #tpu.memory_space<vmem>>[vector<16xi32>, vector<16xi32>], vector<16xf32>,
        %sub3A_575 = arith.subf %gather3A_573, %gather3A_574 : vector<16xf32>
        %get3A_576 = arith.constant 2 : i32
        %get3A_577 = arith.index_cast %select_n3A_528 : i32 to index
        %get3A_578 = arith.index_cast %get3A_576 : i32 to index
        %get3A_579 = arith.index_cast %mul3A_546 : i32 to index
        %get3A_580 = tpu.vector_load %arg17[%get3A_577, %get3A_578, %get3A_579] {strides = array<i32>} : memref<16x4x128xf32, #tpu.memory_space<vmem>>, vector<16xf32>,
        %add3A_581 = arith.addf %sub3A_575, %get3A_580 : vector<16xf32>
        %swap3A_582 = arith.constant 0 : i32
        %swap3A_583 = arith.index_cast %select_n3A_528 : i32 to index
        %swap3A_584 = arith.index_cast %swap3A_582 : i32 to index
        %swap3A_585 = arith.index_cast %mul3A_546 : i32 to index
        %swap3A_586 = tpu.vector_load %arg19[%swap3A_583, %swap3A_584, %swap3A_585] {strides = array<i32>} : memref<16x4x128xf32, #tpu.memory_space<vmem>>, vector<16xf32>,
        tpu.vector_store %arg19[%swap3A_583, %swap3A_584, %swap3A_585], %add3A_563 {strides = array<i32>} : memref<16x4x128xf32, #tpu.memory_space<vmem>>, vector<16xf32>,
        %swap3A_587 = arith.constant 1 : i32
        %swap3A_588 = arith.index_cast %select_n3A_528 : i32 to index
        %swap3A_589 = arith.index_cast %swap3A_587 : i32 to index
        %swap3A_590 = arith.index_cast %mul3A_546 : i32 to index
        %swap3A_591 = tpu.vector_load %arg19[%swap3A_588, %swap3A_589, %swap3A_590] {strides = array<i32>} : memref<16x4x128xf32, #tpu.memory_space<vmem>>, vector<16xf32>,
        tpu.vector_store %arg19[%swap3A_588, %swap3A_589, %swap3A_590], %add3A_572 {strides = array<i32>} : memref<16x4x128xf32, #tpu.memory_space<vmem>>, vector<16xf32>,
        %swap3A_592 = arith.constant 2 : i32
        %swap3A_593 = arith.index_cast %select_n3A_528 : i32 to index
        %swap3A_594 = arith.index_cast %swap3A_592 : i32 to index
        %swap3A_595 = arith.index_cast %mul3A_546 : i32 to index
        %swap3A_596 = tpu.vector_load %arg19[%swap3A_593, %swap3A_594, %swap3A_595] {strides = array<i32>} : memref<16x4x128xf32, #tpu.memory_space<vmem>>, vector<16xf32>,
        tpu.vector_store %arg19[%swap3A_593, %swap3A_594, %swap3A_595], %add3A_581 {strides = array<i32>} : memref<16x4x128xf32, #tpu.memory_space<vmem>>, vector<16xf32>,
        %mul3A_597 = arith.mulf %add3A_563, %add3A_563 : vector<16xf32>
        %mul3A_598 = arith.mulf %add3A_572, %add3A_572 : vector<16xf32>
        %add3A_599 = arith.addf %mul3A_597, %mul3A_598 : vector<16xf32>
        %mul3A_600 = arith.mulf %add3A_581, %add3A_581 : vector<16xf32>
        %add3A_601 = arith.addf %add3A_599, %mul3A_600 : vector<16xf32>
        %bitcast3A_602 = vector.bitcast %add3A_601 : vector<16xf32> to vector<16xi32>
        %broadcast_in_dim3A_603 = arith.constant 1597463007 : i32
        %broadcast_in_dim3A_604 = vector.broadcast %broadcast_in_dim3A_603 : i32 to vector<16xi32>
        %shift_right_logical3A_605 = arith.constant 1 : i32
        %shift_right_logical3A_606 = vector.broadcast %shift_right_logical3A_605 : i32 to vector<16xi32>
        %shift_right_logical3A_607 = arith.shrui %bitcast3A_602, %shift_right_logical3A_606 : vector<16xi32>
        %sub3A_608 = arith.subi %broadcast_in_dim3A_604, %shift_right_logical3A_607 : vector<16xi32>
        %bitcast3A_609 = vector.bitcast %sub3A_608 : vector<16xi32> to vector<16xf32>
        %mul3A_610 = arith.constant 5.000000e-01 : f32
        %mul3A_611 = vector.broadcast %mul3A_610 : f32 to vector<16xf32>
        %mul3A_612 = arith.mulf %add3A_601, %mul3A_611 : vector<16xf32>
        %mul3A_613 = arith.mulf %mul3A_612, %bitcast3A_609 : vector<16xf32>
        %mul3A_614 = arith.mulf %mul3A_613, %bitcast3A_609 : vector<16xf32>
        %sub3A_615 = arith.constant 1.500000e+00 : f32
        %sub3A_616 = vector.broadcast %sub3A_615 : f32 to vector<16xf32>
        %sub3A_617 = arith.subf %sub3A_616, %mul3A_614 : vector<16xf32>
        %mul3A_618 = arith.mulf %bitcast3A_609, %sub3A_617 : vector<16xf32>
        %mul3A_619 = arith.mulf %mul3A_612, %mul3A_618 : vector<16xf32>
        %mul3A_620 = arith.mulf %mul3A_619, %mul3A_618 : vector<16xf32>
        %sub3A_621 = arith.constant 1.500000e+00 : f32
        %sub3A_622 = vector.broadcast %sub3A_621 : f32 to vector<16xf32>
        %sub3A_623 = arith.subf %sub3A_622, %mul3A_620 : vector<16xf32>
        %mul3A_624 = arith.mulf %mul3A_618, %sub3A_623 : vector<16xf32>
        %mul3A_625 = arith.mulf %mul3A_612, %mul3A_624 : vector<16xf32>
        %mul3A_626 = arith.mulf %mul3A_625, %mul3A_624 : vector<16xf32>
        %sub3A_627 = arith.constant 1.500000e+00 : f32
        %sub3A_628 = vector.broadcast %sub3A_627 : f32 to vector<16xf32>
        %sub3A_629 = arith.subf %sub3A_628, %mul3A_626 : vector<16xf32>
        %mul3A_630 = arith.mulf %mul3A_624, %sub3A_629 : vector<16xf32>
        %mul3A_631 = arith.mulf %add3A_601, %mul3A_630 : vector<16xf32>
        %gt3A_632 = arith.constant 0.000000e+00 : f32
        %gt3A_633 = vector.broadcast %gt3A_632 : f32 to vector<16xf32>
        %gt3A_634 = arith.cmpf ogt, %add3A_601, %gt3A_633 : vector<16xf32>
        %jit3A_635 = arith.constant 0.000000e+00 : f32
        %broadcast_in_dim3A_636 = vector.broadcast %jit3A_635 : f32 to vector<16xf32>
        %select_n3A_637 = arith.select %gt3A_634, %mul3A_631, %broadcast_in_dim3A_636 : vector<16xi1>, vector<16xf32>
        %swap3A_638 = arith.index_cast %select_n3A_528 : i32 to index
        %swap3A_639 = arith.index_cast %mul3A_546 : i32 to index
        %swap3A_640 = tpu.vector_load %arg21[%swap3A_638, %swap3A_639] {strides = array<i32>} : memref<16x128xf32, #tpu.memory_space<vmem>>, vector<16xf32>,
        tpu.vector_store %arg21[%swap3A_638, %swap3A_639], %select_n3A_637 {strides = array<i32>} : memref<16x128xf32, #tpu.memory_space<vmem>>, vector<16xf32>,
        %scan3A_641 = arith.constant 4 : i32
        %scan3A_642 = arith.addi %scan3A_103, %scan3A_641 : i32
        %jit3A_643 = arith.constant 8 : i32
        %div3A_644 = arith.divsi %scan3A_642, %jit3A_643 : i32
        %sign3A_645 = arith.constant 0 : i32
        %sign3A_646 = arith.cmpi sgt, %scan3A_642, %sign3A_645 : i32
        %sign3A_647 = arith.extui %sign3A_646 : i1 to i32
        %sign3A_648 = arith.constant 0 : i32
        %sign3A_649 = arith.cmpi slt, %scan3A_642, %sign3A_648 : i32
        %sign3A_650 = arith.extui %sign3A_649 : i1 to i32
        %sign3A_651 = arith.subi %sign3A_647, %sign3A_650 : i32
        %sign3A_652 = arith.constant 0 : i32
        %sign3A_653 = arith.cmpi sgt, %jit3A_643, %sign3A_652 : i32
        %sign3A_654 = arith.extui %sign3A_653 : i1 to i32
        %sign3A_655 = arith.constant 0 : i32
        %sign3A_656 = arith.cmpi slt, %jit3A_643, %sign3A_655 : i32
        %sign3A_657 = arith.extui %sign3A_656 : i1 to i32
        %sign3A_658 = arith.subi %sign3A_654, %sign3A_657 : i32
        %ne3A_659 = arith.cmpi ne, %sign3A_651, %sign3A_658 : i32
        %rem3A_660 = arith.remsi %scan3A_642, %jit3A_643 : i32
        %ne3A_661 = arith.constant 0 : i32
        %ne3A_662 = arith.cmpi ne, %rem3A_660, %ne3A_661 : i32
        %and3A_663 = arith.andi %ne3A_659, %ne3A_662 : i1
        %sub3A_664 = arith.constant 1 : i32
        %sub3A_665 = arith.subi %div3A_644, %sub3A_664 : i32
        %select_n3A_666 = arith.select %and3A_663, %sub3A_665, %div3A_644 : i32
        %jit3A_667 = arith.constant 8 : i32
        %eq3A_668 = arith.constant 0 : i32
        %eq3A_669 = arith.cmpi eq, %jit3A_667, %eq3A_668 : i32
        %jit3A_670 = arith.constant 1 : i32
        %select_n3A_671 = arith.select %eq3A_669, %jit3A_670, %jit3A_667 : i32
        %rem3A_672 = arith.remsi %scan3A_642, %select_n3A_671 : i32
        %ne3A_673 = arith.constant 0 : i32
        %ne3A_674 = arith.cmpi ne, %rem3A_672, %ne3A_673 : i32
        %lt3A_675 = arith.constant 0 : i32
        %lt3A_676 = arith.cmpi slt, %rem3A_672, %lt3A_675 : i32
        %lt3A_677 = arith.constant 0 : i32
        %lt3A_678 = arith.cmpi slt, %select_n3A_671, %lt3A_677 : i32
        %ne3A_679 = arith.xori %lt3A_676, %lt3A_678 : i1
        %and3A_680 = arith.andi %ne3A_679, %ne3A_674 : i1
        %add3A_681 = arith.addi %rem3A_672, %select_n3A_671 : i32
        %select_n3A_682 = arith.select %and3A_680, %add3A_681, %rem3A_672 : i32
        %mul3A_683 = arith.constant 16 : i32
        %mul3A_684 = arith.muli %select_n3A_682, %mul3A_683 : i32
        %mul3A_685 = arith.constant 256 : i32
        %mul3A_686 = arith.muli %mul3A_685, %select_n3A_666 : i32
        %add3A_687 = arith.addi %mul3A_686, %mul3A_684 : i32
        %add3A_688 = vector.broadcast %add3A_687 : i32 to vector<16xi32>
        %add3A_689 = arith.addi %add3A_688, %iota3A : vector<16xi32>
        %add3A_690 = arith.constant 128 : i32
        %add3A_691 = vector.broadcast %add3A_690 : i32 to vector<16xi32>
        %add3A_692 = arith.addi %add3A_689, %add3A_691 : vector<16xi32>
        %gather3A_693 = tpu.vector_load_idx %arg15[%add3A_692, %broadcast_in_dim3A_1] : memref<4096x8xf32, #tpu.memory_space<vmem>>[vector<16xi32>, vector<16xi32>], vector<16xf32>,
        %gather3A_694 = tpu.vector_load_idx %arg15[%add3A_689, %broadcast_in_dim3A_1] : memref<4096x8xf32, #tpu.memory_space<vmem>>[vector<16xi32>, vector<16xi32>], vector<16xf32>,
        %sub3A_695 = arith.subf %gather3A_693, %gather3A_694 : vector<16xf32>
        %get3A_696 = arith.constant 0 : i32
        %get3A_697 = arith.index_cast %select_n3A_666 : i32 to index
        %get3A_698 = arith.index_cast %get3A_696 : i32 to index
        %get3A_699 = arith.index_cast %mul3A_684 : i32 to index
        %get3A_700 = tpu.vector_load %arg17[%get3A_697, %get3A_698, %get3A_699] {strides = array<i32>} : memref<16x4x128xf32, #tpu.memory_space<vmem>>, vector<16xf32>,
        %add3A_701 = arith.addf %sub3A_695, %get3A_700 : vector<16xf32>
        %gather3A_702 = tpu.vector_load_idx %arg15[%add3A_692, %broadcast_in_dim3A_3] : memref<4096x8xf32, #tpu.memory_space<vmem>>[vector<16xi32>, vector<16xi32>], vector<16xf32>,
        %gather3A_703 = tpu.vector_load_idx %arg15[%add3A_689, %broadcast_in_dim3A_3] : memref<4096x8xf32, #tpu.memory_space<vmem>>[vector<16xi32>, vector<16xi32>], vector<16xf32>,
        %sub3A_704 = arith.subf %gather3A_702, %gather3A_703 : vector<16xf32>
        %get3A_705 = arith.constant 1 : i32
        %get3A_706 = arith.index_cast %select_n3A_666 : i32 to index
        %get3A_707 = arith.index_cast %get3A_705 : i32 to index
        %get3A_708 = arith.index_cast %mul3A_684 : i32 to index
        %get3A_709 = tpu.vector_load %arg17[%get3A_706, %get3A_707, %get3A_708] {strides = array<i32>} : memref<16x4x128xf32, #tpu.memory_space<vmem>>, vector<16xf32>,
        %add3A_710 = arith.addf %sub3A_704, %get3A_709 : vector<16xf32>
        %gather3A_711 = tpu.vector_load_idx %arg15[%add3A_692, %broadcast_in_dim3A_5] : memref<4096x8xf32, #tpu.memory_space<vmem>>[vector<16xi32>, vector<16xi32>], vector<16xf32>,
        %gather3A_712 = tpu.vector_load_idx %arg15[%add3A_689, %broadcast_in_dim3A_5] : memref<4096x8xf32, #tpu.memory_space<vmem>>[vector<16xi32>, vector<16xi32>], vector<16xf32>,
        %sub3A_713 = arith.subf %gather3A_711, %gather3A_712 : vector<16xf32>
        %get3A_714 = arith.constant 2 : i32
        %get3A_715 = arith.index_cast %select_n3A_666 : i32 to index
        %get3A_716 = arith.index_cast %get3A_714 : i32 to index
        %get3A_717 = arith.index_cast %mul3A_684 : i32 to index
        %get3A_718 = tpu.vector_load %arg17[%get3A_715, %get3A_716, %get3A_717] {strides = array<i32>} : memref<16x4x128xf32, #tpu.memory_space<vmem>>, vector<16xf32>,
        %add3A_719 = arith.addf %sub3A_713, %get3A_718 : vector<16xf32>
        %swap3A_720 = arith.constant 0 : i32
        %swap3A_721 = arith.index_cast %select_n3A_666 : i32 to index
        %swap3A_722 = arith.index_cast %swap3A_720 : i32 to index
        %swap3A_723 = arith.index_cast %mul3A_684 : i32 to index
        %swap3A_724 = tpu.vector_load %arg19[%swap3A_721, %swap3A_722, %swap3A_723] {strides = array<i32>} : memref<16x4x128xf32, #tpu.memory_space<vmem>>, vector<16xf32>,
        tpu.vector_store %arg19[%swap3A_721, %swap3A_722, %swap3A_723], %add3A_701 {strides = array<i32>} : memref<16x4x128xf32, #tpu.memory_space<vmem>>, vector<16xf32>,
        %swap3A_725 = arith.constant 1 : i32
        %swap3A_726 = arith.index_cast %select_n3A_666 : i32 to index
        %swap3A_727 = arith.index_cast %swap3A_725 : i32 to index
        %swap3A_728 = arith.index_cast %mul3A_684 : i32 to index
        %swap3A_729 = tpu.vector_load %arg19[%swap3A_726, %swap3A_727, %swap3A_728] {strides = array<i32>} : memref<16x4x128xf32, #tpu.memory_space<vmem>>, vector<16xf32>,
        tpu.vector_store %arg19[%swap3A_726, %swap3A_727, %swap3A_728], %add3A_710 {strides = array<i32>} : memref<16x4x128xf32, #tpu.memory_space<vmem>>, vector<16xf32>,
        %swap3A_730 = arith.constant 2 : i32
        %swap3A_731 = arith.index_cast %select_n3A_666 : i32 to index
        %swap3A_732 = arith.index_cast %swap3A_730 : i32 to index
        %swap3A_733 = arith.index_cast %mul3A_684 : i32 to index
        %swap3A_734 = tpu.vector_load %arg19[%swap3A_731, %swap3A_732, %swap3A_733] {strides = array<i32>} : memref<16x4x128xf32, #tpu.memory_space<vmem>>, vector<16xf32>,
        tpu.vector_store %arg19[%swap3A_731, %swap3A_732, %swap3A_733], %add3A_719 {strides = array<i32>} : memref<16x4x128xf32, #tpu.memory_space<vmem>>, vector<16xf32>,
        %mul3A_735 = arith.mulf %add3A_701, %add3A_701 : vector<16xf32>
        %mul3A_736 = arith.mulf %add3A_710, %add3A_710 : vector<16xf32>
        %add3A_737 = arith.addf %mul3A_735, %mul3A_736 : vector<16xf32>
        %mul3A_738 = arith.mulf %add3A_719, %add3A_719 : vector<16xf32>
        %add3A_739 = arith.addf %add3A_737, %mul3A_738 : vector<16xf32>
        %bitcast3A_740 = vector.bitcast %add3A_739 : vector<16xf32> to vector<16xi32>
        %broadcast_in_dim3A_741 = arith.constant 1597463007 : i32
        %broadcast_in_dim3A_742 = vector.broadcast %broadcast_in_dim3A_741 : i32 to vector<16xi32>
        %shift_right_logical3A_743 = arith.constant 1 : i32
        %shift_right_logical3A_744 = vector.broadcast %shift_right_logical3A_743 : i32 to vector<16xi32>
        %shift_right_logical3A_745 = arith.shrui %bitcast3A_740, %shift_right_logical3A_744 : vector<16xi32>
        %sub3A_746 = arith.subi %broadcast_in_dim3A_742, %shift_right_logical3A_745 : vector<16xi32>
        %bitcast3A_747 = vector.bitcast %sub3A_746 : vector<16xi32> to vector<16xf32>
        %mul3A_748 = arith.constant 5.000000e-01 : f32
        %mul3A_749 = vector.broadcast %mul3A_748 : f32 to vector<16xf32>
        %mul3A_750 = arith.mulf %add3A_739, %mul3A_749 : vector<16xf32>
        %mul3A_751 = arith.mulf %mul3A_750, %bitcast3A_747 : vector<16xf32>
        %mul3A_752 = arith.mulf %mul3A_751, %bitcast3A_747 : vector<16xf32>
        %sub3A_753 = arith.constant 1.500000e+00 : f32
        %sub3A_754 = vector.broadcast %sub3A_753 : f32 to vector<16xf32>
        %sub3A_755 = arith.subf %sub3A_754, %mul3A_752 : vector<16xf32>
        %mul3A_756 = arith.mulf %bitcast3A_747, %sub3A_755 : vector<16xf32>
        %mul3A_757 = arith.mulf %mul3A_750, %mul3A_756 : vector<16xf32>
        %mul3A_758 = arith.mulf %mul3A_757, %mul3A_756 : vector<16xf32>
        %sub3A_759 = arith.constant 1.500000e+00 : f32
        %sub3A_760 = vector.broadcast %sub3A_759 : f32 to vector<16xf32>
        %sub3A_761 = arith.subf %sub3A_760, %mul3A_758 : vector<16xf32>
        %mul3A_762 = arith.mulf %mul3A_756, %sub3A_761 : vector<16xf32>
        %mul3A_763 = arith.mulf %mul3A_750, %mul3A_762 : vector<16xf32>
        %mul3A_764 = arith.mulf %mul3A_763, %mul3A_762 : vector<16xf32>
        %sub3A_765 = arith.constant 1.500000e+00 : f32
        %sub3A_766 = vector.broadcast %sub3A_765 : f32 to vector<16xf32>
        %sub3A_767 = arith.subf %sub3A_766, %mul3A_764 : vector<16xf32>
        %mul3A_768 = arith.mulf %mul3A_762, %sub3A_767 : vector<16xf32>
        %mul3A_769 = arith.mulf %add3A_739, %mul3A_768 : vector<16xf32>
        %gt3A_770 = arith.constant 0.000000e+00 : f32
        %gt3A_771 = vector.broadcast %gt3A_770 : f32 to vector<16xf32>
        %gt3A_772 = arith.cmpf ogt, %add3A_739, %gt3A_771 : vector<16xf32>
        %jit3A_773 = arith.constant 0.000000e+00 : f32
        %broadcast_in_dim3A_774 = vector.broadcast %jit3A_773 : f32 to vector<16xf32>
        %select_n3A_775 = arith.select %gt3A_772, %mul3A_769, %broadcast_in_dim3A_774 : vector<16xi1>, vector<16xf32>
        %swap3A_776 = arith.index_cast %select_n3A_666 : i32 to index
        %swap3A_777 = arith.index_cast %mul3A_684 : i32 to index
        %swap3A_778 = tpu.vector_load %arg21[%swap3A_776, %swap3A_777] {strides = array<i32>} : memref<16x128xf32, #tpu.memory_space<vmem>>, vector<16xf32>,
        tpu.vector_store %arg21[%swap3A_776, %swap3A_777], %select_n3A_775 {strides = array<i32>} : memref<16x128xf32, #tpu.memory_space<vmem>>, vector<16xf32>,
        %scan3A_779 = arith.constant 5 : i32
        %scan3A_780 = arith.addi %scan3A_103, %scan3A_779 : i32
        %jit3A_781 = arith.constant 8 : i32
        %div3A_782 = arith.divsi %scan3A_780, %jit3A_781 : i32
        %sign3A_783 = arith.constant 0 : i32
        %sign3A_784 = arith.cmpi sgt, %scan3A_780, %sign3A_783 : i32
        %sign3A_785 = arith.extui %sign3A_784 : i1 to i32
        %sign3A_786 = arith.constant 0 : i32
        %sign3A_787 = arith.cmpi slt, %scan3A_780, %sign3A_786 : i32
        %sign3A_788 = arith.extui %sign3A_787 : i1 to i32
        %sign3A_789 = arith.subi %sign3A_785, %sign3A_788 : i32
        %sign3A_790 = arith.constant 0 : i32
        %sign3A_791 = arith.cmpi sgt, %jit3A_781, %sign3A_790 : i32
        %sign3A_792 = arith.extui %sign3A_791 : i1 to i32
        %sign3A_793 = arith.constant 0 : i32
        %sign3A_794 = arith.cmpi slt, %jit3A_781, %sign3A_793 : i32
        %sign3A_795 = arith.extui %sign3A_794 : i1 to i32
        %sign3A_796 = arith.subi %sign3A_792, %sign3A_795 : i32
        %ne3A_797 = arith.cmpi ne, %sign3A_789, %sign3A_796 : i32
        %rem3A_798 = arith.remsi %scan3A_780, %jit3A_781 : i32
        %ne3A_799 = arith.constant 0 : i32
        %ne3A_800 = arith.cmpi ne, %rem3A_798, %ne3A_799 : i32
        %and3A_801 = arith.andi %ne3A_797, %ne3A_800 : i1
        %sub3A_802 = arith.constant 1 : i32
        %sub3A_803 = arith.subi %div3A_782, %sub3A_802 : i32
        %select_n3A_804 = arith.select %and3A_801, %sub3A_803, %div3A_782 : i32
        %jit3A_805 = arith.constant 8 : i32
        %eq3A_806 = arith.constant 0 : i32
        %eq3A_807 = arith.cmpi eq, %jit3A_805, %eq3A_806 : i32
        %jit3A_808 = arith.constant 1 : i32
        %select_n3A_809 = arith.select %eq3A_807, %jit3A_808, %jit3A_805 : i32
        %rem3A_810 = arith.remsi %scan3A_780, %select_n3A_809 : i32
        %ne3A_811 = arith.constant 0 : i32
        %ne3A_812 = arith.cmpi ne, %rem3A_810, %ne3A_811 : i32
        %lt3A_813 = arith.constant 0 : i32
        %lt3A_814 = arith.cmpi slt, %rem3A_810, %lt3A_813 : i32
        %lt3A_815 = arith.constant 0 : i32
        %lt3A_816 = arith.cmpi slt, %select_n3A_809, %lt3A_815 : i32
        %ne3A_817 = arith.xori %lt3A_814, %lt3A_816 : i1
        %and3A_818 = arith.andi %ne3A_817, %ne3A_812 : i1
        %add3A_819 = arith.addi %rem3A_810, %select_n3A_809 : i32
        %select_n3A_820 = arith.select %and3A_818, %add3A_819, %rem3A_810 : i32
        %mul3A_821 = arith.constant 16 : i32
        %mul3A_822 = arith.muli %select_n3A_820, %mul3A_821 : i32
        %mul3A_823 = arith.constant 256 : i32
        %mul3A_824 = arith.muli %mul3A_823, %select_n3A_804 : i32
        %add3A_825 = arith.addi %mul3A_824, %mul3A_822 : i32
        %add3A_826 = vector.broadcast %add3A_825 : i32 to vector<16xi32>
        %add3A_827 = arith.addi %add3A_826, %iota3A : vector<16xi32>
        %add3A_828 = arith.constant 128 : i32
        %add3A_829 = vector.broadcast %add3A_828 : i32 to vector<16xi32>
        %add3A_830 = arith.addi %add3A_827, %add3A_829 : vector<16xi32>
        %gather3A_831 = tpu.vector_load_idx %arg15[%add3A_830, %broadcast_in_dim3A_1] : memref<4096x8xf32, #tpu.memory_space<vmem>>[vector<16xi32>, vector<16xi32>], vector<16xf32>,
        %gather3A_832 = tpu.vector_load_idx %arg15[%add3A_827, %broadcast_in_dim3A_1] : memref<4096x8xf32, #tpu.memory_space<vmem>>[vector<16xi32>, vector<16xi32>], vector<16xf32>,
        %sub3A_833 = arith.subf %gather3A_831, %gather3A_832 : vector<16xf32>
        %get3A_834 = arith.constant 0 : i32
        %get3A_835 = arith.index_cast %select_n3A_804 : i32 to index
        %get3A_836 = arith.index_cast %get3A_834 : i32 to index
        %get3A_837 = arith.index_cast %mul3A_822 : i32 to index
        %get3A_838 = tpu.vector_load %arg17[%get3A_835, %get3A_836, %get3A_837] {strides = array<i32>} : memref<16x4x128xf32, #tpu.memory_space<vmem>>, vector<16xf32>,
        %add3A_839 = arith.addf %sub3A_833, %get3A_838 : vector<16xf32>
        %gather3A_840 = tpu.vector_load_idx %arg15[%add3A_830, %broadcast_in_dim3A_3] : memref<4096x8xf32, #tpu.memory_space<vmem>>[vector<16xi32>, vector<16xi32>], vector<16xf32>,
        %gather3A_841 = tpu.vector_load_idx %arg15[%add3A_827, %broadcast_in_dim3A_3] : memref<4096x8xf32, #tpu.memory_space<vmem>>[vector<16xi32>, vector<16xi32>], vector<16xf32>,
        %sub3A_842 = arith.subf %gather3A_840, %gather3A_841 : vector<16xf32>
        %get3A_843 = arith.constant 1 : i32
        %get3A_844 = arith.index_cast %select_n3A_804 : i32 to index
        %get3A_845 = arith.index_cast %get3A_843 : i32 to index
        %get3A_846 = arith.index_cast %mul3A_822 : i32 to index
        %get3A_847 = tpu.vector_load %arg17[%get3A_844, %get3A_845, %get3A_846] {strides = array<i32>} : memref<16x4x128xf32, #tpu.memory_space<vmem>>, vector<16xf32>,
        %add3A_848 = arith.addf %sub3A_842, %get3A_847 : vector<16xf32>
        %gather3A_849 = tpu.vector_load_idx %arg15[%add3A_830, %broadcast_in_dim3A_5] : memref<4096x8xf32, #tpu.memory_space<vmem>>[vector<16xi32>, vector<16xi32>], vector<16xf32>,
        %gather3A_850 = tpu.vector_load_idx %arg15[%add3A_827, %broadcast_in_dim3A_5] : memref<4096x8xf32, #tpu.memory_space<vmem>>[vector<16xi32>, vector<16xi32>], vector<16xf32>,
        %sub3A_851 = arith.subf %gather3A_849, %gather3A_850 : vector<16xf32>
        %get3A_852 = arith.constant 2 : i32
        %get3A_853 = arith.index_cast %select_n3A_804 : i32 to index
        %get3A_854 = arith.index_cast %get3A_852 : i32 to index
        %get3A_855 = arith.index_cast %mul3A_822 : i32 to index
        %get3A_856 = tpu.vector_load %arg17[%get3A_853, %get3A_854, %get3A_855] {strides = array<i32>} : memref<16x4x128xf32, #tpu.memory_space<vmem>>, vector<16xf32>,
        %add3A_857 = arith.addf %sub3A_851, %get3A_856 : vector<16xf32>
        %swap3A_858 = arith.constant 0 : i32
        %swap3A_859 = arith.index_cast %select_n3A_804 : i32 to index
        %swap3A_860 = arith.index_cast %swap3A_858 : i32 to index
        %swap3A_861 = arith.index_cast %mul3A_822 : i32 to index
        %swap3A_862 = tpu.vector_load %arg19[%swap3A_859, %swap3A_860, %swap3A_861] {strides = array<i32>} : memref<16x4x128xf32, #tpu.memory_space<vmem>>, vector<16xf32>,
        tpu.vector_store %arg19[%swap3A_859, %swap3A_860, %swap3A_861], %add3A_839 {strides = array<i32>} : memref<16x4x128xf32, #tpu.memory_space<vmem>>, vector<16xf32>,
        %swap3A_863 = arith.constant 1 : i32
        %swap3A_864 = arith.index_cast %select_n3A_804 : i32 to index
        %swap3A_865 = arith.index_cast %swap3A_863 : i32 to index
        %swap3A_866 = arith.index_cast %mul3A_822 : i32 to index
        %swap3A_867 = tpu.vector_load %arg19[%swap3A_864, %swap3A_865, %swap3A_866] {strides = array<i32>} : memref<16x4x128xf32, #tpu.memory_space<vmem>>, vector<16xf32>,
        tpu.vector_store %arg19[%swap3A_864, %swap3A_865, %swap3A_866], %add3A_848 {strides = array<i32>} : memref<16x4x128xf32, #tpu.memory_space<vmem>>, vector<16xf32>,
        %swap3A_868 = arith.constant 2 : i32
        %swap3A_869 = arith.index_cast %select_n3A_804 : i32 to index
        %swap3A_870 = arith.index_cast %swap3A_868 : i32 to index
        %swap3A_871 = arith.index_cast %mul3A_822 : i32 to index
        %swap3A_872 = tpu.vector_load %arg19[%swap3A_869, %swap3A_870, %swap3A_871] {strides = array<i32>} : memref<16x4x128xf32, #tpu.memory_space<vmem>>, vector<16xf32>,
        tpu.vector_store %arg19[%swap3A_869, %swap3A_870, %swap3A_871], %add3A_857 {strides = array<i32>} : memref<16x4x128xf32, #tpu.memory_space<vmem>>, vector<16xf32>,
        %mul3A_873 = arith.mulf %add3A_839, %add3A_839 : vector<16xf32>
        %mul3A_874 = arith.mulf %add3A_848, %add3A_848 : vector<16xf32>
        %add3A_875 = arith.addf %mul3A_873, %mul3A_874 : vector<16xf32>
        %mul3A_876 = arith.mulf %add3A_857, %add3A_857 : vector<16xf32>
        %add3A_877 = arith.addf %add3A_875, %mul3A_876 : vector<16xf32>
        %bitcast3A_878 = vector.bitcast %add3A_877 : vector<16xf32> to vector<16xi32>
        %broadcast_in_dim3A_879 = arith.constant 1597463007 : i32
        %broadcast_in_dim3A_880 = vector.broadcast %broadcast_in_dim3A_879 : i32 to vector<16xi32>
        %shift_right_logical3A_881 = arith.constant 1 : i32
        %shift_right_logical3A_882 = vector.broadcast %shift_right_logical3A_881 : i32 to vector<16xi32>
        %shift_right_logical3A_883 = arith.shrui %bitcast3A_878, %shift_right_logical3A_882 : vector<16xi32>
        %sub3A_884 = arith.subi %broadcast_in_dim3A_880, %shift_right_logical3A_883 : vector<16xi32>
        %bitcast3A_885 = vector.bitcast %sub3A_884 : vector<16xi32> to vector<16xf32>
        %mul3A_886 = arith.constant 5.000000e-01 : f32
        %mul3A_887 = vector.broadcast %mul3A_886 : f32 to vector<16xf32>
        %mul3A_888 = arith.mulf %add3A_877, %mul3A_887 : vector<16xf32>
        %mul3A_889 = arith.mulf %mul3A_888, %bitcast3A_885 : vector<16xf32>
        %mul3A_890 = arith.mulf %mul3A_889, %bitcast3A_885 : vector<16xf32>
        %sub3A_891 = arith.constant 1.500000e+00 : f32
        %sub3A_892 = vector.broadcast %sub3A_891 : f32 to vector<16xf32>
        %sub3A_893 = arith.subf %sub3A_892, %mul3A_890 : vector<16xf32>
        %mul3A_894 = arith.mulf %bitcast3A_885, %sub3A_893 : vector<16xf32>
        %mul3A_895 = arith.mulf %mul3A_888, %mul3A_894 : vector<16xf32>
        %mul3A_896 = arith.mulf %mul3A_895, %mul3A_894 : vector<16xf32>
        %sub3A_897 = arith.constant 1.500000e+00 : f32
        %sub3A_898 = vector.broadcast %sub3A_897 : f32 to vector<16xf32>
        %sub3A_899 = arith.subf %sub3A_898, %mul3A_896 : vector<16xf32>
        %mul3A_900 = arith.mulf %mul3A_894, %sub3A_899 : vector<16xf32>
        %mul3A_901 = arith.mulf %mul3A_888, %mul3A_900 : vector<16xf32>
        %mul3A_902 = arith.mulf %mul3A_901, %mul3A_900 : vector<16xf32>
        %sub3A_903 = arith.constant 1.500000e+00 : f32
        %sub3A_904 = vector.broadcast %sub3A_903 : f32 to vector<16xf32>
        %sub3A_905 = arith.subf %sub3A_904, %mul3A_902 : vector<16xf32>
        %mul3A_906 = arith.mulf %mul3A_900, %sub3A_905 : vector<16xf32>
        %mul3A_907 = arith.mulf %add3A_877, %mul3A_906 : vector<16xf32>
        %gt3A_908 = arith.constant 0.000000e+00 : f32
        %gt3A_909 = vector.broadcast %gt3A_908 : f32 to vector<16xf32>
        %gt3A_910 = arith.cmpf ogt, %add3A_877, %gt3A_909 : vector<16xf32>
        %jit3A_911 = arith.constant 0.000000e+00 : f32
        %broadcast_in_dim3A_912 = vector.broadcast %jit3A_911 : f32 to vector<16xf32>
        %select_n3A_913 = arith.select %gt3A_910, %mul3A_907, %broadcast_in_dim3A_912 : vector<16xi1>, vector<16xf32>
        %swap3A_914 = arith.index_cast %select_n3A_804 : i32 to index
        %swap3A_915 = arith.index_cast %mul3A_822 : i32 to index
        %swap3A_916 = tpu.vector_load %arg21[%swap3A_914, %swap3A_915] {strides = array<i32>} : memref<16x128xf32, #tpu.memory_space<vmem>>, vector<16xf32>,
        tpu.vector_store %arg21[%swap3A_914, %swap3A_915], %select_n3A_913 {strides = array<i32>} : memref<16x128xf32, #tpu.memory_space<vmem>>, vector<16xf32>,
        %scan3A_917 = arith.constant 6 : i32
        %scan3A_918 = arith.addi %scan3A_103, %scan3A_917 : i32
        %jit3A_919 = arith.constant 8 : i32
        %div3A_920 = arith.divsi %scan3A_918, %jit3A_919 : i32
        %sign3A_921 = arith.constant 0 : i32
        %sign3A_922 = arith.cmpi sgt, %scan3A_918, %sign3A_921 : i32
        %sign3A_923 = arith.extui %sign3A_922 : i1 to i32
        %sign3A_924 = arith.constant 0 : i32
        %sign3A_925 = arith.cmpi slt, %scan3A_918, %sign3A_924 : i32
        %sign3A_926 = arith.extui %sign3A_925 : i1 to i32
        %sign3A_927 = arith.subi %sign3A_923, %sign3A_926 : i32
        %sign3A_928 = arith.constant 0 : i32
        %sign3A_929 = arith.cmpi sgt, %jit3A_919, %sign3A_928 : i32
        %sign3A_930 = arith.extui %sign3A_929 : i1 to i32
        %sign3A_931 = arith.constant 0 : i32
        %sign3A_932 = arith.cmpi slt, %jit3A_919, %sign3A_931 : i32
        %sign3A_933 = arith.extui %sign3A_932 : i1 to i32
        %sign3A_934 = arith.subi %sign3A_930, %sign3A_933 : i32
        %ne3A_935 = arith.cmpi ne, %sign3A_927, %sign3A_934 : i32
        %rem3A_936 = arith.remsi %scan3A_918, %jit3A_919 : i32
        %ne3A_937 = arith.constant 0 : i32
        %ne3A_938 = arith.cmpi ne, %rem3A_936, %ne3A_937 : i32
        %and3A_939 = arith.andi %ne3A_935, %ne3A_938 : i1
        %sub3A_940 = arith.constant 1 : i32
        %sub3A_941 = arith.subi %div3A_920, %sub3A_940 : i32
        %select_n3A_942 = arith.select %and3A_939, %sub3A_941, %div3A_920 : i32
        %jit3A_943 = arith.constant 8 : i32
        %eq3A_944 = arith.constant 0 : i32
        %eq3A_945 = arith.cmpi eq, %jit3A_943, %eq3A_944 : i32
        %jit3A_946 = arith.constant 1 : i32
        %select_n3A_947 = arith.select %eq3A_945, %jit3A_946, %jit3A_943 : i32
        %rem3A_948 = arith.remsi %scan3A_918, %select_n3A_947 : i32
        %ne3A_949 = arith.constant 0 : i32
        %ne3A_950 = arith.cmpi ne, %rem3A_948, %ne3A_949 : i32
        %lt3A_951 = arith.constant 0 : i32
        %lt3A_952 = arith.cmpi slt, %rem3A_948, %lt3A_951 : i32
        %lt3A_953 = arith.constant 0 : i32
        %lt3A_954 = arith.cmpi slt, %select_n3A_947, %lt3A_953 : i32
        %ne3A_955 = arith.xori %lt3A_952, %lt3A_954 : i1
        %and3A_956 = arith.andi %ne3A_955, %ne3A_950 : i1
        %add3A_957 = arith.addi %rem3A_948, %select_n3A_947 : i32
        %select_n3A_958 = arith.select %and3A_956, %add3A_957, %rem3A_948 : i32
        %mul3A_959 = arith.constant 16 : i32
        %mul3A_960 = arith.muli %select_n3A_958, %mul3A_959 : i32
        %mul3A_961 = arith.constant 256 : i32
        %mul3A_962 = arith.muli %mul3A_961, %select_n3A_942 : i32
        %add3A_963 = arith.addi %mul3A_962, %mul3A_960 : i32
        %add3A_964 = vector.broadcast %add3A_963 : i32 to vector<16xi32>
        %add3A_965 = arith.addi %add3A_964, %iota3A : vector<16xi32>
        %add3A_966 = arith.constant 128 : i32
        %add3A_967 = vector.broadcast %add3A_966 : i32 to vector<16xi32>
        %add3A_968 = arith.addi %add3A_965, %add3A_967 : vector<16xi32>
        %gather3A_969 = tpu.vector_load_idx %arg15[%add3A_968, %broadcast_in_dim3A_1] : memref<4096x8xf32, #tpu.memory_space<vmem>>[vector<16xi32>, vector<16xi32>], vector<16xf32>,
        %gather3A_970 = tpu.vector_load_idx %arg15[%add3A_965, %broadcast_in_dim3A_1] : memref<4096x8xf32, #tpu.memory_space<vmem>>[vector<16xi32>, vector<16xi32>], vector<16xf32>,
        %sub3A_971 = arith.subf %gather3A_969, %gather3A_970 : vector<16xf32>
        %get3A_972 = arith.constant 0 : i32
        %get3A_973 = arith.index_cast %select_n3A_942 : i32 to index
        %get3A_974 = arith.index_cast %get3A_972 : i32 to index
        %get3A_975 = arith.index_cast %mul3A_960 : i32 to index
        %get3A_976 = tpu.vector_load %arg17[%get3A_973, %get3A_974, %get3A_975] {strides = array<i32>} : memref<16x4x128xf32, #tpu.memory_space<vmem>>, vector<16xf32>,
        %add3A_977 = arith.addf %sub3A_971, %get3A_976 : vector<16xf32>
        %gather3A_978 = tpu.vector_load_idx %arg15[%add3A_968, %broadcast_in_dim3A_3] : memref<4096x8xf32, #tpu.memory_space<vmem>>[vector<16xi32>, vector<16xi32>], vector<16xf32>,
        %gather3A_979 = tpu.vector_load_idx %arg15[%add3A_965, %broadcast_in_dim3A_3] : memref<4096x8xf32, #tpu.memory_space<vmem>>[vector<16xi32>, vector<16xi32>], vector<16xf32>,
        %sub3A_980 = arith.subf %gather3A_978, %gather3A_979 : vector<16xf32>
        %get3A_981 = arith.constant 1 : i32
        %get3A_982 = arith.index_cast %select_n3A_942 : i32 to index
        %get3A_983 = arith.index_cast %get3A_981 : i32 to index
        %get3A_984 = arith.index_cast %mul3A_960 : i32 to index
        %get3A_985 = tpu.vector_load %arg17[%get3A_982, %get3A_983, %get3A_984] {strides = array<i32>} : memref<16x4x128xf32, #tpu.memory_space<vmem>>, vector<16xf32>,
        %add3A_986 = arith.addf %sub3A_980, %get3A_985 : vector<16xf32>
        %gather3A_987 = tpu.vector_load_idx %arg15[%add3A_968, %broadcast_in_dim3A_5] : memref<4096x8xf32, #tpu.memory_space<vmem>>[vector<16xi32>, vector<16xi32>], vector<16xf32>,
        %gather3A_988 = tpu.vector_load_idx %arg15[%add3A_965, %broadcast_in_dim3A_5] : memref<4096x8xf32, #tpu.memory_space<vmem>>[vector<16xi32>, vector<16xi32>], vector<16xf32>,
        %sub3A_989 = arith.subf %gather3A_987, %gather3A_988 : vector<16xf32>
        %get3A_990 = arith.constant 2 : i32
        %get3A_991 = arith.index_cast %select_n3A_942 : i32 to index
        %get3A_992 = arith.index_cast %get3A_990 : i32 to index
        %get3A_993 = arith.index_cast %mul3A_960 : i32 to index
        %get3A_994 = tpu.vector_load %arg17[%get3A_991, %get3A_992, %get3A_993] {strides = array<i32>} : memref<16x4x128xf32, #tpu.memory_space<vmem>>, vector<16xf32>,
        %add3A_995 = arith.addf %sub3A_989, %get3A_994 : vector<16xf32>
        %swap3A_996 = arith.constant 0 : i32
        %swap3A_997 = arith.index_cast %select_n3A_942 : i32 to index
        %swap3A_998 = arith.index_cast %swap3A_996 : i32 to index
        %swap3A_999 = arith.index_cast %mul3A_960 : i32 to index
        %swap3A_1000 = tpu.vector_load %arg19[%swap3A_997, %swap3A_998, %swap3A_999] {strides = array<i32>} : memref<16x4x128xf32, #tpu.memory_space<vmem>>, vector<16xf32>,
        tpu.vector_store %arg19[%swap3A_997, %swap3A_998, %swap3A_999], %add3A_977 {strides = array<i32>} : memref<16x4x128xf32, #tpu.memory_space<vmem>>, vector<16xf32>,
        %swap3A_1001 = arith.constant 1 : i32
        %swap3A_1002 = arith.index_cast %select_n3A_942 : i32 to index
        %swap3A_1003 = arith.index_cast %swap3A_1001 : i32 to index
        %swap3A_1004 = arith.index_cast %mul3A_960 : i32 to index
        %swap3A_1005 = tpu.vector_load %arg19[%swap3A_1002, %swap3A_1003, %swap3A_1004] {strides = array<i32>} : memref<16x4x128xf32, #tpu.memory_space<vmem>>, vector<16xf32>,
        tpu.vector_store %arg19[%swap3A_1002, %swap3A_1003, %swap3A_1004], %add3A_986 {strides = array<i32>} : memref<16x4x128xf32, #tpu.memory_space<vmem>>, vector<16xf32>,
        %swap3A_1006 = arith.constant 2 : i32
        %swap3A_1007 = arith.index_cast %select_n3A_942 : i32 to index
        %swap3A_1008 = arith.index_cast %swap3A_1006 : i32 to index
        %swap3A_1009 = arith.index_cast %mul3A_960 : i32 to index
        %swap3A_1010 = tpu.vector_load %arg19[%swap3A_1007, %swap3A_1008, %swap3A_1009] {strides = array<i32>} : memref<16x4x128xf32, #tpu.memory_space<vmem>>, vector<16xf32>,
        tpu.vector_store %arg19[%swap3A_1007, %swap3A_1008, %swap3A_1009], %add3A_995 {strides = array<i32>} : memref<16x4x128xf32, #tpu.memory_space<vmem>>, vector<16xf32>,
        %mul3A_1011 = arith.mulf %add3A_977, %add3A_977 : vector<16xf32>
        %mul3A_1012 = arith.mulf %add3A_986, %add3A_986 : vector<16xf32>
        %add3A_1013 = arith.addf %mul3A_1011, %mul3A_1012 : vector<16xf32>
        %mul3A_1014 = arith.mulf %add3A_995, %add3A_995 : vector<16xf32>
        %add3A_1015 = arith.addf %add3A_1013, %mul3A_1014 : vector<16xf32>
        %bitcast3A_1016 = vector.bitcast %add3A_1015 : vector<16xf32> to vector<16xi32>
        %broadcast_in_dim3A_1017 = arith.constant 1597463007 : i32
        %broadcast_in_dim3A_1018 = vector.broadcast %broadcast_in_dim3A_1017 : i32 to vector<16xi32>
        %shift_right_logical3A_1019 = arith.constant 1 : i32
        %shift_right_logical3A_1020 = vector.broadcast %shift_right_logical3A_1019 : i32 to vector<16xi32>
        %shift_right_logical3A_1021 = arith.shrui %bitcast3A_1016, %shift_right_logical3A_1020 : vector<16xi32>
        %sub3A_1022 = arith.subi %broadcast_in_dim3A_1018, %shift_right_logical3A_1021 : vector<16xi32>
        %bitcast3A_1023 = vector.bitcast %sub3A_1022 : vector<16xi32> to vector<16xf32>
        %mul3A_1024 = arith.constant 5.000000e-01 : f32
        %mul3A_1025 = vector.broadcast %mul3A_1024 : f32 to vector<16xf32>
        %mul3A_1026 = arith.mulf %add3A_1015, %mul3A_1025 : vector<16xf32>
        %mul3A_1027 = arith.mulf %mul3A_1026, %bitcast3A_1023 : vector<16xf32>
        %mul3A_1028 = arith.mulf %mul3A_1027, %bitcast3A_1023 : vector<16xf32>
        %sub3A_1029 = arith.constant 1.500000e+00 : f32
        %sub3A_1030 = vector.broadcast %sub3A_1029 : f32 to vector<16xf32>
        %sub3A_1031 = arith.subf %sub3A_1030, %mul3A_1028 : vector<16xf32>
        %mul3A_1032 = arith.mulf %bitcast3A_1023, %sub3A_1031 : vector<16xf32>
        %mul3A_1033 = arith.mulf %mul3A_1026, %mul3A_1032 : vector<16xf32>
        %mul3A_1034 = arith.mulf %mul3A_1033, %mul3A_1032 : vector<16xf32>
        %sub3A_1035 = arith.constant 1.500000e+00 : f32
        %sub3A_1036 = vector.broadcast %sub3A_1035 : f32 to vector<16xf32>
        %sub3A_1037 = arith.subf %sub3A_1036, %mul3A_1034 : vector<16xf32>
        %mul3A_1038 = arith.mulf %mul3A_1032, %sub3A_1037 : vector<16xf32>
        %mul3A_1039 = arith.mulf %mul3A_1026, %mul3A_1038 : vector<16xf32>
        %mul3A_1040 = arith.mulf %mul3A_1039, %mul3A_1038 : vector<16xf32>
        %sub3A_1041 = arith.constant 1.500000e+00 : f32
        %sub3A_1042 = vector.broadcast %sub3A_1041 : f32 to vector<16xf32>
        %sub3A_1043 = arith.subf %sub3A_1042, %mul3A_1040 : vector<16xf32>
        %mul3A_1044 = arith.mulf %mul3A_1038, %sub3A_1043 : vector<16xf32>
        %mul3A_1045 = arith.mulf %add3A_1015, %mul3A_1044 : vector<16xf32>
        %gt3A_1046 = arith.constant 0.000000e+00 : f32
        %gt3A_1047 = vector.broadcast %gt3A_1046 : f32 to vector<16xf32>
        %gt3A_1048 = arith.cmpf ogt, %add3A_1015, %gt3A_1047 : vector<16xf32>
        %jit3A_1049 = arith.constant 0.000000e+00 : f32
        %broadcast_in_dim3A_1050 = vector.broadcast %jit3A_1049 : f32 to vector<16xf32>
        %select_n3A_1051 = arith.select %gt3A_1048, %mul3A_1045, %broadcast_in_dim3A_1050 : vector<16xi1>, vector<16xf32>
        %swap3A_1052 = arith.index_cast %select_n3A_942 : i32 to index
        %swap3A_1053 = arith.index_cast %mul3A_960 : i32 to index
        %swap3A_1054 = tpu.vector_load %arg21[%swap3A_1052, %swap3A_1053] {strides = array<i32>} : memref<16x128xf32, #tpu.memory_space<vmem>>, vector<16xf32>,
        tpu.vector_store %arg21[%swap3A_1052, %swap3A_1053], %select_n3A_1051 {strides = array<i32>} : memref<16x128xf32, #tpu.memory_space<vmem>>, vector<16xf32>,
        %scan3A_1055 = arith.constant 7 : i32
        %scan3A_1056 = arith.addi %scan3A_103, %scan3A_1055 : i32
        %jit3A_1057 = arith.constant 8 : i32
        %div3A_1058 = arith.divsi %scan3A_1056, %jit3A_1057 : i32
        %sign3A_1059 = arith.constant 0 : i32
        %sign3A_1060 = arith.cmpi sgt, %scan3A_1056, %sign3A_1059 : i32
        %sign3A_1061 = arith.extui %sign3A_1060 : i1 to i32
        %sign3A_1062 = arith.constant 0 : i32
        %sign3A_1063 = arith.cmpi slt, %scan3A_1056, %sign3A_1062 : i32
        %sign3A_1064 = arith.extui %sign3A_1063 : i1 to i32
        %sign3A_1065 = arith.subi %sign3A_1061, %sign3A_1064 : i32
        %sign3A_1066 = arith.constant 0 : i32
        %sign3A_1067 = arith.cmpi sgt, %jit3A_1057, %sign3A_1066 : i32
        %sign3A_1068 = arith.extui %sign3A_1067 : i1 to i32
        %sign3A_1069 = arith.constant 0 : i32
        %sign3A_1070 = arith.cmpi slt, %jit3A_1057, %sign3A_1069 : i32
        %sign3A_1071 = arith.extui %sign3A_1070 : i1 to i32
        %sign3A_1072 = arith.subi %sign3A_1068, %sign3A_1071 : i32
        %ne3A_1073 = arith.cmpi ne, %sign3A_1065, %sign3A_1072 : i32
        %rem3A_1074 = arith.remsi %scan3A_1056, %jit3A_1057 : i32
        %ne3A_1075 = arith.constant 0 : i32
        %ne3A_1076 = arith.cmpi ne, %rem3A_1074, %ne3A_1075 : i32
        %and3A_1077 = arith.andi %ne3A_1073, %ne3A_1076 : i1
        %sub3A_1078 = arith.constant 1 : i32
        %sub3A_1079 = arith.subi %div3A_1058, %sub3A_1078 : i32
        %select_n3A_1080 = arith.select %and3A_1077, %sub3A_1079, %div3A_1058 : i32
        %jit3A_1081 = arith.constant 8 : i32
        %eq3A_1082 = arith.constant 0 : i32
        %eq3A_1083 = arith.cmpi eq, %jit3A_1081, %eq3A_1082 : i32
        %jit3A_1084 = arith.constant 1 : i32
        %select_n3A_1085 = arith.select %eq3A_1083, %jit3A_1084, %jit3A_1081 : i32
        %rem3A_1086 = arith.remsi %scan3A_1056, %select_n3A_1085 : i32
        %ne3A_1087 = arith.constant 0 : i32
        %ne3A_1088 = arith.cmpi ne, %rem3A_1086, %ne3A_1087 : i32
        %lt3A_1089 = arith.constant 0 : i32
        %lt3A_1090 = arith.cmpi slt, %rem3A_1086, %lt3A_1089 : i32
        %lt3A_1091 = arith.constant 0 : i32
        %lt3A_1092 = arith.cmpi slt, %select_n3A_1085, %lt3A_1091 : i32
        %ne3A_1093 = arith.xori %lt3A_1090, %lt3A_1092 : i1
        %and3A_1094 = arith.andi %ne3A_1093, %ne3A_1088 : i1
        %add3A_1095 = arith.addi %rem3A_1086, %select_n3A_1085 : i32
        %select_n3A_1096 = arith.select %and3A_1094, %add3A_1095, %rem3A_1086 : i32
        %mul3A_1097 = arith.constant 16 : i32
        %mul3A_1098 = arith.muli %select_n3A_1096, %mul3A_1097 : i32
        %mul3A_1099 = arith.constant 256 : i32
        %mul3A_1100 = arith.muli %mul3A_1099, %select_n3A_1080 : i32
        %add3A_1101 = arith.addi %mul3A_1100, %mul3A_1098 : i32
        %add3A_1102 = vector.broadcast %add3A_1101 : i32 to vector<16xi32>
        %add3A_1103 = arith.addi %add3A_1102, %iota3A : vector<16xi32>
        %add3A_1104 = arith.constant 128 : i32
        %add3A_1105 = vector.broadcast %add3A_1104 : i32 to vector<16xi32>
        %add3A_1106 = arith.addi %add3A_1103, %add3A_1105 : vector<16xi32>
        %gather3A_1107 = tpu.vector_load_idx %arg15[%add3A_1106, %broadcast_in_dim3A_1] : memref<4096x8xf32, #tpu.memory_space<vmem>>[vector<16xi32>, vector<16xi32>], vector<16xf32>,
        %gather3A_1108 = tpu.vector_load_idx %arg15[%add3A_1103, %broadcast_in_dim3A_1] : memref<4096x8xf32, #tpu.memory_space<vmem>>[vector<16xi32>, vector<16xi32>], vector<16xf32>,
        %sub3A_1109 = arith.subf %gather3A_1107, %gather3A_1108 : vector<16xf32>
        %get3A_1110 = arith.constant 0 : i32
        %get3A_1111 = arith.index_cast %select_n3A_1080 : i32 to index
        %get3A_1112 = arith.index_cast %get3A_1110 : i32 to index
        %get3A_1113 = arith.index_cast %mul3A_1098 : i32 to index
        %get3A_1114 = tpu.vector_load %arg17[%get3A_1111, %get3A_1112, %get3A_1113] {strides = array<i32>} : memref<16x4x128xf32, #tpu.memory_space<vmem>>, vector<16xf32>,
        %add3A_1115 = arith.addf %sub3A_1109, %get3A_1114 : vector<16xf32>
        %gather3A_1116 = tpu.vector_load_idx %arg15[%add3A_1106, %broadcast_in_dim3A_3] : memref<4096x8xf32, #tpu.memory_space<vmem>>[vector<16xi32>, vector<16xi32>], vector<16xf32>,
        %gather3A_1117 = tpu.vector_load_idx %arg15[%add3A_1103, %broadcast_in_dim3A_3] : memref<4096x8xf32, #tpu.memory_space<vmem>>[vector<16xi32>, vector<16xi32>], vector<16xf32>,
        %sub3A_1118 = arith.subf %gather3A_1116, %gather3A_1117 : vector<16xf32>
        %get3A_1119 = arith.constant 1 : i32
        %get3A_1120 = arith.index_cast %select_n3A_1080 : i32 to index
        %get3A_1121 = arith.index_cast %get3A_1119 : i32 to index
        %get3A_1122 = arith.index_cast %mul3A_1098 : i32 to index
        %get3A_1123 = tpu.vector_load %arg17[%get3A_1120, %get3A_1121, %get3A_1122] {strides = array<i32>} : memref<16x4x128xf32, #tpu.memory_space<vmem>>, vector<16xf32>,
        %add3A_1124 = arith.addf %sub3A_1118, %get3A_1123 : vector<16xf32>
        %gather3A_1125 = tpu.vector_load_idx %arg15[%add3A_1106, %broadcast_in_dim3A_5] : memref<4096x8xf32, #tpu.memory_space<vmem>>[vector<16xi32>, vector<16xi32>], vector<16xf32>,
        %gather3A_1126 = tpu.vector_load_idx %arg15[%add3A_1103, %broadcast_in_dim3A_5] : memref<4096x8xf32, #tpu.memory_space<vmem>>[vector<16xi32>, vector<16xi32>], vector<16xf32>,
        %sub3A_1127 = arith.subf %gather3A_1125, %gather3A_1126 : vector<16xf32>
        %get3A_1128 = arith.constant 2 : i32
        %get3A_1129 = arith.index_cast %select_n3A_1080 : i32 to index
        %get3A_1130 = arith.index_cast %get3A_1128 : i32 to index
        %get3A_1131 = arith.index_cast %mul3A_1098 : i32 to index
        %get3A_1132 = tpu.vector_load %arg17[%get3A_1129, %get3A_1130, %get3A_1131] {strides = array<i32>} : memref<16x4x128xf32, #tpu.memory_space<vmem>>, vector<16xf32>,
        %add3A_1133 = arith.addf %sub3A_1127, %get3A_1132 : vector<16xf32>
        %swap3A_1134 = arith.constant 0 : i32
        %swap3A_1135 = arith.index_cast %select_n3A_1080 : i32 to index
        %swap3A_1136 = arith.index_cast %swap3A_1134 : i32 to index
        %swap3A_1137 = arith.index_cast %mul3A_1098 : i32 to index
        %swap3A_1138 = tpu.vector_load %arg19[%swap3A_1135, %swap3A_1136, %swap3A_1137] {strides = array<i32>} : memref<16x4x128xf32, #tpu.memory_space<vmem>>, vector<16xf32>,
        tpu.vector_store %arg19[%swap3A_1135, %swap3A_1136, %swap3A_1137], %add3A_1115 {strides = array<i32>} : memref<16x4x128xf32, #tpu.memory_space<vmem>>, vector<16xf32>,
        %swap3A_1139 = arith.constant 1 : i32
        %swap3A_1140 = arith.index_cast %select_n3A_1080 : i32 to index
        %swap3A_1141 = arith.index_cast %swap3A_1139 : i32 to index
        %swap3A_1142 = arith.index_cast %mul3A_1098 : i32 to index
        %swap3A_1143 = tpu.vector_load %arg19[%swap3A_1140, %swap3A_1141, %swap3A_1142] {strides = array<i32>} : memref<16x4x128xf32, #tpu.memory_space<vmem>>, vector<16xf32>,
        tpu.vector_store %arg19[%swap3A_1140, %swap3A_1141, %swap3A_1142], %add3A_1124 {strides = array<i32>} : memref<16x4x128xf32, #tpu.memory_space<vmem>>, vector<16xf32>,
        %swap3A_1144 = arith.constant 2 : i32
        %swap3A_1145 = arith.index_cast %select_n3A_1080 : i32 to index
        %swap3A_1146 = arith.index_cast %swap3A_1144 : i32 to index
        %swap3A_1147 = arith.index_cast %mul3A_1098 : i32 to index
        %swap3A_1148 = tpu.vector_load %arg19[%swap3A_1145, %swap3A_1146, %swap3A_1147] {strides = array<i32>} : memref<16x4x128xf32, #tpu.memory_space<vmem>>, vector<16xf32>,
        tpu.vector_store %arg19[%swap3A_1145, %swap3A_1146, %swap3A_1147], %add3A_1133 {strides = array<i32>} : memref<16x4x128xf32, #tpu.memory_space<vmem>>, vector<16xf32>,
        %mul3A_1149 = arith.mulf %add3A_1115, %add3A_1115 : vector<16xf32>
        %mul3A_1150 = arith.mulf %add3A_1124, %add3A_1124 : vector<16xf32>
        %add3A_1151 = arith.addf %mul3A_1149, %mul3A_1150 : vector<16xf32>
        %mul3A_1152 = arith.mulf %add3A_1133, %add3A_1133 : vector<16xf32>
        %add3A_1153 = arith.addf %add3A_1151, %mul3A_1152 : vector<16xf32>
        %bitcast3A_1154 = vector.bitcast %add3A_1153 : vector<16xf32> to vector<16xi32>
        %broadcast_in_dim3A_1155 = arith.constant 1597463007 : i32
        %broadcast_in_dim3A_1156 = vector.broadcast %broadcast_in_dim3A_1155 : i32 to vector<16xi32>
        %shift_right_logical3A_1157 = arith.constant 1 : i32
        %shift_right_logical3A_1158 = vector.broadcast %shift_right_logical3A_1157 : i32 to vector<16xi32>
        %shift_right_logical3A_1159 = arith.shrui %bitcast3A_1154, %shift_right_logical3A_1158 : vector<16xi32>
        %sub3A_1160 = arith.subi %broadcast_in_dim3A_1156, %shift_right_logical3A_1159 : vector<16xi32>
        %bitcast3A_1161 = vector.bitcast %sub3A_1160 : vector<16xi32> to vector<16xf32>
        %mul3A_1162 = arith.constant 5.000000e-01 : f32
        %mul3A_1163 = vector.broadcast %mul3A_1162 : f32 to vector<16xf32>
        %mul3A_1164 = arith.mulf %add3A_1153, %mul3A_1163 : vector<16xf32>
        %mul3A_1165 = arith.mulf %mul3A_1164, %bitcast3A_1161 : vector<16xf32>
        %mul3A_1166 = arith.mulf %mul3A_1165, %bitcast3A_1161 : vector<16xf32>
        %sub3A_1167 = arith.constant 1.500000e+00 : f32
        %sub3A_1168 = vector.broadcast %sub3A_1167 : f32 to vector<16xf32>
        %sub3A_1169 = arith.subf %sub3A_1168, %mul3A_1166 : vector<16xf32>
        %mul3A_1170 = arith.mulf %bitcast3A_1161, %sub3A_1169 : vector<16xf32>
        %mul3A_1171 = arith.mulf %mul3A_1164, %mul3A_1170 : vector<16xf32>
        %mul3A_1172 = arith.mulf %mul3A_1171, %mul3A_1170 : vector<16xf32>
        %sub3A_1173 = arith.constant 1.500000e+00 : f32
        %sub3A_1174 = vector.broadcast %sub3A_1173 : f32 to vector<16xf32>
        %sub3A_1175 = arith.subf %sub3A_1174, %mul3A_1172 : vector<16xf32>
        %mul3A_1176 = arith.mulf %mul3A_1170, %sub3A_1175 : vector<16xf32>
        %mul3A_1177 = arith.mulf %mul3A_1164, %mul3A_1176 : vector<16xf32>
        %mul3A_1178 = arith.mulf %mul3A_1177, %mul3A_1176 : vector<16xf32>
        %sub3A_1179 = arith.constant 1.500000e+00 : f32
        %sub3A_1180 = vector.broadcast %sub3A_1179 : f32 to vector<16xf32>
        %sub3A_1181 = arith.subf %sub3A_1180, %mul3A_1178 : vector<16xf32>
        %mul3A_1182 = arith.mulf %mul3A_1176, %sub3A_1181 : vector<16xf32>
        %mul3A_1183 = arith.mulf %add3A_1153, %mul3A_1182 : vector<16xf32>
        %gt3A_1184 = arith.constant 0.000000e+00 : f32
        %gt3A_1185 = vector.broadcast %gt3A_1184 : f32 to vector<16xf32>
        %gt3A_1186 = arith.cmpf ogt, %add3A_1153, %gt3A_1185 : vector<16xf32>
        %jit3A_1187 = arith.constant 0.000000e+00 : f32
        %broadcast_in_dim3A_1188 = vector.broadcast %jit3A_1187 : f32 to vector<16xf32>
        %select_n3A_1189 = arith.select %gt3A_1186, %mul3A_1183, %broadcast_in_dim3A_1188 : vector<16xi1>, vector<16xf32>
        %swap3A_1190 = arith.index_cast %select_n3A_1080 : i32 to index
        %swap3A_1191 = arith.index_cast %mul3A_1098 : i32 to index
        %swap3A_1192 = tpu.vector_load %arg21[%swap3A_1190, %swap3A_1191] {strides = array<i32>} : memref<16x128xf32, #tpu.memory_space<vmem>>, vector<16xf32>,
        tpu.vector_store %arg21[%swap3A_1190, %swap3A_1191], %select_n3A_1189 {strides = array<i32>} : memref<16x128xf32, #tpu.memory_space<vmem>>, vector<16xf32>,
      }
      %scan3A_80 = arith.constant 128 : i32
      %mul3A_81 = arith.constant 16 : i32
      %mul3A_82 = arith.muli %add3A_50, %mul3A_81 : i32
      %dma_start3A_83 = arith.constant 0 : i32
      %dma_start3A_84 = arith.constant 0 : i32
      %dma_start3A_85 = tpu.memref_slice %arg9[%mul3A_82, %dma_start3A_83, %dma_start3A_84] : memref<50000x4x128xf32, #tpu.memory_space<hbm>> -> memref<16x4x128xf32, #tpu.memory_space<hbm>>
      %dma_start3A_86 = arith.constant 0 : i32
      %dma_start3A_87 = arith.constant 0 : i32
      %dma_start3A_88 = tpu.memref_slice %arg9[%mul3A_82, %dma_start3A_86, %dma_start3A_87] : memref<50000x4x128xf32, #tpu.memory_space<hbm>> -> memref<16x4x128xf32, #tpu.memory_space<hbm>>
      tpu.enqueue_dma source(%arg19 : memref<16x4x128xf32, #tpu.memory_space<vmem>>) target(%dma_start3A_88 : memref<16x4x128xf32, #tpu.memory_space<hbm>>) target_semaphore(%arg31 : memref<!tpu.dma_semaphore, #tpu.memory_space<semaphore_mem>>)
      %dma_start3A_89 = arith.constant 0 : i32
      %dma_start3A_90 = tpu.memref_slice %arg10[%mul3A_82, %dma_start3A_89] : memref<50000x128xf32, #tpu.memory_space<hbm>> -> memref<16x128xf32, #tpu.memory_space<hbm>>
      %dma_start3A_91 = arith.constant 0 : i32
      %dma_start3A_92 = tpu.memref_slice %arg10[%mul3A_82, %dma_start3A_91] : memref<50000x128xf32, #tpu.memory_space<hbm>> -> memref<16x128xf32, #tpu.memory_space<hbm>>
      tpu.enqueue_dma source(%arg21 : memref<16x128xf32, #tpu.memory_space<vmem>>) target(%dma_start3A_92 : memref<16x128xf32, #tpu.memory_space<hbm>>) target_semaphore(%arg31 : memref<!tpu.dma_semaphore, #tpu.memory_space<semaphore_mem>>)
      %lt3A_93 = arith.constant 3125 : i32
      %lt3A_94 = arith.cmpi slt, %add3A_64, %lt3A_93 : i32
      %convert_element_type3A_95 = arith.extui %lt3A_94 : i1 to i32
      %cond3A_96 = arith.constant 0 : i32
      %cond3A_97 = arith.cmpi ne, %convert_element_type3A_95, %cond3A_96 : i32
      scf.if %cond3A_97 {
        %mul3A_103 = arith.constant 16 : i32
        %mul3A_104 = arith.muli %add3A_64, %mul3A_103 : i32
        %mul3A_105 = arith.constant 256 : i32
        %mul3A_106 = arith.muli %mul3A_104, %mul3A_105 : i32
        "tpu.region"() ({
          %run_scoped3A = tpu.sem_alloc : memref<!tpu.dma_semaphore, #tpu.memory_space<semaphore_mem>>
          %dma_start3A_110 = tpu.memref_slice %arg3[%mul3A_106] : memref<12800000xi32, #tpu.memory_space<hbm>> -> memref<4096xi32, #tpu.memory_space<hbm>>
          %dma_start3A_111 = tpu.memref_slice %arg3[%mul3A_106] : memref<12800000xi32, #tpu.memory_space<hbm>> -> memref<4096xi32, #tpu.memory_space<hbm>>
          tpu.enqueue_dma source(%dma_start3A_111 : memref<4096xi32, #tpu.memory_space<hbm>>) target(%arg13 : memref<4096xi32, #tpu.memory_space<vmem>>) target_semaphore(%run_scoped3A : memref<!tpu.dma_semaphore, #tpu.memory_space<semaphore_mem>>)
          %dma_wait3A_112 = tpu.memref_slice %arg3[%mul3A_106] : memref<12800000xi32, #tpu.memory_space<hbm>> -> memref<4096xi32, #tpu.memory_space<hbm>>
          %dma_wait3A_113 = tpu.memref_slice %arg3[%mul3A_106] : memref<12800000xi32, #tpu.memory_space<hbm>> -> memref<4096xi32, #tpu.memory_space<hbm>>
          tpu.wait_dma2 semaphore(%run_scoped3A : memref<!tpu.dma_semaphore, #tpu.memory_space<semaphore_mem>>) src(%dma_wait3A_113 : memref<4096xi32, #tpu.memory_space<hbm>>) dst(%arg13 : memref<4096xi32, #tpu.memory_space<vmem>>)
          tpu.yield
        }) : () -> ()
        %dma_start3A_107 = arith.constant 0 : i32
        %dma_start3A_108 = arith.constant 0 : i32
        %dma_start3A_109 = tpu.memref_slice %arg2[%dma_start3A_107, %dma_start3A_108] : memref<100000x8xf32, #tpu.memory_space<hbm>> -> memref<100000x8xf32, #tpu.memory_space<hbm>>
        tpu.enqueue_indirect_dma source(%dma_start3A_109 : memref<100000x8xf32, #tpu.memory_space<hbm>>) target(%arg15 : memref<4096x8xf32, #tpu.memory_space<vmem>>) offsets(%arg13 : memref<4096xi32, #tpu.memory_space<vmem>>) semaphore(%arg29 : memref<!tpu.dma_semaphore, #tpu.memory_space<semaphore_mem>>)
        "tpu.region"() ({
          %run_scoped3A = tpu.sem_alloc : memref<!tpu.dma_semaphore, #tpu.memory_space<semaphore_mem>>
          %dma_start3A_110 = arith.constant 0 : i32
          %dma_start3A_111 = arith.constant 0 : i32
          %dma_start3A_112 = tpu.memref_slice %arg4[%mul3A_104, %dma_start3A_110, %dma_start3A_111] : memref<50000x4x128xf32, #tpu.memory_space<hbm>> -> memref<16x4x128xf32, #tpu.memory_space<hbm>>
          %dma_start3A_113 = arith.constant 0 : i32
          %dma_start3A_114 = arith.constant 0 : i32
          %dma_start3A_115 = tpu.memref_slice %arg4[%mul3A_104, %dma_start3A_113, %dma_start3A_114] : memref<50000x4x128xf32, #tpu.memory_space<hbm>> -> memref<16x4x128xf32, #tpu.memory_space<hbm>>
          tpu.enqueue_dma source(%dma_start3A_115 : memref<16x4x128xf32, #tpu.memory_space<hbm>>) target(%arg17 : memref<16x4x128xf32, #tpu.memory_space<vmem>>) target_semaphore(%run_scoped3A : memref<!tpu.dma_semaphore, #tpu.memory_space<semaphore_mem>>)
          %dma_wait3A_116 = arith.constant 0 : i32
          %dma_wait3A_117 = arith.constant 0 : i32
          %dma_wait3A_118 = tpu.memref_slice %arg4[%mul3A_104, %dma_wait3A_116, %dma_wait3A_117] : memref<50000x4x128xf32, #tpu.memory_space<hbm>> -> memref<16x4x128xf32, #tpu.memory_space<hbm>>
          %dma_wait3A_119 = arith.constant 0 : i32
          %dma_wait3A_120 = arith.constant 0 : i32
          %dma_wait3A_121 = tpu.memref_slice %arg4[%mul3A_104, %dma_wait3A_119, %dma_wait3A_120] : memref<50000x4x128xf32, #tpu.memory_space<hbm>> -> memref<16x4x128xf32, #tpu.memory_space<hbm>>
          tpu.wait_dma2 semaphore(%run_scoped3A : memref<!tpu.dma_semaphore, #tpu.memory_space<semaphore_mem>>) src(%dma_wait3A_121 : memref<16x4x128xf32, #tpu.memory_space<hbm>>) dst(%arg17 : memref<16x4x128xf32, #tpu.memory_space<vmem>>)
          tpu.yield
        }) : () -> ()
      } else {
      }
      %lt3A_98 = arith.constant 3125 : i32
      %lt3A_99 = arith.cmpi slt, %add3A_57, %lt3A_98 : i32
      %convert_element_type3A_100 = arith.extui %lt3A_99 : i1 to i32
      %cond3A_101 = arith.constant 0 : i32
      %cond3A_102 = arith.cmpi ne, %convert_element_type3A_100, %cond3A_101 : i32
      scf.if %cond3A_102 {
        %dma_wait3A_103 = arith.constant 0 : i32
        %dma_wait3A_104 = arith.constant 0 : i32
        %dma_wait3A_105 = tpu.memref_slice %arg2[%dma_wait3A_103, %dma_wait3A_104] : memref<100000x8xf32, #tpu.memory_space<hbm>> -> memref<100000x8xf32, #tpu.memory_space<hbm>>
        tpu.wait_indirect_dma semaphore(%arg30 : memref<!tpu.dma_semaphore, #tpu.memory_space<semaphore_mem>>) src(%dma_wait3A_105 : memref<100000x8xf32, #tpu.memory_space<hbm>>) dst(%arg16 : memref<4096x8xf32, #tpu.memory_space<vmem>>)
        %gt3A_106 = arith.constant 0 : i32
        %gt3A_107 = arith.cmpi sgt, %scan3A_45, %gt3A_106 : i32
        %convert_element_type3A_108 = arith.extui %gt3A_107 : i1 to i32
        %cond3A_109 = arith.constant 0 : i32
        %cond3A_110 = arith.cmpi ne, %convert_element_type3A_108, %cond3A_109 : i32
        scf.if %cond3A_110 {
          %dma_wait3A_128 = arith.constant 0 : i32
          %dma_wait3A_129 = arith.constant 0 : i32
          %dma_wait3A_130 = arith.constant 0 : i32
          %dma_wait3A_131 = tpu.memref_slice %arg9[%dma_wait3A_128, %dma_wait3A_129, %dma_wait3A_130] : memref<50000x4x128xf32, #tpu.memory_space<hbm>> -> memref<16x4x128xf32, #tpu.memory_space<hbm>>
          %dma_wait3A_132 = arith.constant 0 : i32
          %dma_wait3A_133 = arith.constant 0 : i32
          %dma_wait3A_134 = arith.constant 0 : i32
          %dma_wait3A_135 = tpu.memref_slice %arg9[%dma_wait3A_132, %dma_wait3A_133, %dma_wait3A_134] : memref<50000x4x128xf32, #tpu.memory_space<hbm>> -> memref<16x4x128xf32, #tpu.memory_space<hbm>>
          tpu.wait_dma2 semaphore(%arg32 : memref<!tpu.dma_semaphore, #tpu.memory_space<semaphore_mem>>) src(%arg20 : memref<16x4x128xf32, #tpu.memory_space<vmem>>) dst(%dma_wait3A_135 : memref<16x4x128xf32, #tpu.memory_space<hbm>>)
          %dma_wait3A_136 = arith.constant 0 : i32
          %dma_wait3A_137 = arith.constant 0 : i32
          %dma_wait3A_138 = tpu.memref_slice %arg10[%dma_wait3A_136, %dma_wait3A_137] : memref<50000x128xf32, #tpu.memory_space<hbm>> -> memref<16x128xf32, #tpu.memory_space<hbm>>
          %dma_wait3A_139 = arith.constant 0 : i32
          %dma_wait3A_140 = arith.constant 0 : i32
          %dma_wait3A_141 = tpu.memref_slice %arg10[%dma_wait3A_139, %dma_wait3A_140] : memref<50000x128xf32, #tpu.memory_space<hbm>> -> memref<16x128xf32, #tpu.memory_space<hbm>>
          tpu.wait_dma2 semaphore(%arg32 : memref<!tpu.dma_semaphore, #tpu.memory_space<semaphore_mem>>) src(%arg22 : memref<16x128xf32, #tpu.memory_space<vmem>>) dst(%dma_wait3A_141 : memref<16x128xf32, #tpu.memory_space<hbm>>)
        } else {
        }
        %scan3A_111 = arith.constant 0 : i32
        %scan3A_112 = arith.constant 128 : i32
        %scan3A_113 = arith.addi %scan3A_111, %scan3A_112 : i32
        %scan3A_114 = arith.constant 8 : i32
        scf.for %scan3A_128 = %scan3A_111 to %scan3A_113 step %scan3A_114  : i32 {
          %jit3A = arith.constant 8 : i32
          %div3A = arith.divsi %scan3A_128, %jit3A : i32
          %sign3A = arith.constant 0 : i32
          %sign3A_129 = arith.cmpi sgt, %scan3A_128, %sign3A : i32
          %sign3A_130 = arith.extui %sign3A_129 : i1 to i32
          %sign3A_131 = arith.constant 0 : i32
          %sign3A_132 = arith.cmpi slt, %scan3A_128, %sign3A_131 : i32
          %sign3A_133 = arith.extui %sign3A_132 : i1 to i32
          %sign3A_134 = arith.subi %sign3A_130, %sign3A_133 : i32
          %sign3A_135 = arith.constant 0 : i32
          %sign3A_136 = arith.cmpi sgt, %jit3A, %sign3A_135 : i32
          %sign3A_137 = arith.extui %sign3A_136 : i1 to i32
          %sign3A_138 = arith.constant 0 : i32
          %sign3A_139 = arith.cmpi slt, %jit3A, %sign3A_138 : i32
          %sign3A_140 = arith.extui %sign3A_139 : i1 to i32
          %sign3A_141 = arith.subi %sign3A_137, %sign3A_140 : i32
          %ne3A = arith.cmpi ne, %sign3A_134, %sign3A_141 : i32
          %rem3A = arith.remsi %scan3A_128, %jit3A : i32
          %ne3A_142 = arith.constant 0 : i32
          %ne3A_143 = arith.cmpi ne, %rem3A, %ne3A_142 : i32
          %and3A = arith.andi %ne3A, %ne3A_143 : i1
          %sub3A = arith.constant 1 : i32
          %sub3A_144 = arith.subi %div3A, %sub3A : i32
          %select_n3A = arith.select %and3A, %sub3A_144, %div3A : i32
          %jit3A_145 = arith.constant 8 : i32
          %eq3A_146 = arith.constant 0 : i32
          %eq3A_147 = arith.cmpi eq, %jit3A_145, %eq3A_146 : i32
          %jit3A_148 = arith.constant 1 : i32
          %select_n3A_149 = arith.select %eq3A_147, %jit3A_148, %jit3A_145 : i32
          %rem3A_150 = arith.remsi %scan3A_128, %select_n3A_149 : i32
          %ne3A_151 = arith.constant 0 : i32
          %ne3A_152 = arith.cmpi ne, %rem3A_150, %ne3A_151 : i32
          %lt3A_153 = arith.constant 0 : i32
          %lt3A_154 = arith.cmpi slt, %rem3A_150, %lt3A_153 : i32
          %lt3A_155 = arith.constant 0 : i32
          %lt3A_156 = arith.cmpi slt, %select_n3A_149, %lt3A_155 : i32
          %ne3A_157 = arith.xori %lt3A_154, %lt3A_156 : i1
          %and3A_158 = arith.andi %ne3A_157, %ne3A_152 : i1
          %add3A_159 = arith.addi %rem3A_150, %select_n3A_149 : i32
          %select_n3A_160 = arith.select %and3A_158, %add3A_159, %rem3A_150 : i32
          %mul3A_161 = arith.constant 16 : i32
          %mul3A_162 = arith.muli %select_n3A_160, %mul3A_161 : i32
          %mul3A_163 = arith.constant 256 : i32
          %mul3A_164 = arith.muli %mul3A_163, %select_n3A : i32
          %add3A_165 = arith.addi %mul3A_164, %mul3A_162 : i32
          %add3A_166 = vector.broadcast %add3A_165 : i32 to vector<16xi32>
          %add3A_167 = arith.addi %add3A_166, %iota3A : vector<16xi32>
          %add3A_168 = arith.constant 128 : i32
          %add3A_169 = vector.broadcast %add3A_168 : i32 to vector<16xi32>
          %add3A_170 = arith.addi %add3A_167, %add3A_169 : vector<16xi32>
          %gather3A = tpu.vector_load_idx %arg16[%add3A_170, %broadcast_in_dim3A_1] : memref<4096x8xf32, #tpu.memory_space<vmem>>[vector<16xi32>, vector<16xi32>], vector<16xf32>,
          %gather3A_171 = tpu.vector_load_idx %arg16[%add3A_167, %broadcast_in_dim3A_1] : memref<4096x8xf32, #tpu.memory_space<vmem>>[vector<16xi32>, vector<16xi32>], vector<16xf32>,
          %sub3A_172 = arith.subf %gather3A, %gather3A_171 : vector<16xf32>
          %get3A = arith.constant 0 : i32
          %get3A_173 = arith.index_cast %select_n3A : i32 to index
          %get3A_174 = arith.index_cast %get3A : i32 to index
          %get3A_175 = arith.index_cast %mul3A_162 : i32 to index
          %get3A_176 = tpu.vector_load %arg18[%get3A_173, %get3A_174, %get3A_175] {strides = array<i32>} : memref<16x4x128xf32, #tpu.memory_space<vmem>>, vector<16xf32>,
          %add3A_177 = arith.addf %sub3A_172, %get3A_176 : vector<16xf32>
          %gather3A_178 = tpu.vector_load_idx %arg16[%add3A_170, %broadcast_in_dim3A_3] : memref<4096x8xf32, #tpu.memory_space<vmem>>[vector<16xi32>, vector<16xi32>], vector<16xf32>,
          %gather3A_179 = tpu.vector_load_idx %arg16[%add3A_167, %broadcast_in_dim3A_3] : memref<4096x8xf32, #tpu.memory_space<vmem>>[vector<16xi32>, vector<16xi32>], vector<16xf32>,
          %sub3A_180 = arith.subf %gather3A_178, %gather3A_179 : vector<16xf32>
          %get3A_181 = arith.constant 1 : i32
          %get3A_182 = arith.index_cast %select_n3A : i32 to index
          %get3A_183 = arith.index_cast %get3A_181 : i32 to index
          %get3A_184 = arith.index_cast %mul3A_162 : i32 to index
          %get3A_185 = tpu.vector_load %arg18[%get3A_182, %get3A_183, %get3A_184] {strides = array<i32>} : memref<16x4x128xf32, #tpu.memory_space<vmem>>, vector<16xf32>,
          %add3A_186 = arith.addf %sub3A_180, %get3A_185 : vector<16xf32>
          %gather3A_187 = tpu.vector_load_idx %arg16[%add3A_170, %broadcast_in_dim3A_5] : memref<4096x8xf32, #tpu.memory_space<vmem>>[vector<16xi32>, vector<16xi32>], vector<16xf32>,
          %gather3A_188 = tpu.vector_load_idx %arg16[%add3A_167, %broadcast_in_dim3A_5] : memref<4096x8xf32, #tpu.memory_space<vmem>>[vector<16xi32>, vector<16xi32>], vector<16xf32>,
          %sub3A_189 = arith.subf %gather3A_187, %gather3A_188 : vector<16xf32>
          %get3A_190 = arith.constant 2 : i32
          %get3A_191 = arith.index_cast %select_n3A : i32 to index
          %get3A_192 = arith.index_cast %get3A_190 : i32 to index
          %get3A_193 = arith.index_cast %mul3A_162 : i32 to index
          %get3A_194 = tpu.vector_load %arg18[%get3A_191, %get3A_192, %get3A_193] {strides = array<i32>} : memref<16x4x128xf32, #tpu.memory_space<vmem>>, vector<16xf32>,
          %add3A_195 = arith.addf %sub3A_189, %get3A_194 : vector<16xf32>
          %swap3A = arith.constant 0 : i32
          %swap3A_196 = arith.index_cast %select_n3A : i32 to index
          %swap3A_197 = arith.index_cast %swap3A : i32 to index
          %swap3A_198 = arith.index_cast %mul3A_162 : i32 to index
          %swap3A_199 = tpu.vector_load %arg20[%swap3A_196, %swap3A_197, %swap3A_198] {strides = array<i32>} : memref<16x4x128xf32, #tpu.memory_space<vmem>>, vector<16xf32>,
          tpu.vector_store %arg20[%swap3A_196, %swap3A_197, %swap3A_198], %add3A_177 {strides = array<i32>} : memref<16x4x128xf32, #tpu.memory_space<vmem>>, vector<16xf32>,
          %swap3A_200 = arith.constant 1 : i32
          %swap3A_201 = arith.index_cast %select_n3A : i32 to index
          %swap3A_202 = arith.index_cast %swap3A_200 : i32 to index
          %swap3A_203 = arith.index_cast %mul3A_162 : i32 to index
          %swap3A_204 = tpu.vector_load %arg20[%swap3A_201, %swap3A_202, %swap3A_203] {strides = array<i32>} : memref<16x4x128xf32, #tpu.memory_space<vmem>>, vector<16xf32>,
          tpu.vector_store %arg20[%swap3A_201, %swap3A_202, %swap3A_203], %add3A_186 {strides = array<i32>} : memref<16x4x128xf32, #tpu.memory_space<vmem>>, vector<16xf32>,
          %swap3A_205 = arith.constant 2 : i32
          %swap3A_206 = arith.index_cast %select_n3A : i32 to index
          %swap3A_207 = arith.index_cast %swap3A_205 : i32 to index
          %swap3A_208 = arith.index_cast %mul3A_162 : i32 to index
          %swap3A_209 = tpu.vector_load %arg20[%swap3A_206, %swap3A_207, %swap3A_208] {strides = array<i32>} : memref<16x4x128xf32, #tpu.memory_space<vmem>>, vector<16xf32>,
          tpu.vector_store %arg20[%swap3A_206, %swap3A_207, %swap3A_208], %add3A_195 {strides = array<i32>} : memref<16x4x128xf32, #tpu.memory_space<vmem>>, vector<16xf32>,
          %mul3A_210 = arith.mulf %add3A_177, %add3A_177 : vector<16xf32>
          %mul3A_211 = arith.mulf %add3A_186, %add3A_186 : vector<16xf32>
          %add3A_212 = arith.addf %mul3A_210, %mul3A_211 : vector<16xf32>
          %mul3A_213 = arith.mulf %add3A_195, %add3A_195 : vector<16xf32>
          %add3A_214 = arith.addf %add3A_212, %mul3A_213 : vector<16xf32>
          %bitcast3A = vector.bitcast %add3A_214 : vector<16xf32> to vector<16xi32>
          %broadcast_in_dim3A_215 = arith.constant 1597463007 : i32
          %broadcast_in_dim3A_216 = vector.broadcast %broadcast_in_dim3A_215 : i32 to vector<16xi32>
          %shift_right_logical3A = arith.constant 1 : i32
          %shift_right_logical3A_217 = vector.broadcast %shift_right_logical3A : i32 to vector<16xi32>
          %shift_right_logical3A_218 = arith.shrui %bitcast3A, %shift_right_logical3A_217 : vector<16xi32>
          %sub3A_219 = arith.subi %broadcast_in_dim3A_216, %shift_right_logical3A_218 : vector<16xi32>
          %bitcast3A_220 = vector.bitcast %sub3A_219 : vector<16xi32> to vector<16xf32>
          %mul3A_221 = arith.constant 5.000000e-01 : f32
          %mul3A_222 = vector.broadcast %mul3A_221 : f32 to vector<16xf32>
          %mul3A_223 = arith.mulf %add3A_214, %mul3A_222 : vector<16xf32>
          %mul3A_224 = arith.mulf %mul3A_223, %bitcast3A_220 : vector<16xf32>
          %mul3A_225 = arith.mulf %mul3A_224, %bitcast3A_220 : vector<16xf32>
          %sub3A_226 = arith.constant 1.500000e+00 : f32
          %sub3A_227 = vector.broadcast %sub3A_226 : f32 to vector<16xf32>
          %sub3A_228 = arith.subf %sub3A_227, %mul3A_225 : vector<16xf32>
          %mul3A_229 = arith.mulf %bitcast3A_220, %sub3A_228 : vector<16xf32>
          %mul3A_230 = arith.mulf %mul3A_223, %mul3A_229 : vector<16xf32>
          %mul3A_231 = arith.mulf %mul3A_230, %mul3A_229 : vector<16xf32>
          %sub3A_232 = arith.constant 1.500000e+00 : f32
          %sub3A_233 = vector.broadcast %sub3A_232 : f32 to vector<16xf32>
          %sub3A_234 = arith.subf %sub3A_233, %mul3A_231 : vector<16xf32>
          %mul3A_235 = arith.mulf %mul3A_229, %sub3A_234 : vector<16xf32>
          %mul3A_236 = arith.mulf %mul3A_223, %mul3A_235 : vector<16xf32>
          %mul3A_237 = arith.mulf %mul3A_236, %mul3A_235 : vector<16xf32>
          %sub3A_238 = arith.constant 1.500000e+00 : f32
          %sub3A_239 = vector.broadcast %sub3A_238 : f32 to vector<16xf32>
          %sub3A_240 = arith.subf %sub3A_239, %mul3A_237 : vector<16xf32>
          %mul3A_241 = arith.mulf %mul3A_235, %sub3A_240 : vector<16xf32>
          %mul3A_242 = arith.mulf %add3A_214, %mul3A_241 : vector<16xf32>
          %gt3A_243 = arith.constant 0.000000e+00 : f32
          %gt3A_244 = vector.broadcast %gt3A_243 : f32 to vector<16xf32>
          %gt3A_245 = arith.cmpf ogt, %add3A_214, %gt3A_244 : vector<16xf32>
          %jit3A_246 = arith.constant 0.000000e+00 : f32
          %broadcast_in_dim3A_247 = vector.broadcast %jit3A_246 : f32 to vector<16xf32>
          %select_n3A_248 = arith.select %gt3A_245, %mul3A_242, %broadcast_in_dim3A_247 : vector<16xi1>, vector<16xf32>
          %swap3A_249 = arith.index_cast %select_n3A : i32 to index
          %swap3A_250 = arith.index_cast %mul3A_162 : i32 to index
          %swap3A_251 = tpu.vector_load %arg22[%swap3A_249, %swap3A_250] {strides = array<i32>} : memref<16x128xf32, #tpu.memory_space<vmem>>, vector<16xf32>,
          tpu.vector_store %arg22[%swap3A_249, %swap3A_250], %select_n3A_248 {strides = array<i32>} : memref<16x128xf32, #tpu.memory_space<vmem>>, vector<16xf32>,
          %scan3A_252 = arith.constant 1 : i32
          %scan3A_253 = arith.addi %scan3A_128, %scan3A_252 : i32
          %jit3A_254 = arith.constant 8 : i32
          %div3A_255 = arith.divsi %scan3A_253, %jit3A_254 : i32
          %sign3A_256 = arith.constant 0 : i32
          %sign3A_257 = arith.cmpi sgt, %scan3A_253, %sign3A_256 : i32
          %sign3A_258 = arith.extui %sign3A_257 : i1 to i32
          %sign3A_259 = arith.constant 0 : i32
          %sign3A_260 = arith.cmpi slt, %scan3A_253, %sign3A_259 : i32
          %sign3A_261 = arith.extui %sign3A_260 : i1 to i32
          %sign3A_262 = arith.subi %sign3A_258, %sign3A_261 : i32
          %sign3A_263 = arith.constant 0 : i32
          %sign3A_264 = arith.cmpi sgt, %jit3A_254, %sign3A_263 : i32
          %sign3A_265 = arith.extui %sign3A_264 : i1 to i32
          %sign3A_266 = arith.constant 0 : i32
          %sign3A_267 = arith.cmpi slt, %jit3A_254, %sign3A_266 : i32
          %sign3A_268 = arith.extui %sign3A_267 : i1 to i32
          %sign3A_269 = arith.subi %sign3A_265, %sign3A_268 : i32
          %ne3A_270 = arith.cmpi ne, %sign3A_262, %sign3A_269 : i32
          %rem3A_271 = arith.remsi %scan3A_253, %jit3A_254 : i32
          %ne3A_272 = arith.constant 0 : i32
          %ne3A_273 = arith.cmpi ne, %rem3A_271, %ne3A_272 : i32
          %and3A_274 = arith.andi %ne3A_270, %ne3A_273 : i1
          %sub3A_275 = arith.constant 1 : i32
          %sub3A_276 = arith.subi %div3A_255, %sub3A_275 : i32
          %select_n3A_277 = arith.select %and3A_274, %sub3A_276, %div3A_255 : i32
          %jit3A_278 = arith.constant 8 : i32
          %eq3A_279 = arith.constant 0 : i32
          %eq3A_280 = arith.cmpi eq, %jit3A_278, %eq3A_279 : i32
          %jit3A_281 = arith.constant 1 : i32
          %select_n3A_282 = arith.select %eq3A_280, %jit3A_281, %jit3A_278 : i32
          %rem3A_283 = arith.remsi %scan3A_253, %select_n3A_282 : i32
          %ne3A_284 = arith.constant 0 : i32
          %ne3A_285 = arith.cmpi ne, %rem3A_283, %ne3A_284 : i32
          %lt3A_286 = arith.constant 0 : i32
          %lt3A_287 = arith.cmpi slt, %rem3A_283, %lt3A_286 : i32
          %lt3A_288 = arith.constant 0 : i32
          %lt3A_289 = arith.cmpi slt, %select_n3A_282, %lt3A_288 : i32
          %ne3A_290 = arith.xori %lt3A_287, %lt3A_289 : i1
          %and3A_291 = arith.andi %ne3A_290, %ne3A_285 : i1
          %add3A_292 = arith.addi %rem3A_283, %select_n3A_282 : i32
          %select_n3A_293 = arith.select %and3A_291, %add3A_292, %rem3A_283 : i32
          %mul3A_294 = arith.constant 16 : i32
          %mul3A_295 = arith.muli %select_n3A_293, %mul3A_294 : i32
          %mul3A_296 = arith.constant 256 : i32
          %mul3A_297 = arith.muli %mul3A_296, %select_n3A_277 : i32
          %add3A_298 = arith.addi %mul3A_297, %mul3A_295 : i32
          %add3A_299 = vector.broadcast %add3A_298 : i32 to vector<16xi32>
          %add3A_300 = arith.addi %add3A_299, %iota3A : vector<16xi32>
          %add3A_301 = arith.constant 128 : i32
          %add3A_302 = vector.broadcast %add3A_301 : i32 to vector<16xi32>
          %add3A_303 = arith.addi %add3A_300, %add3A_302 : vector<16xi32>
          %gather3A_304 = tpu.vector_load_idx %arg16[%add3A_303, %broadcast_in_dim3A_1] : memref<4096x8xf32, #tpu.memory_space<vmem>>[vector<16xi32>, vector<16xi32>], vector<16xf32>,
          %gather3A_305 = tpu.vector_load_idx %arg16[%add3A_300, %broadcast_in_dim3A_1] : memref<4096x8xf32, #tpu.memory_space<vmem>>[vector<16xi32>, vector<16xi32>], vector<16xf32>,
          %sub3A_306 = arith.subf %gather3A_304, %gather3A_305 : vector<16xf32>
          %get3A_307 = arith.constant 0 : i32
          %get3A_308 = arith.index_cast %select_n3A_277 : i32 to index
          %get3A_309 = arith.index_cast %get3A_307 : i32 to index
          %get3A_310 = arith.index_cast %mul3A_295 : i32 to index
          %get3A_311 = tpu.vector_load %arg18[%get3A_308, %get3A_309, %get3A_310] {strides = array<i32>} : memref<16x4x128xf32, #tpu.memory_space<vmem>>, vector<16xf32>,
          %add3A_312 = arith.addf %sub3A_306, %get3A_311 : vector<16xf32>
          %gather3A_313 = tpu.vector_load_idx %arg16[%add3A_303, %broadcast_in_dim3A_3] : memref<4096x8xf32, #tpu.memory_space<vmem>>[vector<16xi32>, vector<16xi32>], vector<16xf32>,
          %gather3A_314 = tpu.vector_load_idx %arg16[%add3A_300, %broadcast_in_dim3A_3] : memref<4096x8xf32, #tpu.memory_space<vmem>>[vector<16xi32>, vector<16xi32>], vector<16xf32>,
          %sub3A_315 = arith.subf %gather3A_313, %gather3A_314 : vector<16xf32>
          %get3A_316 = arith.constant 1 : i32
          %get3A_317 = arith.index_cast %select_n3A_277 : i32 to index
          %get3A_318 = arith.index_cast %get3A_316 : i32 to index
          %get3A_319 = arith.index_cast %mul3A_295 : i32 to index
          %get3A_320 = tpu.vector_load %arg18[%get3A_317, %get3A_318, %get3A_319] {strides = array<i32>} : memref<16x4x128xf32, #tpu.memory_space<vmem>>, vector<16xf32>,
          %add3A_321 = arith.addf %sub3A_315, %get3A_320 : vector<16xf32>
          %gather3A_322 = tpu.vector_load_idx %arg16[%add3A_303, %broadcast_in_dim3A_5] : memref<4096x8xf32, #tpu.memory_space<vmem>>[vector<16xi32>, vector<16xi32>], vector<16xf32>,
          %gather3A_323 = tpu.vector_load_idx %arg16[%add3A_300, %broadcast_in_dim3A_5] : memref<4096x8xf32, #tpu.memory_space<vmem>>[vector<16xi32>, vector<16xi32>], vector<16xf32>,
          %sub3A_324 = arith.subf %gather3A_322, %gather3A_323 : vector<16xf32>
          %get3A_325 = arith.constant 2 : i32
          %get3A_326 = arith.index_cast %select_n3A_277 : i32 to index
          %get3A_327 = arith.index_cast %get3A_325 : i32 to index
          %get3A_328 = arith.index_cast %mul3A_295 : i32 to index
          %get3A_329 = tpu.vector_load %arg18[%get3A_326, %get3A_327, %get3A_328] {strides = array<i32>} : memref<16x4x128xf32, #tpu.memory_space<vmem>>, vector<16xf32>,
          %add3A_330 = arith.addf %sub3A_324, %get3A_329 : vector<16xf32>
          %swap3A_331 = arith.constant 0 : i32
          %swap3A_332 = arith.index_cast %select_n3A_277 : i32 to index
          %swap3A_333 = arith.index_cast %swap3A_331 : i32 to index
          %swap3A_334 = arith.index_cast %mul3A_295 : i32 to index
          %swap3A_335 = tpu.vector_load %arg20[%swap3A_332, %swap3A_333, %swap3A_334] {strides = array<i32>} : memref<16x4x128xf32, #tpu.memory_space<vmem>>, vector<16xf32>,
          tpu.vector_store %arg20[%swap3A_332, %swap3A_333, %swap3A_334], %add3A_312 {strides = array<i32>} : memref<16x4x128xf32, #tpu.memory_space<vmem>>, vector<16xf32>,
          %swap3A_336 = arith.constant 1 : i32
          %swap3A_337 = arith.index_cast %select_n3A_277 : i32 to index
          %swap3A_338 = arith.index_cast %swap3A_336 : i32 to index
          %swap3A_339 = arith.index_cast %mul3A_295 : i32 to index
          %swap3A_340 = tpu.vector_load %arg20[%swap3A_337, %swap3A_338, %swap3A_339] {strides = array<i32>} : memref<16x4x128xf32, #tpu.memory_space<vmem>>, vector<16xf32>,
          tpu.vector_store %arg20[%swap3A_337, %swap3A_338, %swap3A_339], %add3A_321 {strides = array<i32>} : memref<16x4x128xf32, #tpu.memory_space<vmem>>, vector<16xf32>,
          %swap3A_341 = arith.constant 2 : i32
          %swap3A_342 = arith.index_cast %select_n3A_277 : i32 to index
          %swap3A_343 = arith.index_cast %swap3A_341 : i32 to index
          %swap3A_344 = arith.index_cast %mul3A_295 : i32 to index
          %swap3A_345 = tpu.vector_load %arg20[%swap3A_342, %swap3A_343, %swap3A_344] {strides = array<i32>} : memref<16x4x128xf32, #tpu.memory_space<vmem>>, vector<16xf32>,
          tpu.vector_store %arg20[%swap3A_342, %swap3A_343, %swap3A_344], %add3A_330 {strides = array<i32>} : memref<16x4x128xf32, #tpu.memory_space<vmem>>, vector<16xf32>,
          %mul3A_346 = arith.mulf %add3A_312, %add3A_312 : vector<16xf32>
          %mul3A_347 = arith.mulf %add3A_321, %add3A_321 : vector<16xf32>
          %add3A_348 = arith.addf %mul3A_346, %mul3A_347 : vector<16xf32>
          %mul3A_349 = arith.mulf %add3A_330, %add3A_330 : vector<16xf32>
          %add3A_350 = arith.addf %add3A_348, %mul3A_349 : vector<16xf32>
          %bitcast3A_351 = vector.bitcast %add3A_350 : vector<16xf32> to vector<16xi32>
          %broadcast_in_dim3A_352 = arith.constant 1597463007 : i32
          %broadcast_in_dim3A_353 = vector.broadcast %broadcast_in_dim3A_352 : i32 to vector<16xi32>
          %shift_right_logical3A_354 = arith.constant 1 : i32
          %shift_right_logical3A_355 = vector.broadcast %shift_right_logical3A_354 : i32 to vector<16xi32>
          %shift_right_logical3A_356 = arith.shrui %bitcast3A_351, %shift_right_logical3A_355 : vector<16xi32>
          %sub3A_357 = arith.subi %broadcast_in_dim3A_353, %shift_right_logical3A_356 : vector<16xi32>
          %bitcast3A_358 = vector.bitcast %sub3A_357 : vector<16xi32> to vector<16xf32>
          %mul3A_359 = arith.constant 5.000000e-01 : f32
          %mul3A_360 = vector.broadcast %mul3A_359 : f32 to vector<16xf32>
          %mul3A_361 = arith.mulf %add3A_350, %mul3A_360 : vector<16xf32>
          %mul3A_362 = arith.mulf %mul3A_361, %bitcast3A_358 : vector<16xf32>
          %mul3A_363 = arith.mulf %mul3A_362, %bitcast3A_358 : vector<16xf32>
          %sub3A_364 = arith.constant 1.500000e+00 : f32
          %sub3A_365 = vector.broadcast %sub3A_364 : f32 to vector<16xf32>
          %sub3A_366 = arith.subf %sub3A_365, %mul3A_363 : vector<16xf32>
          %mul3A_367 = arith.mulf %bitcast3A_358, %sub3A_366 : vector<16xf32>
          %mul3A_368 = arith.mulf %mul3A_361, %mul3A_367 : vector<16xf32>
          %mul3A_369 = arith.mulf %mul3A_368, %mul3A_367 : vector<16xf32>
          %sub3A_370 = arith.constant 1.500000e+00 : f32
          %sub3A_371 = vector.broadcast %sub3A_370 : f32 to vector<16xf32>
          %sub3A_372 = arith.subf %sub3A_371, %mul3A_369 : vector<16xf32>
          %mul3A_373 = arith.mulf %mul3A_367, %sub3A_372 : vector<16xf32>
          %mul3A_374 = arith.mulf %mul3A_361, %mul3A_373 : vector<16xf32>
          %mul3A_375 = arith.mulf %mul3A_374, %mul3A_373 : vector<16xf32>
          %sub3A_376 = arith.constant 1.500000e+00 : f32
          %sub3A_377 = vector.broadcast %sub3A_376 : f32 to vector<16xf32>
          %sub3A_378 = arith.subf %sub3A_377, %mul3A_375 : vector<16xf32>
          %mul3A_379 = arith.mulf %mul3A_373, %sub3A_378 : vector<16xf32>
          %mul3A_380 = arith.mulf %add3A_350, %mul3A_379 : vector<16xf32>
          %gt3A_381 = arith.constant 0.000000e+00 : f32
          %gt3A_382 = vector.broadcast %gt3A_381 : f32 to vector<16xf32>
          %gt3A_383 = arith.cmpf ogt, %add3A_350, %gt3A_382 : vector<16xf32>
          %jit3A_384 = arith.constant 0.000000e+00 : f32
          %broadcast_in_dim3A_385 = vector.broadcast %jit3A_384 : f32 to vector<16xf32>
          %select_n3A_386 = arith.select %gt3A_383, %mul3A_380, %broadcast_in_dim3A_385 : vector<16xi1>, vector<16xf32>
          %swap3A_387 = arith.index_cast %select_n3A_277 : i32 to index
          %swap3A_388 = arith.index_cast %mul3A_295 : i32 to index
          %swap3A_389 = tpu.vector_load %arg22[%swap3A_387, %swap3A_388] {strides = array<i32>} : memref<16x128xf32, #tpu.memory_space<vmem>>, vector<16xf32>,
          tpu.vector_store %arg22[%swap3A_387, %swap3A_388], %select_n3A_386 {strides = array<i32>} : memref<16x128xf32, #tpu.memory_space<vmem>>, vector<16xf32>,
          %scan3A_390 = arith.constant 2 : i32
          %scan3A_391 = arith.addi %scan3A_128, %scan3A_390 : i32
          %jit3A_392 = arith.constant 8 : i32
          %div3A_393 = arith.divsi %scan3A_391, %jit3A_392 : i32
          %sign3A_394 = arith.constant 0 : i32
          %sign3A_395 = arith.cmpi sgt, %scan3A_391, %sign3A_394 : i32
          %sign3A_396 = arith.extui %sign3A_395 : i1 to i32
          %sign3A_397 = arith.constant 0 : i32
          %sign3A_398 = arith.cmpi slt, %scan3A_391, %sign3A_397 : i32
          %sign3A_399 = arith.extui %sign3A_398 : i1 to i32
          %sign3A_400 = arith.subi %sign3A_396, %sign3A_399 : i32
          %sign3A_401 = arith.constant 0 : i32
          %sign3A_402 = arith.cmpi sgt, %jit3A_392, %sign3A_401 : i32
          %sign3A_403 = arith.extui %sign3A_402 : i1 to i32
          %sign3A_404 = arith.constant 0 : i32
          %sign3A_405 = arith.cmpi slt, %jit3A_392, %sign3A_404 : i32
          %sign3A_406 = arith.extui %sign3A_405 : i1 to i32
          %sign3A_407 = arith.subi %sign3A_403, %sign3A_406 : i32
          %ne3A_408 = arith.cmpi ne, %sign3A_400, %sign3A_407 : i32
          %rem3A_409 = arith.remsi %scan3A_391, %jit3A_392 : i32
          %ne3A_410 = arith.constant 0 : i32
          %ne3A_411 = arith.cmpi ne, %rem3A_409, %ne3A_410 : i32
          %and3A_412 = arith.andi %ne3A_408, %ne3A_411 : i1
          %sub3A_413 = arith.constant 1 : i32
          %sub3A_414 = arith.subi %div3A_393, %sub3A_413 : i32
          %select_n3A_415 = arith.select %and3A_412, %sub3A_414, %div3A_393 : i32
          %jit3A_416 = arith.constant 8 : i32
          %eq3A_417 = arith.constant 0 : i32
          %eq3A_418 = arith.cmpi eq, %jit3A_416, %eq3A_417 : i32
          %jit3A_419 = arith.constant 1 : i32
          %select_n3A_420 = arith.select %eq3A_418, %jit3A_419, %jit3A_416 : i32
          %rem3A_421 = arith.remsi %scan3A_391, %select_n3A_420 : i32
          %ne3A_422 = arith.constant 0 : i32
          %ne3A_423 = arith.cmpi ne, %rem3A_421, %ne3A_422 : i32
          %lt3A_424 = arith.constant 0 : i32
          %lt3A_425 = arith.cmpi slt, %rem3A_421, %lt3A_424 : i32
          %lt3A_426 = arith.constant 0 : i32
          %lt3A_427 = arith.cmpi slt, %select_n3A_420, %lt3A_426 : i32
          %ne3A_428 = arith.xori %lt3A_425, %lt3A_427 : i1
          %and3A_429 = arith.andi %ne3A_428, %ne3A_423 : i1
          %add3A_430 = arith.addi %rem3A_421, %select_n3A_420 : i32
          %select_n3A_431 = arith.select %and3A_429, %add3A_430, %rem3A_421 : i32
          %mul3A_432 = arith.constant 16 : i32
          %mul3A_433 = arith.muli %select_n3A_431, %mul3A_432 : i32
          %mul3A_434 = arith.constant 256 : i32
          %mul3A_435 = arith.muli %mul3A_434, %select_n3A_415 : i32
          %add3A_436 = arith.addi %mul3A_435, %mul3A_433 : i32
          %add3A_437 = vector.broadcast %add3A_436 : i32 to vector<16xi32>
          %add3A_438 = arith.addi %add3A_437, %iota3A : vector<16xi32>
          %add3A_439 = arith.constant 128 : i32
          %add3A_440 = vector.broadcast %add3A_439 : i32 to vector<16xi32>
          %add3A_441 = arith.addi %add3A_438, %add3A_440 : vector<16xi32>
          %gather3A_442 = tpu.vector_load_idx %arg16[%add3A_441, %broadcast_in_dim3A_1] : memref<4096x8xf32, #tpu.memory_space<vmem>>[vector<16xi32>, vector<16xi32>], vector<16xf32>,
          %gather3A_443 = tpu.vector_load_idx %arg16[%add3A_438, %broadcast_in_dim3A_1] : memref<4096x8xf32, #tpu.memory_space<vmem>>[vector<16xi32>, vector<16xi32>], vector<16xf32>,
          %sub3A_444 = arith.subf %gather3A_442, %gather3A_443 : vector<16xf32>
          %get3A_445 = arith.constant 0 : i32
          %get3A_446 = arith.index_cast %select_n3A_415 : i32 to index
          %get3A_447 = arith.index_cast %get3A_445 : i32 to index
          %get3A_448 = arith.index_cast %mul3A_433 : i32 to index
          %get3A_449 = tpu.vector_load %arg18[%get3A_446, %get3A_447, %get3A_448] {strides = array<i32>} : memref<16x4x128xf32, #tpu.memory_space<vmem>>, vector<16xf32>,
          %add3A_450 = arith.addf %sub3A_444, %get3A_449 : vector<16xf32>
          %gather3A_451 = tpu.vector_load_idx %arg16[%add3A_441, %broadcast_in_dim3A_3] : memref<4096x8xf32, #tpu.memory_space<vmem>>[vector<16xi32>, vector<16xi32>], vector<16xf32>,
          %gather3A_452 = tpu.vector_load_idx %arg16[%add3A_438, %broadcast_in_dim3A_3] : memref<4096x8xf32, #tpu.memory_space<vmem>>[vector<16xi32>, vector<16xi32>], vector<16xf32>,
          %sub3A_453 = arith.subf %gather3A_451, %gather3A_452 : vector<16xf32>
          %get3A_454 = arith.constant 1 : i32
          %get3A_455 = arith.index_cast %select_n3A_415 : i32 to index
          %get3A_456 = arith.index_cast %get3A_454 : i32 to index
          %get3A_457 = arith.index_cast %mul3A_433 : i32 to index
          %get3A_458 = tpu.vector_load %arg18[%get3A_455, %get3A_456, %get3A_457] {strides = array<i32>} : memref<16x4x128xf32, #tpu.memory_space<vmem>>, vector<16xf32>,
          %add3A_459 = arith.addf %sub3A_453, %get3A_458 : vector<16xf32>
          %gather3A_460 = tpu.vector_load_idx %arg16[%add3A_441, %broadcast_in_dim3A_5] : memref<4096x8xf32, #tpu.memory_space<vmem>>[vector<16xi32>, vector<16xi32>], vector<16xf32>,
          %gather3A_461 = tpu.vector_load_idx %arg16[%add3A_438, %broadcast_in_dim3A_5] : memref<4096x8xf32, #tpu.memory_space<vmem>>[vector<16xi32>, vector<16xi32>], vector<16xf32>,
          %sub3A_462 = arith.subf %gather3A_460, %gather3A_461 : vector<16xf32>
          %get3A_463 = arith.constant 2 : i32
          %get3A_464 = arith.index_cast %select_n3A_415 : i32 to index
          %get3A_465 = arith.index_cast %get3A_463 : i32 to index
          %get3A_466 = arith.index_cast %mul3A_433 : i32 to index
          %get3A_467 = tpu.vector_load %arg18[%get3A_464, %get3A_465, %get3A_466] {strides = array<i32>} : memref<16x4x128xf32, #tpu.memory_space<vmem>>, vector<16xf32>,
          %add3A_468 = arith.addf %sub3A_462, %get3A_467 : vector<16xf32>
          %swap3A_469 = arith.constant 0 : i32
          %swap3A_470 = arith.index_cast %select_n3A_415 : i32 to index
          %swap3A_471 = arith.index_cast %swap3A_469 : i32 to index
          %swap3A_472 = arith.index_cast %mul3A_433 : i32 to index
          %swap3A_473 = tpu.vector_load %arg20[%swap3A_470, %swap3A_471, %swap3A_472] {strides = array<i32>} : memref<16x4x128xf32, #tpu.memory_space<vmem>>, vector<16xf32>,
          tpu.vector_store %arg20[%swap3A_470, %swap3A_471, %swap3A_472], %add3A_450 {strides = array<i32>} : memref<16x4x128xf32, #tpu.memory_space<vmem>>, vector<16xf32>,
          %swap3A_474 = arith.constant 1 : i32
          %swap3A_475 = arith.index_cast %select_n3A_415 : i32 to index
          %swap3A_476 = arith.index_cast %swap3A_474 : i32 to index
          %swap3A_477 = arith.index_cast %mul3A_433 : i32 to index
          %swap3A_478 = tpu.vector_load %arg20[%swap3A_475, %swap3A_476, %swap3A_477] {strides = array<i32>} : memref<16x4x128xf32, #tpu.memory_space<vmem>>, vector<16xf32>,
          tpu.vector_store %arg20[%swap3A_475, %swap3A_476, %swap3A_477], %add3A_459 {strides = array<i32>} : memref<16x4x128xf32, #tpu.memory_space<vmem>>, vector<16xf32>,
          %swap3A_479 = arith.constant 2 : i32
          %swap3A_480 = arith.index_cast %select_n3A_415 : i32 to index
          %swap3A_481 = arith.index_cast %swap3A_479 : i32 to index
          %swap3A_482 = arith.index_cast %mul3A_433 : i32 to index
          %swap3A_483 = tpu.vector_load %arg20[%swap3A_480, %swap3A_481, %swap3A_482] {strides = array<i32>} : memref<16x4x128xf32, #tpu.memory_space<vmem>>, vector<16xf32>,
          tpu.vector_store %arg20[%swap3A_480, %swap3A_481, %swap3A_482], %add3A_468 {strides = array<i32>} : memref<16x4x128xf32, #tpu.memory_space<vmem>>, vector<16xf32>,
          %mul3A_484 = arith.mulf %add3A_450, %add3A_450 : vector<16xf32>
          %mul3A_485 = arith.mulf %add3A_459, %add3A_459 : vector<16xf32>
          %add3A_486 = arith.addf %mul3A_484, %mul3A_485 : vector<16xf32>
          %mul3A_487 = arith.mulf %add3A_468, %add3A_468 : vector<16xf32>
          %add3A_488 = arith.addf %add3A_486, %mul3A_487 : vector<16xf32>
          %bitcast3A_489 = vector.bitcast %add3A_488 : vector<16xf32> to vector<16xi32>
          %broadcast_in_dim3A_490 = arith.constant 1597463007 : i32
          %broadcast_in_dim3A_491 = vector.broadcast %broadcast_in_dim3A_490 : i32 to vector<16xi32>
          %shift_right_logical3A_492 = arith.constant 1 : i32
          %shift_right_logical3A_493 = vector.broadcast %shift_right_logical3A_492 : i32 to vector<16xi32>
          %shift_right_logical3A_494 = arith.shrui %bitcast3A_489, %shift_right_logical3A_493 : vector<16xi32>
          %sub3A_495 = arith.subi %broadcast_in_dim3A_491, %shift_right_logical3A_494 : vector<16xi32>
          %bitcast3A_496 = vector.bitcast %sub3A_495 : vector<16xi32> to vector<16xf32>
          %mul3A_497 = arith.constant 5.000000e-01 : f32
          %mul3A_498 = vector.broadcast %mul3A_497 : f32 to vector<16xf32>
          %mul3A_499 = arith.mulf %add3A_488, %mul3A_498 : vector<16xf32>
          %mul3A_500 = arith.mulf %mul3A_499, %bitcast3A_496 : vector<16xf32>
          %mul3A_501 = arith.mulf %mul3A_500, %bitcast3A_496 : vector<16xf32>
          %sub3A_502 = arith.constant 1.500000e+00 : f32
          %sub3A_503 = vector.broadcast %sub3A_502 : f32 to vector<16xf32>
          %sub3A_504 = arith.subf %sub3A_503, %mul3A_501 : vector<16xf32>
          %mul3A_505 = arith.mulf %bitcast3A_496, %sub3A_504 : vector<16xf32>
          %mul3A_506 = arith.mulf %mul3A_499, %mul3A_505 : vector<16xf32>
          %mul3A_507 = arith.mulf %mul3A_506, %mul3A_505 : vector<16xf32>
          %sub3A_508 = arith.constant 1.500000e+00 : f32
          %sub3A_509 = vector.broadcast %sub3A_508 : f32 to vector<16xf32>
          %sub3A_510 = arith.subf %sub3A_509, %mul3A_507 : vector<16xf32>
          %mul3A_511 = arith.mulf %mul3A_505, %sub3A_510 : vector<16xf32>
          %mul3A_512 = arith.mulf %mul3A_499, %mul3A_511 : vector<16xf32>
          %mul3A_513 = arith.mulf %mul3A_512, %mul3A_511 : vector<16xf32>
          %sub3A_514 = arith.constant 1.500000e+00 : f32
          %sub3A_515 = vector.broadcast %sub3A_514 : f32 to vector<16xf32>
          %sub3A_516 = arith.subf %sub3A_515, %mul3A_513 : vector<16xf32>
          %mul3A_517 = arith.mulf %mul3A_511, %sub3A_516 : vector<16xf32>
          %mul3A_518 = arith.mulf %add3A_488, %mul3A_517 : vector<16xf32>
          %gt3A_519 = arith.constant 0.000000e+00 : f32
          %gt3A_520 = vector.broadcast %gt3A_519 : f32 to vector<16xf32>
          %gt3A_521 = arith.cmpf ogt, %add3A_488, %gt3A_520 : vector<16xf32>
          %jit3A_522 = arith.constant 0.000000e+00 : f32
          %broadcast_in_dim3A_523 = vector.broadcast %jit3A_522 : f32 to vector<16xf32>
          %select_n3A_524 = arith.select %gt3A_521, %mul3A_518, %broadcast_in_dim3A_523 : vector<16xi1>, vector<16xf32>
          %swap3A_525 = arith.index_cast %select_n3A_415 : i32 to index
          %swap3A_526 = arith.index_cast %mul3A_433 : i32 to index
          %swap3A_527 = tpu.vector_load %arg22[%swap3A_525, %swap3A_526] {strides = array<i32>} : memref<16x128xf32, #tpu.memory_space<vmem>>, vector<16xf32>,
          tpu.vector_store %arg22[%swap3A_525, %swap3A_526], %select_n3A_524 {strides = array<i32>} : memref<16x128xf32, #tpu.memory_space<vmem>>, vector<16xf32>,
          %scan3A_528 = arith.constant 3 : i32
          %scan3A_529 = arith.addi %scan3A_128, %scan3A_528 : i32
          %jit3A_530 = arith.constant 8 : i32
          %div3A_531 = arith.divsi %scan3A_529, %jit3A_530 : i32
          %sign3A_532 = arith.constant 0 : i32
          %sign3A_533 = arith.cmpi sgt, %scan3A_529, %sign3A_532 : i32
          %sign3A_534 = arith.extui %sign3A_533 : i1 to i32
          %sign3A_535 = arith.constant 0 : i32
          %sign3A_536 = arith.cmpi slt, %scan3A_529, %sign3A_535 : i32
          %sign3A_537 = arith.extui %sign3A_536 : i1 to i32
          %sign3A_538 = arith.subi %sign3A_534, %sign3A_537 : i32
          %sign3A_539 = arith.constant 0 : i32
          %sign3A_540 = arith.cmpi sgt, %jit3A_530, %sign3A_539 : i32
          %sign3A_541 = arith.extui %sign3A_540 : i1 to i32
          %sign3A_542 = arith.constant 0 : i32
          %sign3A_543 = arith.cmpi slt, %jit3A_530, %sign3A_542 : i32
          %sign3A_544 = arith.extui %sign3A_543 : i1 to i32
          %sign3A_545 = arith.subi %sign3A_541, %sign3A_544 : i32
          %ne3A_546 = arith.cmpi ne, %sign3A_538, %sign3A_545 : i32
          %rem3A_547 = arith.remsi %scan3A_529, %jit3A_530 : i32
          %ne3A_548 = arith.constant 0 : i32
          %ne3A_549 = arith.cmpi ne, %rem3A_547, %ne3A_548 : i32
          %and3A_550 = arith.andi %ne3A_546, %ne3A_549 : i1
          %sub3A_551 = arith.constant 1 : i32
          %sub3A_552 = arith.subi %div3A_531, %sub3A_551 : i32
          %select_n3A_553 = arith.select %and3A_550, %sub3A_552, %div3A_531 : i32
          %jit3A_554 = arith.constant 8 : i32
          %eq3A_555 = arith.constant 0 : i32
          %eq3A_556 = arith.cmpi eq, %jit3A_554, %eq3A_555 : i32
          %jit3A_557 = arith.constant 1 : i32
          %select_n3A_558 = arith.select %eq3A_556, %jit3A_557, %jit3A_554 : i32
          %rem3A_559 = arith.remsi %scan3A_529, %select_n3A_558 : i32
          %ne3A_560 = arith.constant 0 : i32
          %ne3A_561 = arith.cmpi ne, %rem3A_559, %ne3A_560 : i32
          %lt3A_562 = arith.constant 0 : i32
          %lt3A_563 = arith.cmpi slt, %rem3A_559, %lt3A_562 : i32
          %lt3A_564 = arith.constant 0 : i32
          %lt3A_565 = arith.cmpi slt, %select_n3A_558, %lt3A_564 : i32
          %ne3A_566 = arith.xori %lt3A_563, %lt3A_565 : i1
          %and3A_567 = arith.andi %ne3A_566, %ne3A_561 : i1
          %add3A_568 = arith.addi %rem3A_559, %select_n3A_558 : i32
          %select_n3A_569 = arith.select %and3A_567, %add3A_568, %rem3A_559 : i32
          %mul3A_570 = arith.constant 16 : i32
          %mul3A_571 = arith.muli %select_n3A_569, %mul3A_570 : i32
          %mul3A_572 = arith.constant 256 : i32
          %mul3A_573 = arith.muli %mul3A_572, %select_n3A_553 : i32
          %add3A_574 = arith.addi %mul3A_573, %mul3A_571 : i32
          %add3A_575 = vector.broadcast %add3A_574 : i32 to vector<16xi32>
          %add3A_576 = arith.addi %add3A_575, %iota3A : vector<16xi32>
          %add3A_577 = arith.constant 128 : i32
          %add3A_578 = vector.broadcast %add3A_577 : i32 to vector<16xi32>
          %add3A_579 = arith.addi %add3A_576, %add3A_578 : vector<16xi32>
          %gather3A_580 = tpu.vector_load_idx %arg16[%add3A_579, %broadcast_in_dim3A_1] : memref<4096x8xf32, #tpu.memory_space<vmem>>[vector<16xi32>, vector<16xi32>], vector<16xf32>,
          %gather3A_581 = tpu.vector_load_idx %arg16[%add3A_576, %broadcast_in_dim3A_1] : memref<4096x8xf32, #tpu.memory_space<vmem>>[vector<16xi32>, vector<16xi32>], vector<16xf32>,
          %sub3A_582 = arith.subf %gather3A_580, %gather3A_581 : vector<16xf32>
          %get3A_583 = arith.constant 0 : i32
          %get3A_584 = arith.index_cast %select_n3A_553 : i32 to index
          %get3A_585 = arith.index_cast %get3A_583 : i32 to index
          %get3A_586 = arith.index_cast %mul3A_571 : i32 to index
          %get3A_587 = tpu.vector_load %arg18[%get3A_584, %get3A_585, %get3A_586] {strides = array<i32>} : memref<16x4x128xf32, #tpu.memory_space<vmem>>, vector<16xf32>,
          %add3A_588 = arith.addf %sub3A_582, %get3A_587 : vector<16xf32>
          %gather3A_589 = tpu.vector_load_idx %arg16[%add3A_579, %broadcast_in_dim3A_3] : memref<4096x8xf32, #tpu.memory_space<vmem>>[vector<16xi32>, vector<16xi32>], vector<16xf32>,
          %gather3A_590 = tpu.vector_load_idx %arg16[%add3A_576, %broadcast_in_dim3A_3] : memref<4096x8xf32, #tpu.memory_space<vmem>>[vector<16xi32>, vector<16xi32>], vector<16xf32>,
          %sub3A_591 = arith.subf %gather3A_589, %gather3A_590 : vector<16xf32>
          %get3A_592 = arith.constant 1 : i32
          %get3A_593 = arith.index_cast %select_n3A_553 : i32 to index
          %get3A_594 = arith.index_cast %get3A_592 : i32 to index
          %get3A_595 = arith.index_cast %mul3A_571 : i32 to index
          %get3A_596 = tpu.vector_load %arg18[%get3A_593, %get3A_594, %get3A_595] {strides = array<i32>} : memref<16x4x128xf32, #tpu.memory_space<vmem>>, vector<16xf32>,
          %add3A_597 = arith.addf %sub3A_591, %get3A_596 : vector<16xf32>
          %gather3A_598 = tpu.vector_load_idx %arg16[%add3A_579, %broadcast_in_dim3A_5] : memref<4096x8xf32, #tpu.memory_space<vmem>>[vector<16xi32>, vector<16xi32>], vector<16xf32>,
          %gather3A_599 = tpu.vector_load_idx %arg16[%add3A_576, %broadcast_in_dim3A_5] : memref<4096x8xf32, #tpu.memory_space<vmem>>[vector<16xi32>, vector<16xi32>], vector<16xf32>,
          %sub3A_600 = arith.subf %gather3A_598, %gather3A_599 : vector<16xf32>
          %get3A_601 = arith.constant 2 : i32
          %get3A_602 = arith.index_cast %select_n3A_553 : i32 to index
          %get3A_603 = arith.index_cast %get3A_601 : i32 to index
          %get3A_604 = arith.index_cast %mul3A_571 : i32 to index
          %get3A_605 = tpu.vector_load %arg18[%get3A_602, %get3A_603, %get3A_604] {strides = array<i32>} : memref<16x4x128xf32, #tpu.memory_space<vmem>>, vector<16xf32>,
          %add3A_606 = arith.addf %sub3A_600, %get3A_605 : vector<16xf32>
          %swap3A_607 = arith.constant 0 : i32
          %swap3A_608 = arith.index_cast %select_n3A_553 : i32 to index
          %swap3A_609 = arith.index_cast %swap3A_607 : i32 to index
          %swap3A_610 = arith.index_cast %mul3A_571 : i32 to index
          %swap3A_611 = tpu.vector_load %arg20[%swap3A_608, %swap3A_609, %swap3A_610] {strides = array<i32>} : memref<16x4x128xf32, #tpu.memory_space<vmem>>, vector<16xf32>,
          tpu.vector_store %arg20[%swap3A_608, %swap3A_609, %swap3A_610], %add3A_588 {strides = array<i32>} : memref<16x4x128xf32, #tpu.memory_space<vmem>>, vector<16xf32>,
          %swap3A_612 = arith.constant 1 : i32
          %swap3A_613 = arith.index_cast %select_n3A_553 : i32 to index
          %swap3A_614 = arith.index_cast %swap3A_612 : i32 to index
          %swap3A_615 = arith.index_cast %mul3A_571 : i32 to index
          %swap3A_616 = tpu.vector_load %arg20[%swap3A_613, %swap3A_614, %swap3A_615] {strides = array<i32>} : memref<16x4x128xf32, #tpu.memory_space<vmem>>, vector<16xf32>,
          tpu.vector_store %arg20[%swap3A_613, %swap3A_614, %swap3A_615], %add3A_597 {strides = array<i32>} : memref<16x4x128xf32, #tpu.memory_space<vmem>>, vector<16xf32>,
          %swap3A_617 = arith.constant 2 : i32
          %swap3A_618 = arith.index_cast %select_n3A_553 : i32 to index
          %swap3A_619 = arith.index_cast %swap3A_617 : i32 to index
          %swap3A_620 = arith.index_cast %mul3A_571 : i32 to index
          %swap3A_621 = tpu.vector_load %arg20[%swap3A_618, %swap3A_619, %swap3A_620] {strides = array<i32>} : memref<16x4x128xf32, #tpu.memory_space<vmem>>, vector<16xf32>,
          tpu.vector_store %arg20[%swap3A_618, %swap3A_619, %swap3A_620], %add3A_606 {strides = array<i32>} : memref<16x4x128xf32, #tpu.memory_space<vmem>>, vector<16xf32>,
          %mul3A_622 = arith.mulf %add3A_588, %add3A_588 : vector<16xf32>
          %mul3A_623 = arith.mulf %add3A_597, %add3A_597 : vector<16xf32>
          %add3A_624 = arith.addf %mul3A_622, %mul3A_623 : vector<16xf32>
          %mul3A_625 = arith.mulf %add3A_606, %add3A_606 : vector<16xf32>
          %add3A_626 = arith.addf %add3A_624, %mul3A_625 : vector<16xf32>
          %bitcast3A_627 = vector.bitcast %add3A_626 : vector<16xf32> to vector<16xi32>
          %broadcast_in_dim3A_628 = arith.constant 1597463007 : i32
          %broadcast_in_dim3A_629 = vector.broadcast %broadcast_in_dim3A_628 : i32 to vector<16xi32>
          %shift_right_logical3A_630 = arith.constant 1 : i32
          %shift_right_logical3A_631 = vector.broadcast %shift_right_logical3A_630 : i32 to vector<16xi32>
          %shift_right_logical3A_632 = arith.shrui %bitcast3A_627, %shift_right_logical3A_631 : vector<16xi32>
          %sub3A_633 = arith.subi %broadcast_in_dim3A_629, %shift_right_logical3A_632 : vector<16xi32>
          %bitcast3A_634 = vector.bitcast %sub3A_633 : vector<16xi32> to vector<16xf32>
          %mul3A_635 = arith.constant 5.000000e-01 : f32
          %mul3A_636 = vector.broadcast %mul3A_635 : f32 to vector<16xf32>
          %mul3A_637 = arith.mulf %add3A_626, %mul3A_636 : vector<16xf32>
          %mul3A_638 = arith.mulf %mul3A_637, %bitcast3A_634 : vector<16xf32>
          %mul3A_639 = arith.mulf %mul3A_638, %bitcast3A_634 : vector<16xf32>
          %sub3A_640 = arith.constant 1.500000e+00 : f32
          %sub3A_641 = vector.broadcast %sub3A_640 : f32 to vector<16xf32>
          %sub3A_642 = arith.subf %sub3A_641, %mul3A_639 : vector<16xf32>
          %mul3A_643 = arith.mulf %bitcast3A_634, %sub3A_642 : vector<16xf32>
          %mul3A_644 = arith.mulf %mul3A_637, %mul3A_643 : vector<16xf32>
          %mul3A_645 = arith.mulf %mul3A_644, %mul3A_643 : vector<16xf32>
          %sub3A_646 = arith.constant 1.500000e+00 : f32
          %sub3A_647 = vector.broadcast %sub3A_646 : f32 to vector<16xf32>
          %sub3A_648 = arith.subf %sub3A_647, %mul3A_645 : vector<16xf32>
          %mul3A_649 = arith.mulf %mul3A_643, %sub3A_648 : vector<16xf32>
          %mul3A_650 = arith.mulf %mul3A_637, %mul3A_649 : vector<16xf32>
          %mul3A_651 = arith.mulf %mul3A_650, %mul3A_649 : vector<16xf32>
          %sub3A_652 = arith.constant 1.500000e+00 : f32
          %sub3A_653 = vector.broadcast %sub3A_652 : f32 to vector<16xf32>
          %sub3A_654 = arith.subf %sub3A_653, %mul3A_651 : vector<16xf32>
          %mul3A_655 = arith.mulf %mul3A_649, %sub3A_654 : vector<16xf32>
          %mul3A_656 = arith.mulf %add3A_626, %mul3A_655 : vector<16xf32>
          %gt3A_657 = arith.constant 0.000000e+00 : f32
          %gt3A_658 = vector.broadcast %gt3A_657 : f32 to vector<16xf32>
          %gt3A_659 = arith.cmpf ogt, %add3A_626, %gt3A_658 : vector<16xf32>
          %jit3A_660 = arith.constant 0.000000e+00 : f32
          %broadcast_in_dim3A_661 = vector.broadcast %jit3A_660 : f32 to vector<16xf32>
          %select_n3A_662 = arith.select %gt3A_659, %mul3A_656, %broadcast_in_dim3A_661 : vector<16xi1>, vector<16xf32>
          %swap3A_663 = arith.index_cast %select_n3A_553 : i32 to index
          %swap3A_664 = arith.index_cast %mul3A_571 : i32 to index
          %swap3A_665 = tpu.vector_load %arg22[%swap3A_663, %swap3A_664] {strides = array<i32>} : memref<16x128xf32, #tpu.memory_space<vmem>>, vector<16xf32>,
          tpu.vector_store %arg22[%swap3A_663, %swap3A_664], %select_n3A_662 {strides = array<i32>} : memref<16x128xf32, #tpu.memory_space<vmem>>, vector<16xf32>,
          %scan3A_666 = arith.constant 4 : i32
          %scan3A_667 = arith.addi %scan3A_128, %scan3A_666 : i32
          %jit3A_668 = arith.constant 8 : i32
          %div3A_669 = arith.divsi %scan3A_667, %jit3A_668 : i32
          %sign3A_670 = arith.constant 0 : i32
          %sign3A_671 = arith.cmpi sgt, %scan3A_667, %sign3A_670 : i32
          %sign3A_672 = arith.extui %sign3A_671 : i1 to i32
          %sign3A_673 = arith.constant 0 : i32
          %sign3A_674 = arith.cmpi slt, %scan3A_667, %sign3A_673 : i32
          %sign3A_675 = arith.extui %sign3A_674 : i1 to i32
          %sign3A_676 = arith.subi %sign3A_672, %sign3A_675 : i32
          %sign3A_677 = arith.constant 0 : i32
          %sign3A_678 = arith.cmpi sgt, %jit3A_668, %sign3A_677 : i32
          %sign3A_679 = arith.extui %sign3A_678 : i1 to i32
          %sign3A_680 = arith.constant 0 : i32
          %sign3A_681 = arith.cmpi slt, %jit3A_668, %sign3A_680 : i32
          %sign3A_682 = arith.extui %sign3A_681 : i1 to i32
          %sign3A_683 = arith.subi %sign3A_679, %sign3A_682 : i32
          %ne3A_684 = arith.cmpi ne, %sign3A_676, %sign3A_683 : i32
          %rem3A_685 = arith.remsi %scan3A_667, %jit3A_668 : i32
          %ne3A_686 = arith.constant 0 : i32
          %ne3A_687 = arith.cmpi ne, %rem3A_685, %ne3A_686 : i32
          %and3A_688 = arith.andi %ne3A_684, %ne3A_687 : i1
          %sub3A_689 = arith.constant 1 : i32
          %sub3A_690 = arith.subi %div3A_669, %sub3A_689 : i32
          %select_n3A_691 = arith.select %and3A_688, %sub3A_690, %div3A_669 : i32
          %jit3A_692 = arith.constant 8 : i32
          %eq3A_693 = arith.constant 0 : i32
          %eq3A_694 = arith.cmpi eq, %jit3A_692, %eq3A_693 : i32
          %jit3A_695 = arith.constant 1 : i32
          %select_n3A_696 = arith.select %eq3A_694, %jit3A_695, %jit3A_692 : i32
          %rem3A_697 = arith.remsi %scan3A_667, %select_n3A_696 : i32
          %ne3A_698 = arith.constant 0 : i32
          %ne3A_699 = arith.cmpi ne, %rem3A_697, %ne3A_698 : i32
          %lt3A_700 = arith.constant 0 : i32
          %lt3A_701 = arith.cmpi slt, %rem3A_697, %lt3A_700 : i32
          %lt3A_702 = arith.constant 0 : i32
          %lt3A_703 = arith.cmpi slt, %select_n3A_696, %lt3A_702 : i32
          %ne3A_704 = arith.xori %lt3A_701, %lt3A_703 : i1
          %and3A_705 = arith.andi %ne3A_704, %ne3A_699 : i1
          %add3A_706 = arith.addi %rem3A_697, %select_n3A_696 : i32
          %select_n3A_707 = arith.select %and3A_705, %add3A_706, %rem3A_697 : i32
          %mul3A_708 = arith.constant 16 : i32
          %mul3A_709 = arith.muli %select_n3A_707, %mul3A_708 : i32
          %mul3A_710 = arith.constant 256 : i32
          %mul3A_711 = arith.muli %mul3A_710, %select_n3A_691 : i32
          %add3A_712 = arith.addi %mul3A_711, %mul3A_709 : i32
          %add3A_713 = vector.broadcast %add3A_712 : i32 to vector<16xi32>
          %add3A_714 = arith.addi %add3A_713, %iota3A : vector<16xi32>
          %add3A_715 = arith.constant 128 : i32
          %add3A_716 = vector.broadcast %add3A_715 : i32 to vector<16xi32>
          %add3A_717 = arith.addi %add3A_714, %add3A_716 : vector<16xi32>
          %gather3A_718 = tpu.vector_load_idx %arg16[%add3A_717, %broadcast_in_dim3A_1] : memref<4096x8xf32, #tpu.memory_space<vmem>>[vector<16xi32>, vector<16xi32>], vector<16xf32>,
          %gather3A_719 = tpu.vector_load_idx %arg16[%add3A_714, %broadcast_in_dim3A_1] : memref<4096x8xf32, #tpu.memory_space<vmem>>[vector<16xi32>, vector<16xi32>], vector<16xf32>,
          %sub3A_720 = arith.subf %gather3A_718, %gather3A_719 : vector<16xf32>
          %get3A_721 = arith.constant 0 : i32
          %get3A_722 = arith.index_cast %select_n3A_691 : i32 to index
          %get3A_723 = arith.index_cast %get3A_721 : i32 to index
          %get3A_724 = arith.index_cast %mul3A_709 : i32 to index
          %get3A_725 = tpu.vector_load %arg18[%get3A_722, %get3A_723, %get3A_724] {strides = array<i32>} : memref<16x4x128xf32, #tpu.memory_space<vmem>>, vector<16xf32>,
          %add3A_726 = arith.addf %sub3A_720, %get3A_725 : vector<16xf32>
          %gather3A_727 = tpu.vector_load_idx %arg16[%add3A_717, %broadcast_in_dim3A_3] : memref<4096x8xf32, #tpu.memory_space<vmem>>[vector<16xi32>, vector<16xi32>], vector<16xf32>,
          %gather3A_728 = tpu.vector_load_idx %arg16[%add3A_714, %broadcast_in_dim3A_3] : memref<4096x8xf32, #tpu.memory_space<vmem>>[vector<16xi32>, vector<16xi32>], vector<16xf32>,
          %sub3A_729 = arith.subf %gather3A_727, %gather3A_728 : vector<16xf32>
          %get3A_730 = arith.constant 1 : i32
          %get3A_731 = arith.index_cast %select_n3A_691 : i32 to index
          %get3A_732 = arith.index_cast %get3A_730 : i32 to index
          %get3A_733 = arith.index_cast %mul3A_709 : i32 to index
          %get3A_734 = tpu.vector_load %arg18[%get3A_731, %get3A_732, %get3A_733] {strides = array<i32>} : memref<16x4x128xf32, #tpu.memory_space<vmem>>, vector<16xf32>,
          %add3A_735 = arith.addf %sub3A_729, %get3A_734 : vector<16xf32>
          %gather3A_736 = tpu.vector_load_idx %arg16[%add3A_717, %broadcast_in_dim3A_5] : memref<4096x8xf32, #tpu.memory_space<vmem>>[vector<16xi32>, vector<16xi32>], vector<16xf32>,
          %gather3A_737 = tpu.vector_load_idx %arg16[%add3A_714, %broadcast_in_dim3A_5] : memref<4096x8xf32, #tpu.memory_space<vmem>>[vector<16xi32>, vector<16xi32>], vector<16xf32>,
          %sub3A_738 = arith.subf %gather3A_736, %gather3A_737 : vector<16xf32>
          %get3A_739 = arith.constant 2 : i32
          %get3A_740 = arith.index_cast %select_n3A_691 : i32 to index
          %get3A_741 = arith.index_cast %get3A_739 : i32 to index
          %get3A_742 = arith.index_cast %mul3A_709 : i32 to index
          %get3A_743 = tpu.vector_load %arg18[%get3A_740, %get3A_741, %get3A_742] {strides = array<i32>} : memref<16x4x128xf32, #tpu.memory_space<vmem>>, vector<16xf32>,
          %add3A_744 = arith.addf %sub3A_738, %get3A_743 : vector<16xf32>
          %swap3A_745 = arith.constant 0 : i32
          %swap3A_746 = arith.index_cast %select_n3A_691 : i32 to index
          %swap3A_747 = arith.index_cast %swap3A_745 : i32 to index
          %swap3A_748 = arith.index_cast %mul3A_709 : i32 to index
          %swap3A_749 = tpu.vector_load %arg20[%swap3A_746, %swap3A_747, %swap3A_748] {strides = array<i32>} : memref<16x4x128xf32, #tpu.memory_space<vmem>>, vector<16xf32>,
          tpu.vector_store %arg20[%swap3A_746, %swap3A_747, %swap3A_748], %add3A_726 {strides = array<i32>} : memref<16x4x128xf32, #tpu.memory_space<vmem>>, vector<16xf32>,
          %swap3A_750 = arith.constant 1 : i32
          %swap3A_751 = arith.index_cast %select_n3A_691 : i32 to index
          %swap3A_752 = arith.index_cast %swap3A_750 : i32 to index
          %swap3A_753 = arith.index_cast %mul3A_709 : i32 to index
          %swap3A_754 = tpu.vector_load %arg20[%swap3A_751, %swap3A_752, %swap3A_753] {strides = array<i32>} : memref<16x4x128xf32, #tpu.memory_space<vmem>>, vector<16xf32>,
          tpu.vector_store %arg20[%swap3A_751, %swap3A_752, %swap3A_753], %add3A_735 {strides = array<i32>} : memref<16x4x128xf32, #tpu.memory_space<vmem>>, vector<16xf32>,
          %swap3A_755 = arith.constant 2 : i32
          %swap3A_756 = arith.index_cast %select_n3A_691 : i32 to index
          %swap3A_757 = arith.index_cast %swap3A_755 : i32 to index
          %swap3A_758 = arith.index_cast %mul3A_709 : i32 to index
          %swap3A_759 = tpu.vector_load %arg20[%swap3A_756, %swap3A_757, %swap3A_758] {strides = array<i32>} : memref<16x4x128xf32, #tpu.memory_space<vmem>>, vector<16xf32>,
          tpu.vector_store %arg20[%swap3A_756, %swap3A_757, %swap3A_758], %add3A_744 {strides = array<i32>} : memref<16x4x128xf32, #tpu.memory_space<vmem>>, vector<16xf32>,
          %mul3A_760 = arith.mulf %add3A_726, %add3A_726 : vector<16xf32>
          %mul3A_761 = arith.mulf %add3A_735, %add3A_735 : vector<16xf32>
          %add3A_762 = arith.addf %mul3A_760, %mul3A_761 : vector<16xf32>
          %mul3A_763 = arith.mulf %add3A_744, %add3A_744 : vector<16xf32>
          %add3A_764 = arith.addf %add3A_762, %mul3A_763 : vector<16xf32>
          %bitcast3A_765 = vector.bitcast %add3A_764 : vector<16xf32> to vector<16xi32>
          %broadcast_in_dim3A_766 = arith.constant 1597463007 : i32
          %broadcast_in_dim3A_767 = vector.broadcast %broadcast_in_dim3A_766 : i32 to vector<16xi32>
          %shift_right_logical3A_768 = arith.constant 1 : i32
          %shift_right_logical3A_769 = vector.broadcast %shift_right_logical3A_768 : i32 to vector<16xi32>
          %shift_right_logical3A_770 = arith.shrui %bitcast3A_765, %shift_right_logical3A_769 : vector<16xi32>
          %sub3A_771 = arith.subi %broadcast_in_dim3A_767, %shift_right_logical3A_770 : vector<16xi32>
          %bitcast3A_772 = vector.bitcast %sub3A_771 : vector<16xi32> to vector<16xf32>
          %mul3A_773 = arith.constant 5.000000e-01 : f32
          %mul3A_774 = vector.broadcast %mul3A_773 : f32 to vector<16xf32>
          %mul3A_775 = arith.mulf %add3A_764, %mul3A_774 : vector<16xf32>
          %mul3A_776 = arith.mulf %mul3A_775, %bitcast3A_772 : vector<16xf32>
          %mul3A_777 = arith.mulf %mul3A_776, %bitcast3A_772 : vector<16xf32>
          %sub3A_778 = arith.constant 1.500000e+00 : f32
          %sub3A_779 = vector.broadcast %sub3A_778 : f32 to vector<16xf32>
          %sub3A_780 = arith.subf %sub3A_779, %mul3A_777 : vector<16xf32>
          %mul3A_781 = arith.mulf %bitcast3A_772, %sub3A_780 : vector<16xf32>
          %mul3A_782 = arith.mulf %mul3A_775, %mul3A_781 : vector<16xf32>
          %mul3A_783 = arith.mulf %mul3A_782, %mul3A_781 : vector<16xf32>
          %sub3A_784 = arith.constant 1.500000e+00 : f32
          %sub3A_785 = vector.broadcast %sub3A_784 : f32 to vector<16xf32>
          %sub3A_786 = arith.subf %sub3A_785, %mul3A_783 : vector<16xf32>
          %mul3A_787 = arith.mulf %mul3A_781, %sub3A_786 : vector<16xf32>
          %mul3A_788 = arith.mulf %mul3A_775, %mul3A_787 : vector<16xf32>
          %mul3A_789 = arith.mulf %mul3A_788, %mul3A_787 : vector<16xf32>
          %sub3A_790 = arith.constant 1.500000e+00 : f32
          %sub3A_791 = vector.broadcast %sub3A_790 : f32 to vector<16xf32>
          %sub3A_792 = arith.subf %sub3A_791, %mul3A_789 : vector<16xf32>
          %mul3A_793 = arith.mulf %mul3A_787, %sub3A_792 : vector<16xf32>
          %mul3A_794 = arith.mulf %add3A_764, %mul3A_793 : vector<16xf32>
          %gt3A_795 = arith.constant 0.000000e+00 : f32
          %gt3A_796 = vector.broadcast %gt3A_795 : f32 to vector<16xf32>
          %gt3A_797 = arith.cmpf ogt, %add3A_764, %gt3A_796 : vector<16xf32>
          %jit3A_798 = arith.constant 0.000000e+00 : f32
          %broadcast_in_dim3A_799 = vector.broadcast %jit3A_798 : f32 to vector<16xf32>
          %select_n3A_800 = arith.select %gt3A_797, %mul3A_794, %broadcast_in_dim3A_799 : vector<16xi1>, vector<16xf32>
          %swap3A_801 = arith.index_cast %select_n3A_691 : i32 to index
          %swap3A_802 = arith.index_cast %mul3A_709 : i32 to index
          %swap3A_803 = tpu.vector_load %arg22[%swap3A_801, %swap3A_802] {strides = array<i32>} : memref<16x128xf32, #tpu.memory_space<vmem>>, vector<16xf32>,
          tpu.vector_store %arg22[%swap3A_801, %swap3A_802], %select_n3A_800 {strides = array<i32>} : memref<16x128xf32, #tpu.memory_space<vmem>>, vector<16xf32>,
          %scan3A_804 = arith.constant 5 : i32
          %scan3A_805 = arith.addi %scan3A_128, %scan3A_804 : i32
          %jit3A_806 = arith.constant 8 : i32
          %div3A_807 = arith.divsi %scan3A_805, %jit3A_806 : i32
          %sign3A_808 = arith.constant 0 : i32
          %sign3A_809 = arith.cmpi sgt, %scan3A_805, %sign3A_808 : i32
          %sign3A_810 = arith.extui %sign3A_809 : i1 to i32
          %sign3A_811 = arith.constant 0 : i32
          %sign3A_812 = arith.cmpi slt, %scan3A_805, %sign3A_811 : i32
          %sign3A_813 = arith.extui %sign3A_812 : i1 to i32
          %sign3A_814 = arith.subi %sign3A_810, %sign3A_813 : i32
          %sign3A_815 = arith.constant 0 : i32
          %sign3A_816 = arith.cmpi sgt, %jit3A_806, %sign3A_815 : i32
          %sign3A_817 = arith.extui %sign3A_816 : i1 to i32
          %sign3A_818 = arith.constant 0 : i32
          %sign3A_819 = arith.cmpi slt, %jit3A_806, %sign3A_818 : i32
          %sign3A_820 = arith.extui %sign3A_819 : i1 to i32
          %sign3A_821 = arith.subi %sign3A_817, %sign3A_820 : i32
          %ne3A_822 = arith.cmpi ne, %sign3A_814, %sign3A_821 : i32
          %rem3A_823 = arith.remsi %scan3A_805, %jit3A_806 : i32
          %ne3A_824 = arith.constant 0 : i32
          %ne3A_825 = arith.cmpi ne, %rem3A_823, %ne3A_824 : i32
          %and3A_826 = arith.andi %ne3A_822, %ne3A_825 : i1
          %sub3A_827 = arith.constant 1 : i32
          %sub3A_828 = arith.subi %div3A_807, %sub3A_827 : i32
          %select_n3A_829 = arith.select %and3A_826, %sub3A_828, %div3A_807 : i32
          %jit3A_830 = arith.constant 8 : i32
          %eq3A_831 = arith.constant 0 : i32
          %eq3A_832 = arith.cmpi eq, %jit3A_830, %eq3A_831 : i32
          %jit3A_833 = arith.constant 1 : i32
          %select_n3A_834 = arith.select %eq3A_832, %jit3A_833, %jit3A_830 : i32
          %rem3A_835 = arith.remsi %scan3A_805, %select_n3A_834 : i32
          %ne3A_836 = arith.constant 0 : i32
          %ne3A_837 = arith.cmpi ne, %rem3A_835, %ne3A_836 : i32
          %lt3A_838 = arith.constant 0 : i32
          %lt3A_839 = arith.cmpi slt, %rem3A_835, %lt3A_838 : i32
          %lt3A_840 = arith.constant 0 : i32
          %lt3A_841 = arith.cmpi slt, %select_n3A_834, %lt3A_840 : i32
          %ne3A_842 = arith.xori %lt3A_839, %lt3A_841 : i1
          %and3A_843 = arith.andi %ne3A_842, %ne3A_837 : i1
          %add3A_844 = arith.addi %rem3A_835, %select_n3A_834 : i32
          %select_n3A_845 = arith.select %and3A_843, %add3A_844, %rem3A_835 : i32
          %mul3A_846 = arith.constant 16 : i32
          %mul3A_847 = arith.muli %select_n3A_845, %mul3A_846 : i32
          %mul3A_848 = arith.constant 256 : i32
          %mul3A_849 = arith.muli %mul3A_848, %select_n3A_829 : i32
          %add3A_850 = arith.addi %mul3A_849, %mul3A_847 : i32
          %add3A_851 = vector.broadcast %add3A_850 : i32 to vector<16xi32>
          %add3A_852 = arith.addi %add3A_851, %iota3A : vector<16xi32>
          %add3A_853 = arith.constant 128 : i32
          %add3A_854 = vector.broadcast %add3A_853 : i32 to vector<16xi32>
          %add3A_855 = arith.addi %add3A_852, %add3A_854 : vector<16xi32>
          %gather3A_856 = tpu.vector_load_idx %arg16[%add3A_855, %broadcast_in_dim3A_1] : memref<4096x8xf32, #tpu.memory_space<vmem>>[vector<16xi32>, vector<16xi32>], vector<16xf32>,
          %gather3A_857 = tpu.vector_load_idx %arg16[%add3A_852, %broadcast_in_dim3A_1] : memref<4096x8xf32, #tpu.memory_space<vmem>>[vector<16xi32>, vector<16xi32>], vector<16xf32>,
          %sub3A_858 = arith.subf %gather3A_856, %gather3A_857 : vector<16xf32>
          %get3A_859 = arith.constant 0 : i32
          %get3A_860 = arith.index_cast %select_n3A_829 : i32 to index
          %get3A_861 = arith.index_cast %get3A_859 : i32 to index
          %get3A_862 = arith.index_cast %mul3A_847 : i32 to index
          %get3A_863 = tpu.vector_load %arg18[%get3A_860, %get3A_861, %get3A_862] {strides = array<i32>} : memref<16x4x128xf32, #tpu.memory_space<vmem>>, vector<16xf32>,
          %add3A_864 = arith.addf %sub3A_858, %get3A_863 : vector<16xf32>
          %gather3A_865 = tpu.vector_load_idx %arg16[%add3A_855, %broadcast_in_dim3A_3] : memref<4096x8xf32, #tpu.memory_space<vmem>>[vector<16xi32>, vector<16xi32>], vector<16xf32>,
          %gather3A_866 = tpu.vector_load_idx %arg16[%add3A_852, %broadcast_in_dim3A_3] : memref<4096x8xf32, #tpu.memory_space<vmem>>[vector<16xi32>, vector<16xi32>], vector<16xf32>,
          %sub3A_867 = arith.subf %gather3A_865, %gather3A_866 : vector<16xf32>
          %get3A_868 = arith.constant 1 : i32
          %get3A_869 = arith.index_cast %select_n3A_829 : i32 to index
          %get3A_870 = arith.index_cast %get3A_868 : i32 to index
          %get3A_871 = arith.index_cast %mul3A_847 : i32 to index
          %get3A_872 = tpu.vector_load %arg18[%get3A_869, %get3A_870, %get3A_871] {strides = array<i32>} : memref<16x4x128xf32, #tpu.memory_space<vmem>>, vector<16xf32>,
          %add3A_873 = arith.addf %sub3A_867, %get3A_872 : vector<16xf32>
          %gather3A_874 = tpu.vector_load_idx %arg16[%add3A_855, %broadcast_in_dim3A_5] : memref<4096x8xf32, #tpu.memory_space<vmem>>[vector<16xi32>, vector<16xi32>], vector<16xf32>,
          %gather3A_875 = tpu.vector_load_idx %arg16[%add3A_852, %broadcast_in_dim3A_5] : memref<4096x8xf32, #tpu.memory_space<vmem>>[vector<16xi32>, vector<16xi32>], vector<16xf32>,
          %sub3A_876 = arith.subf %gather3A_874, %gather3A_875 : vector<16xf32>
          %get3A_877 = arith.constant 2 : i32
          %get3A_878 = arith.index_cast %select_n3A_829 : i32 to index
          %get3A_879 = arith.index_cast %get3A_877 : i32 to index
          %get3A_880 = arith.index_cast %mul3A_847 : i32 to index
          %get3A_881 = tpu.vector_load %arg18[%get3A_878, %get3A_879, %get3A_880] {strides = array<i32>} : memref<16x4x128xf32, #tpu.memory_space<vmem>>, vector<16xf32>,
          %add3A_882 = arith.addf %sub3A_876, %get3A_881 : vector<16xf32>
          %swap3A_883 = arith.constant 0 : i32
          %swap3A_884 = arith.index_cast %select_n3A_829 : i32 to index
          %swap3A_885 = arith.index_cast %swap3A_883 : i32 to index
          %swap3A_886 = arith.index_cast %mul3A_847 : i32 to index
          %swap3A_887 = tpu.vector_load %arg20[%swap3A_884, %swap3A_885, %swap3A_886] {strides = array<i32>} : memref<16x4x128xf32, #tpu.memory_space<vmem>>, vector<16xf32>,
          tpu.vector_store %arg20[%swap3A_884, %swap3A_885, %swap3A_886], %add3A_864 {strides = array<i32>} : memref<16x4x128xf32, #tpu.memory_space<vmem>>, vector<16xf32>,
          %swap3A_888 = arith.constant 1 : i32
          %swap3A_889 = arith.index_cast %select_n3A_829 : i32 to index
          %swap3A_890 = arith.index_cast %swap3A_888 : i32 to index
          %swap3A_891 = arith.index_cast %mul3A_847 : i32 to index
          %swap3A_892 = tpu.vector_load %arg20[%swap3A_889, %swap3A_890, %swap3A_891] {strides = array<i32>} : memref<16x4x128xf32, #tpu.memory_space<vmem>>, vector<16xf32>,
          tpu.vector_store %arg20[%swap3A_889, %swap3A_890, %swap3A_891], %add3A_873 {strides = array<i32>} : memref<16x4x128xf32, #tpu.memory_space<vmem>>, vector<16xf32>,
          %swap3A_893 = arith.constant 2 : i32
          %swap3A_894 = arith.index_cast %select_n3A_829 : i32 to index
          %swap3A_895 = arith.index_cast %swap3A_893 : i32 to index
          %swap3A_896 = arith.index_cast %mul3A_847 : i32 to index
          %swap3A_897 = tpu.vector_load %arg20[%swap3A_894, %swap3A_895, %swap3A_896] {strides = array<i32>} : memref<16x4x128xf32, #tpu.memory_space<vmem>>, vector<16xf32>,
          tpu.vector_store %arg20[%swap3A_894, %swap3A_895, %swap3A_896], %add3A_882 {strides = array<i32>} : memref<16x4x128xf32, #tpu.memory_space<vmem>>, vector<16xf32>,
          %mul3A_898 = arith.mulf %add3A_864, %add3A_864 : vector<16xf32>
          %mul3A_899 = arith.mulf %add3A_873, %add3A_873 : vector<16xf32>
          %add3A_900 = arith.addf %mul3A_898, %mul3A_899 : vector<16xf32>
          %mul3A_901 = arith.mulf %add3A_882, %add3A_882 : vector<16xf32>
          %add3A_902 = arith.addf %add3A_900, %mul3A_901 : vector<16xf32>
          %bitcast3A_903 = vector.bitcast %add3A_902 : vector<16xf32> to vector<16xi32>
          %broadcast_in_dim3A_904 = arith.constant 1597463007 : i32
          %broadcast_in_dim3A_905 = vector.broadcast %broadcast_in_dim3A_904 : i32 to vector<16xi32>
          %shift_right_logical3A_906 = arith.constant 1 : i32
          %shift_right_logical3A_907 = vector.broadcast %shift_right_logical3A_906 : i32 to vector<16xi32>
          %shift_right_logical3A_908 = arith.shrui %bitcast3A_903, %shift_right_logical3A_907 : vector<16xi32>
          %sub3A_909 = arith.subi %broadcast_in_dim3A_905, %shift_right_logical3A_908 : vector<16xi32>
          %bitcast3A_910 = vector.bitcast %sub3A_909 : vector<16xi32> to vector<16xf32>
          %mul3A_911 = arith.constant 5.000000e-01 : f32
          %mul3A_912 = vector.broadcast %mul3A_911 : f32 to vector<16xf32>
          %mul3A_913 = arith.mulf %add3A_902, %mul3A_912 : vector<16xf32>
          %mul3A_914 = arith.mulf %mul3A_913, %bitcast3A_910 : vector<16xf32>
          %mul3A_915 = arith.mulf %mul3A_914, %bitcast3A_910 : vector<16xf32>
          %sub3A_916 = arith.constant 1.500000e+00 : f32
          %sub3A_917 = vector.broadcast %sub3A_916 : f32 to vector<16xf32>
          %sub3A_918 = arith.subf %sub3A_917, %mul3A_915 : vector<16xf32>
          %mul3A_919 = arith.mulf %bitcast3A_910, %sub3A_918 : vector<16xf32>
          %mul3A_920 = arith.mulf %mul3A_913, %mul3A_919 : vector<16xf32>
          %mul3A_921 = arith.mulf %mul3A_920, %mul3A_919 : vector<16xf32>
          %sub3A_922 = arith.constant 1.500000e+00 : f32
          %sub3A_923 = vector.broadcast %sub3A_922 : f32 to vector<16xf32>
          %sub3A_924 = arith.subf %sub3A_923, %mul3A_921 : vector<16xf32>
          %mul3A_925 = arith.mulf %mul3A_919, %sub3A_924 : vector<16xf32>
          %mul3A_926 = arith.mulf %mul3A_913, %mul3A_925 : vector<16xf32>
          %mul3A_927 = arith.mulf %mul3A_926, %mul3A_925 : vector<16xf32>
          %sub3A_928 = arith.constant 1.500000e+00 : f32
          %sub3A_929 = vector.broadcast %sub3A_928 : f32 to vector<16xf32>
          %sub3A_930 = arith.subf %sub3A_929, %mul3A_927 : vector<16xf32>
          %mul3A_931 = arith.mulf %mul3A_925, %sub3A_930 : vector<16xf32>
          %mul3A_932 = arith.mulf %add3A_902, %mul3A_931 : vector<16xf32>
          %gt3A_933 = arith.constant 0.000000e+00 : f32
          %gt3A_934 = vector.broadcast %gt3A_933 : f32 to vector<16xf32>
          %gt3A_935 = arith.cmpf ogt, %add3A_902, %gt3A_934 : vector<16xf32>
          %jit3A_936 = arith.constant 0.000000e+00 : f32
          %broadcast_in_dim3A_937 = vector.broadcast %jit3A_936 : f32 to vector<16xf32>
          %select_n3A_938 = arith.select %gt3A_935, %mul3A_932, %broadcast_in_dim3A_937 : vector<16xi1>, vector<16xf32>
          %swap3A_939 = arith.index_cast %select_n3A_829 : i32 to index
          %swap3A_940 = arith.index_cast %mul3A_847 : i32 to index
          %swap3A_941 = tpu.vector_load %arg22[%swap3A_939, %swap3A_940] {strides = array<i32>} : memref<16x128xf32, #tpu.memory_space<vmem>>, vector<16xf32>,
          tpu.vector_store %arg22[%swap3A_939, %swap3A_940], %select_n3A_938 {strides = array<i32>} : memref<16x128xf32, #tpu.memory_space<vmem>>, vector<16xf32>,
          %scan3A_942 = arith.constant 6 : i32
          %scan3A_943 = arith.addi %scan3A_128, %scan3A_942 : i32
          %jit3A_944 = arith.constant 8 : i32
          %div3A_945 = arith.divsi %scan3A_943, %jit3A_944 : i32
          %sign3A_946 = arith.constant 0 : i32
          %sign3A_947 = arith.cmpi sgt, %scan3A_943, %sign3A_946 : i32
          %sign3A_948 = arith.extui %sign3A_947 : i1 to i32
          %sign3A_949 = arith.constant 0 : i32
          %sign3A_950 = arith.cmpi slt, %scan3A_943, %sign3A_949 : i32
          %sign3A_951 = arith.extui %sign3A_950 : i1 to i32
          %sign3A_952 = arith.subi %sign3A_948, %sign3A_951 : i32
          %sign3A_953 = arith.constant 0 : i32
          %sign3A_954 = arith.cmpi sgt, %jit3A_944, %sign3A_953 : i32
          %sign3A_955 = arith.extui %sign3A_954 : i1 to i32
          %sign3A_956 = arith.constant 0 : i32
          %sign3A_957 = arith.cmpi slt, %jit3A_944, %sign3A_956 : i32
          %sign3A_958 = arith.extui %sign3A_957 : i1 to i32
          %sign3A_959 = arith.subi %sign3A_955, %sign3A_958 : i32
          %ne3A_960 = arith.cmpi ne, %sign3A_952, %sign3A_959 : i32
          %rem3A_961 = arith.remsi %scan3A_943, %jit3A_944 : i32
          %ne3A_962 = arith.constant 0 : i32
          %ne3A_963 = arith.cmpi ne, %rem3A_961, %ne3A_962 : i32
          %and3A_964 = arith.andi %ne3A_960, %ne3A_963 : i1
          %sub3A_965 = arith.constant 1 : i32
          %sub3A_966 = arith.subi %div3A_945, %sub3A_965 : i32
          %select_n3A_967 = arith.select %and3A_964, %sub3A_966, %div3A_945 : i32
          %jit3A_968 = arith.constant 8 : i32
          %eq3A_969 = arith.constant 0 : i32
          %eq3A_970 = arith.cmpi eq, %jit3A_968, %eq3A_969 : i32
          %jit3A_971 = arith.constant 1 : i32
          %select_n3A_972 = arith.select %eq3A_970, %jit3A_971, %jit3A_968 : i32
          %rem3A_973 = arith.remsi %scan3A_943, %select_n3A_972 : i32
          %ne3A_974 = arith.constant 0 : i32
          %ne3A_975 = arith.cmpi ne, %rem3A_973, %ne3A_974 : i32
          %lt3A_976 = arith.constant 0 : i32
          %lt3A_977 = arith.cmpi slt, %rem3A_973, %lt3A_976 : i32
          %lt3A_978 = arith.constant 0 : i32
          %lt3A_979 = arith.cmpi slt, %select_n3A_972, %lt3A_978 : i32
          %ne3A_980 = arith.xori %lt3A_977, %lt3A_979 : i1
          %and3A_981 = arith.andi %ne3A_980, %ne3A_975 : i1
          %add3A_982 = arith.addi %rem3A_973, %select_n3A_972 : i32
          %select_n3A_983 = arith.select %and3A_981, %add3A_982, %rem3A_973 : i32
          %mul3A_984 = arith.constant 16 : i32
          %mul3A_985 = arith.muli %select_n3A_983, %mul3A_984 : i32
          %mul3A_986 = arith.constant 256 : i32
          %mul3A_987 = arith.muli %mul3A_986, %select_n3A_967 : i32
          %add3A_988 = arith.addi %mul3A_987, %mul3A_985 : i32
          %add3A_989 = vector.broadcast %add3A_988 : i32 to vector<16xi32>
          %add3A_990 = arith.addi %add3A_989, %iota3A : vector<16xi32>
          %add3A_991 = arith.constant 128 : i32
          %add3A_992 = vector.broadcast %add3A_991 : i32 to vector<16xi32>
          %add3A_993 = arith.addi %add3A_990, %add3A_992 : vector<16xi32>
          %gather3A_994 = tpu.vector_load_idx %arg16[%add3A_993, %broadcast_in_dim3A_1] : memref<4096x8xf32, #tpu.memory_space<vmem>>[vector<16xi32>, vector<16xi32>], vector<16xf32>,
          %gather3A_995 = tpu.vector_load_idx %arg16[%add3A_990, %broadcast_in_dim3A_1] : memref<4096x8xf32, #tpu.memory_space<vmem>>[vector<16xi32>, vector<16xi32>], vector<16xf32>,
          %sub3A_996 = arith.subf %gather3A_994, %gather3A_995 : vector<16xf32>
          %get3A_997 = arith.constant 0 : i32
          %get3A_998 = arith.index_cast %select_n3A_967 : i32 to index
          %get3A_999 = arith.index_cast %get3A_997 : i32 to index
          %get3A_1000 = arith.index_cast %mul3A_985 : i32 to index
          %get3A_1001 = tpu.vector_load %arg18[%get3A_998, %get3A_999, %get3A_1000] {strides = array<i32>} : memref<16x4x128xf32, #tpu.memory_space<vmem>>, vector<16xf32>,
          %add3A_1002 = arith.addf %sub3A_996, %get3A_1001 : vector<16xf32>
          %gather3A_1003 = tpu.vector_load_idx %arg16[%add3A_993, %broadcast_in_dim3A_3] : memref<4096x8xf32, #tpu.memory_space<vmem>>[vector<16xi32>, vector<16xi32>], vector<16xf32>,
          %gather3A_1004 = tpu.vector_load_idx %arg16[%add3A_990, %broadcast_in_dim3A_3] : memref<4096x8xf32, #tpu.memory_space<vmem>>[vector<16xi32>, vector<16xi32>], vector<16xf32>,
          %sub3A_1005 = arith.subf %gather3A_1003, %gather3A_1004 : vector<16xf32>
          %get3A_1006 = arith.constant 1 : i32
          %get3A_1007 = arith.index_cast %select_n3A_967 : i32 to index
          %get3A_1008 = arith.index_cast %get3A_1006 : i32 to index
          %get3A_1009 = arith.index_cast %mul3A_985 : i32 to index
          %get3A_1010 = tpu.vector_load %arg18[%get3A_1007, %get3A_1008, %get3A_1009] {strides = array<i32>} : memref<16x4x128xf32, #tpu.memory_space<vmem>>, vector<16xf32>,
          %add3A_1011 = arith.addf %sub3A_1005, %get3A_1010 : vector<16xf32>
          %gather3A_1012 = tpu.vector_load_idx %arg16[%add3A_993, %broadcast_in_dim3A_5] : memref<4096x8xf32, #tpu.memory_space<vmem>>[vector<16xi32>, vector<16xi32>], vector<16xf32>,
          %gather3A_1013 = tpu.vector_load_idx %arg16[%add3A_990, %broadcast_in_dim3A_5] : memref<4096x8xf32, #tpu.memory_space<vmem>>[vector<16xi32>, vector<16xi32>], vector<16xf32>,
          %sub3A_1014 = arith.subf %gather3A_1012, %gather3A_1013 : vector<16xf32>
          %get3A_1015 = arith.constant 2 : i32
          %get3A_1016 = arith.index_cast %select_n3A_967 : i32 to index
          %get3A_1017 = arith.index_cast %get3A_1015 : i32 to index
          %get3A_1018 = arith.index_cast %mul3A_985 : i32 to index
          %get3A_1019 = tpu.vector_load %arg18[%get3A_1016, %get3A_1017, %get3A_1018] {strides = array<i32>} : memref<16x4x128xf32, #tpu.memory_space<vmem>>, vector<16xf32>,
          %add3A_1020 = arith.addf %sub3A_1014, %get3A_1019 : vector<16xf32>
          %swap3A_1021 = arith.constant 0 : i32
          %swap3A_1022 = arith.index_cast %select_n3A_967 : i32 to index
          %swap3A_1023 = arith.index_cast %swap3A_1021 : i32 to index
          %swap3A_1024 = arith.index_cast %mul3A_985 : i32 to index
          %swap3A_1025 = tpu.vector_load %arg20[%swap3A_1022, %swap3A_1023, %swap3A_1024] {strides = array<i32>} : memref<16x4x128xf32, #tpu.memory_space<vmem>>, vector<16xf32>,
          tpu.vector_store %arg20[%swap3A_1022, %swap3A_1023, %swap3A_1024], %add3A_1002 {strides = array<i32>} : memref<16x4x128xf32, #tpu.memory_space<vmem>>, vector<16xf32>,
          %swap3A_1026 = arith.constant 1 : i32
          %swap3A_1027 = arith.index_cast %select_n3A_967 : i32 to index
          %swap3A_1028 = arith.index_cast %swap3A_1026 : i32 to index
          %swap3A_1029 = arith.index_cast %mul3A_985 : i32 to index
          %swap3A_1030 = tpu.vector_load %arg20[%swap3A_1027, %swap3A_1028, %swap3A_1029] {strides = array<i32>} : memref<16x4x128xf32, #tpu.memory_space<vmem>>, vector<16xf32>,
          tpu.vector_store %arg20[%swap3A_1027, %swap3A_1028, %swap3A_1029], %add3A_1011 {strides = array<i32>} : memref<16x4x128xf32, #tpu.memory_space<vmem>>, vector<16xf32>,
          %swap3A_1031 = arith.constant 2 : i32
          %swap3A_1032 = arith.index_cast %select_n3A_967 : i32 to index
          %swap3A_1033 = arith.index_cast %swap3A_1031 : i32 to index
          %swap3A_1034 = arith.index_cast %mul3A_985 : i32 to index
          %swap3A_1035 = tpu.vector_load %arg20[%swap3A_1032, %swap3A_1033, %swap3A_1034] {strides = array<i32>} : memref<16x4x128xf32, #tpu.memory_space<vmem>>, vector<16xf32>,
          tpu.vector_store %arg20[%swap3A_1032, %swap3A_1033, %swap3A_1034], %add3A_1020 {strides = array<i32>} : memref<16x4x128xf32, #tpu.memory_space<vmem>>, vector<16xf32>,
          %mul3A_1036 = arith.mulf %add3A_1002, %add3A_1002 : vector<16xf32>
          %mul3A_1037 = arith.mulf %add3A_1011, %add3A_1011 : vector<16xf32>
          %add3A_1038 = arith.addf %mul3A_1036, %mul3A_1037 : vector<16xf32>
          %mul3A_1039 = arith.mulf %add3A_1020, %add3A_1020 : vector<16xf32>
          %add3A_1040 = arith.addf %add3A_1038, %mul3A_1039 : vector<16xf32>
          %bitcast3A_1041 = vector.bitcast %add3A_1040 : vector<16xf32> to vector<16xi32>
          %broadcast_in_dim3A_1042 = arith.constant 1597463007 : i32
          %broadcast_in_dim3A_1043 = vector.broadcast %broadcast_in_dim3A_1042 : i32 to vector<16xi32>
          %shift_right_logical3A_1044 = arith.constant 1 : i32
          %shift_right_logical3A_1045 = vector.broadcast %shift_right_logical3A_1044 : i32 to vector<16xi32>
          %shift_right_logical3A_1046 = arith.shrui %bitcast3A_1041, %shift_right_logical3A_1045 : vector<16xi32>
          %sub3A_1047 = arith.subi %broadcast_in_dim3A_1043, %shift_right_logical3A_1046 : vector<16xi32>
          %bitcast3A_1048 = vector.bitcast %sub3A_1047 : vector<16xi32> to vector<16xf32>
          %mul3A_1049 = arith.constant 5.000000e-01 : f32
          %mul3A_1050 = vector.broadcast %mul3A_1049 : f32 to vector<16xf32>
          %mul3A_1051 = arith.mulf %add3A_1040, %mul3A_1050 : vector<16xf32>
          %mul3A_1052 = arith.mulf %mul3A_1051, %bitcast3A_1048 : vector<16xf32>
          %mul3A_1053 = arith.mulf %mul3A_1052, %bitcast3A_1048 : vector<16xf32>
          %sub3A_1054 = arith.constant 1.500000e+00 : f32
          %sub3A_1055 = vector.broadcast %sub3A_1054 : f32 to vector<16xf32>
          %sub3A_1056 = arith.subf %sub3A_1055, %mul3A_1053 : vector<16xf32>
          %mul3A_1057 = arith.mulf %bitcast3A_1048, %sub3A_1056 : vector<16xf32>
          %mul3A_1058 = arith.mulf %mul3A_1051, %mul3A_1057 : vector<16xf32>
          %mul3A_1059 = arith.mulf %mul3A_1058, %mul3A_1057 : vector<16xf32>
          %sub3A_1060 = arith.constant 1.500000e+00 : f32
          %sub3A_1061 = vector.broadcast %sub3A_1060 : f32 to vector<16xf32>
          %sub3A_1062 = arith.subf %sub3A_1061, %mul3A_1059 : vector<16xf32>
          %mul3A_1063 = arith.mulf %mul3A_1057, %sub3A_1062 : vector<16xf32>
          %mul3A_1064 = arith.mulf %mul3A_1051, %mul3A_1063 : vector<16xf32>
          %mul3A_1065 = arith.mulf %mul3A_1064, %mul3A_1063 : vector<16xf32>
          %sub3A_1066 = arith.constant 1.500000e+00 : f32
          %sub3A_1067 = vector.broadcast %sub3A_1066 : f32 to vector<16xf32>
          %sub3A_1068 = arith.subf %sub3A_1067, %mul3A_1065 : vector<16xf32>
          %mul3A_1069 = arith.mulf %mul3A_1063, %sub3A_1068 : vector<16xf32>
          %mul3A_1070 = arith.mulf %add3A_1040, %mul3A_1069 : vector<16xf32>
          %gt3A_1071 = arith.constant 0.000000e+00 : f32
          %gt3A_1072 = vector.broadcast %gt3A_1071 : f32 to vector<16xf32>
          %gt3A_1073 = arith.cmpf ogt, %add3A_1040, %gt3A_1072 : vector<16xf32>
          %jit3A_1074 = arith.constant 0.000000e+00 : f32
          %broadcast_in_dim3A_1075 = vector.broadcast %jit3A_1074 : f32 to vector<16xf32>
          %select_n3A_1076 = arith.select %gt3A_1073, %mul3A_1070, %broadcast_in_dim3A_1075 : vector<16xi1>, vector<16xf32>
          %swap3A_1077 = arith.index_cast %select_n3A_967 : i32 to index
          %swap3A_1078 = arith.index_cast %mul3A_985 : i32 to index
          %swap3A_1079 = tpu.vector_load %arg22[%swap3A_1077, %swap3A_1078] {strides = array<i32>} : memref<16x128xf32, #tpu.memory_space<vmem>>, vector<16xf32>,
          tpu.vector_store %arg22[%swap3A_1077, %swap3A_1078], %select_n3A_1076 {strides = array<i32>} : memref<16x128xf32, #tpu.memory_space<vmem>>, vector<16xf32>,
          %scan3A_1080 = arith.constant 7 : i32
          %scan3A_1081 = arith.addi %scan3A_128, %scan3A_1080 : i32
          %jit3A_1082 = arith.constant 8 : i32
          %div3A_1083 = arith.divsi %scan3A_1081, %jit3A_1082 : i32
          %sign3A_1084 = arith.constant 0 : i32
          %sign3A_1085 = arith.cmpi sgt, %scan3A_1081, %sign3A_1084 : i32
          %sign3A_1086 = arith.extui %sign3A_1085 : i1 to i32
          %sign3A_1087 = arith.constant 0 : i32
          %sign3A_1088 = arith.cmpi slt, %scan3A_1081, %sign3A_1087 : i32
          %sign3A_1089 = arith.extui %sign3A_1088 : i1 to i32
          %sign3A_1090 = arith.subi %sign3A_1086, %sign3A_1089 : i32
          %sign3A_1091 = arith.constant 0 : i32
          %sign3A_1092 = arith.cmpi sgt, %jit3A_1082, %sign3A_1091 : i32
          %sign3A_1093 = arith.extui %sign3A_1092 : i1 to i32
          %sign3A_1094 = arith.constant 0 : i32
          %sign3A_1095 = arith.cmpi slt, %jit3A_1082, %sign3A_1094 : i32
          %sign3A_1096 = arith.extui %sign3A_1095 : i1 to i32
          %sign3A_1097 = arith.subi %sign3A_1093, %sign3A_1096 : i32
          %ne3A_1098 = arith.cmpi ne, %sign3A_1090, %sign3A_1097 : i32
          %rem3A_1099 = arith.remsi %scan3A_1081, %jit3A_1082 : i32
          %ne3A_1100 = arith.constant 0 : i32
          %ne3A_1101 = arith.cmpi ne, %rem3A_1099, %ne3A_1100 : i32
          %and3A_1102 = arith.andi %ne3A_1098, %ne3A_1101 : i1
          %sub3A_1103 = arith.constant 1 : i32
          %sub3A_1104 = arith.subi %div3A_1083, %sub3A_1103 : i32
          %select_n3A_1105 = arith.select %and3A_1102, %sub3A_1104, %div3A_1083 : i32
          %jit3A_1106 = arith.constant 8 : i32
          %eq3A_1107 = arith.constant 0 : i32
          %eq3A_1108 = arith.cmpi eq, %jit3A_1106, %eq3A_1107 : i32
          %jit3A_1109 = arith.constant 1 : i32
          %select_n3A_1110 = arith.select %eq3A_1108, %jit3A_1109, %jit3A_1106 : i32
          %rem3A_1111 = arith.remsi %scan3A_1081, %select_n3A_1110 : i32
          %ne3A_1112 = arith.constant 0 : i32
          %ne3A_1113 = arith.cmpi ne, %rem3A_1111, %ne3A_1112 : i32
          %lt3A_1114 = arith.constant 0 : i32
          %lt3A_1115 = arith.cmpi slt, %rem3A_1111, %lt3A_1114 : i32
          %lt3A_1116 = arith.constant 0 : i32
          %lt3A_1117 = arith.cmpi slt, %select_n3A_1110, %lt3A_1116 : i32
          %ne3A_1118 = arith.xori %lt3A_1115, %lt3A_1117 : i1
          %and3A_1119 = arith.andi %ne3A_1118, %ne3A_1113 : i1
          %add3A_1120 = arith.addi %rem3A_1111, %select_n3A_1110 : i32
          %select_n3A_1121 = arith.select %and3A_1119, %add3A_1120, %rem3A_1111 : i32
          %mul3A_1122 = arith.constant 16 : i32
          %mul3A_1123 = arith.muli %select_n3A_1121, %mul3A_1122 : i32
          %mul3A_1124 = arith.constant 256 : i32
          %mul3A_1125 = arith.muli %mul3A_1124, %select_n3A_1105 : i32
          %add3A_1126 = arith.addi %mul3A_1125, %mul3A_1123 : i32
          %add3A_1127 = vector.broadcast %add3A_1126 : i32 to vector<16xi32>
          %add3A_1128 = arith.addi %add3A_1127, %iota3A : vector<16xi32>
          %add3A_1129 = arith.constant 128 : i32
          %add3A_1130 = vector.broadcast %add3A_1129 : i32 to vector<16xi32>
          %add3A_1131 = arith.addi %add3A_1128, %add3A_1130 : vector<16xi32>
          %gather3A_1132 = tpu.vector_load_idx %arg16[%add3A_1131, %broadcast_in_dim3A_1] : memref<4096x8xf32, #tpu.memory_space<vmem>>[vector<16xi32>, vector<16xi32>], vector<16xf32>,
          %gather3A_1133 = tpu.vector_load_idx %arg16[%add3A_1128, %broadcast_in_dim3A_1] : memref<4096x8xf32, #tpu.memory_space<vmem>>[vector<16xi32>, vector<16xi32>], vector<16xf32>,
          %sub3A_1134 = arith.subf %gather3A_1132, %gather3A_1133 : vector<16xf32>
          %get3A_1135 = arith.constant 0 : i32
          %get3A_1136 = arith.index_cast %select_n3A_1105 : i32 to index
          %get3A_1137 = arith.index_cast %get3A_1135 : i32 to index
          %get3A_1138 = arith.index_cast %mul3A_1123 : i32 to index
          %get3A_1139 = tpu.vector_load %arg18[%get3A_1136, %get3A_1137, %get3A_1138] {strides = array<i32>} : memref<16x4x128xf32, #tpu.memory_space<vmem>>, vector<16xf32>,
          %add3A_1140 = arith.addf %sub3A_1134, %get3A_1139 : vector<16xf32>
          %gather3A_1141 = tpu.vector_load_idx %arg16[%add3A_1131, %broadcast_in_dim3A_3] : memref<4096x8xf32, #tpu.memory_space<vmem>>[vector<16xi32>, vector<16xi32>], vector<16xf32>,
          %gather3A_1142 = tpu.vector_load_idx %arg16[%add3A_1128, %broadcast_in_dim3A_3] : memref<4096x8xf32, #tpu.memory_space<vmem>>[vector<16xi32>, vector<16xi32>], vector<16xf32>,
          %sub3A_1143 = arith.subf %gather3A_1141, %gather3A_1142 : vector<16xf32>
          %get3A_1144 = arith.constant 1 : i32
          %get3A_1145 = arith.index_cast %select_n3A_1105 : i32 to index
          %get3A_1146 = arith.index_cast %get3A_1144 : i32 to index
          %get3A_1147 = arith.index_cast %mul3A_1123 : i32 to index
          %get3A_1148 = tpu.vector_load %arg18[%get3A_1145, %get3A_1146, %get3A_1147] {strides = array<i32>} : memref<16x4x128xf32, #tpu.memory_space<vmem>>, vector<16xf32>,
          %add3A_1149 = arith.addf %sub3A_1143, %get3A_1148 : vector<16xf32>
          %gather3A_1150 = tpu.vector_load_idx %arg16[%add3A_1131, %broadcast_in_dim3A_5] : memref<4096x8xf32, #tpu.memory_space<vmem>>[vector<16xi32>, vector<16xi32>], vector<16xf32>,
          %gather3A_1151 = tpu.vector_load_idx %arg16[%add3A_1128, %broadcast_in_dim3A_5] : memref<4096x8xf32, #tpu.memory_space<vmem>>[vector<16xi32>, vector<16xi32>], vector<16xf32>,
          %sub3A_1152 = arith.subf %gather3A_1150, %gather3A_1151 : vector<16xf32>
          %get3A_1153 = arith.constant 2 : i32
          %get3A_1154 = arith.index_cast %select_n3A_1105 : i32 to index
          %get3A_1155 = arith.index_cast %get3A_1153 : i32 to index
          %get3A_1156 = arith.index_cast %mul3A_1123 : i32 to index
          %get3A_1157 = tpu.vector_load %arg18[%get3A_1154, %get3A_1155, %get3A_1156] {strides = array<i32>} : memref<16x4x128xf32, #tpu.memory_space<vmem>>, vector<16xf32>,
          %add3A_1158 = arith.addf %sub3A_1152, %get3A_1157 : vector<16xf32>
          %swap3A_1159 = arith.constant 0 : i32
          %swap3A_1160 = arith.index_cast %select_n3A_1105 : i32 to index
          %swap3A_1161 = arith.index_cast %swap3A_1159 : i32 to index
          %swap3A_1162 = arith.index_cast %mul3A_1123 : i32 to index
          %swap3A_1163 = tpu.vector_load %arg20[%swap3A_1160, %swap3A_1161, %swap3A_1162] {strides = array<i32>} : memref<16x4x128xf32, #tpu.memory_space<vmem>>, vector<16xf32>,
          tpu.vector_store %arg20[%swap3A_1160, %swap3A_1161, %swap3A_1162], %add3A_1140 {strides = array<i32>} : memref<16x4x128xf32, #tpu.memory_space<vmem>>, vector<16xf32>,
          %swap3A_1164 = arith.constant 1 : i32
          %swap3A_1165 = arith.index_cast %select_n3A_1105 : i32 to index
          %swap3A_1166 = arith.index_cast %swap3A_1164 : i32 to index
          %swap3A_1167 = arith.index_cast %mul3A_1123 : i32 to index
          %swap3A_1168 = tpu.vector_load %arg20[%swap3A_1165, %swap3A_1166, %swap3A_1167] {strides = array<i32>} : memref<16x4x128xf32, #tpu.memory_space<vmem>>, vector<16xf32>,
          tpu.vector_store %arg20[%swap3A_1165, %swap3A_1166, %swap3A_1167], %add3A_1149 {strides = array<i32>} : memref<16x4x128xf32, #tpu.memory_space<vmem>>, vector<16xf32>,
          %swap3A_1169 = arith.constant 2 : i32
          %swap3A_1170 = arith.index_cast %select_n3A_1105 : i32 to index
          %swap3A_1171 = arith.index_cast %swap3A_1169 : i32 to index
          %swap3A_1172 = arith.index_cast %mul3A_1123 : i32 to index
          %swap3A_1173 = tpu.vector_load %arg20[%swap3A_1170, %swap3A_1171, %swap3A_1172] {strides = array<i32>} : memref<16x4x128xf32, #tpu.memory_space<vmem>>, vector<16xf32>,
          tpu.vector_store %arg20[%swap3A_1170, %swap3A_1171, %swap3A_1172], %add3A_1158 {strides = array<i32>} : memref<16x4x128xf32, #tpu.memory_space<vmem>>, vector<16xf32>,
          %mul3A_1174 = arith.mulf %add3A_1140, %add3A_1140 : vector<16xf32>
          %mul3A_1175 = arith.mulf %add3A_1149, %add3A_1149 : vector<16xf32>
          %add3A_1176 = arith.addf %mul3A_1174, %mul3A_1175 : vector<16xf32>
          %mul3A_1177 = arith.mulf %add3A_1158, %add3A_1158 : vector<16xf32>
          %add3A_1178 = arith.addf %add3A_1176, %mul3A_1177 : vector<16xf32>
          %bitcast3A_1179 = vector.bitcast %add3A_1178 : vector<16xf32> to vector<16xi32>
          %broadcast_in_dim3A_1180 = arith.constant 1597463007 : i32
          %broadcast_in_dim3A_1181 = vector.broadcast %broadcast_in_dim3A_1180 : i32 to vector<16xi32>
          %shift_right_logical3A_1182 = arith.constant 1 : i32
          %shift_right_logical3A_1183 = vector.broadcast %shift_right_logical3A_1182 : i32 to vector<16xi32>
          %shift_right_logical3A_1184 = arith.shrui %bitcast3A_1179, %shift_right_logical3A_1183 : vector<16xi32>
          %sub3A_1185 = arith.subi %broadcast_in_dim3A_1181, %shift_right_logical3A_1184 : vector<16xi32>
          %bitcast3A_1186 = vector.bitcast %sub3A_1185 : vector<16xi32> to vector<16xf32>
          %mul3A_1187 = arith.constant 5.000000e-01 : f32
          %mul3A_1188 = vector.broadcast %mul3A_1187 : f32 to vector<16xf32>
          %mul3A_1189 = arith.mulf %add3A_1178, %mul3A_1188 : vector<16xf32>
          %mul3A_1190 = arith.mulf %mul3A_1189, %bitcast3A_1186 : vector<16xf32>
          %mul3A_1191 = arith.mulf %mul3A_1190, %bitcast3A_1186 : vector<16xf32>
          %sub3A_1192 = arith.constant 1.500000e+00 : f32
          %sub3A_1193 = vector.broadcast %sub3A_1192 : f32 to vector<16xf32>
          %sub3A_1194 = arith.subf %sub3A_1193, %mul3A_1191 : vector<16xf32>
          %mul3A_1195 = arith.mulf %bitcast3A_1186, %sub3A_1194 : vector<16xf32>
          %mul3A_1196 = arith.mulf %mul3A_1189, %mul3A_1195 : vector<16xf32>
          %mul3A_1197 = arith.mulf %mul3A_1196, %mul3A_1195 : vector<16xf32>
          %sub3A_1198 = arith.constant 1.500000e+00 : f32
          %sub3A_1199 = vector.broadcast %sub3A_1198 : f32 to vector<16xf32>
          %sub3A_1200 = arith.subf %sub3A_1199, %mul3A_1197 : vector<16xf32>
          %mul3A_1201 = arith.mulf %mul3A_1195, %sub3A_1200 : vector<16xf32>
          %mul3A_1202 = arith.mulf %mul3A_1189, %mul3A_1201 : vector<16xf32>
          %mul3A_1203 = arith.mulf %mul3A_1202, %mul3A_1201 : vector<16xf32>
          %sub3A_1204 = arith.constant 1.500000e+00 : f32
          %sub3A_1205 = vector.broadcast %sub3A_1204 : f32 to vector<16xf32>
          %sub3A_1206 = arith.subf %sub3A_1205, %mul3A_1203 : vector<16xf32>
          %mul3A_1207 = arith.mulf %mul3A_1201, %sub3A_1206 : vector<16xf32>
          %mul3A_1208 = arith.mulf %add3A_1178, %mul3A_1207 : vector<16xf32>
          %gt3A_1209 = arith.constant 0.000000e+00 : f32
          %gt3A_1210 = vector.broadcast %gt3A_1209 : f32 to vector<16xf32>
          %gt3A_1211 = arith.cmpf ogt, %add3A_1178, %gt3A_1210 : vector<16xf32>
          %jit3A_1212 = arith.constant 0.000000e+00 : f32
          %broadcast_in_dim3A_1213 = vector.broadcast %jit3A_1212 : f32 to vector<16xf32>
          %select_n3A_1214 = arith.select %gt3A_1211, %mul3A_1208, %broadcast_in_dim3A_1213 : vector<16xi1>, vector<16xf32>
          %swap3A_1215 = arith.index_cast %select_n3A_1105 : i32 to index
          %swap3A_1216 = arith.index_cast %mul3A_1123 : i32 to index
          %swap3A_1217 = tpu.vector_load %arg22[%swap3A_1215, %swap3A_1216] {strides = array<i32>} : memref<16x128xf32, #tpu.memory_space<vmem>>, vector<16xf32>,
          tpu.vector_store %arg22[%swap3A_1215, %swap3A_1216], %select_n3A_1214 {strides = array<i32>} : memref<16x128xf32, #tpu.memory_space<vmem>>, vector<16xf32>,
        }
        %scan3A_115 = arith.constant 128 : i32
        %mul3A_116 = arith.constant 16 : i32
        %mul3A_117 = arith.muli %add3A_57, %mul3A_116 : i32
        %dma_start3A_118 = arith.constant 0 : i32
        %dma_start3A_119 = arith.constant 0 : i32
        %dma_start3A_120 = tpu.memref_slice %arg9[%mul3A_117, %dma_start3A_118, %dma_start3A_119] : memref<50000x4x128xf32, #tpu.memory_space<hbm>> -> memref<16x4x128xf32, #tpu.memory_space<hbm>>
        %dma_start3A_121 = arith.constant 0 : i32
        %dma_start3A_122 = arith.constant 0 : i32
        %dma_start3A_123 = tpu.memref_slice %arg9[%mul3A_117, %dma_start3A_121, %dma_start3A_122] : memref<50000x4x128xf32, #tpu.memory_space<hbm>> -> memref<16x4x128xf32, #tpu.memory_space<hbm>>
        tpu.enqueue_dma source(%arg20 : memref<16x4x128xf32, #tpu.memory_space<vmem>>) target(%dma_start3A_123 : memref<16x4x128xf32, #tpu.memory_space<hbm>>) target_semaphore(%arg32 : memref<!tpu.dma_semaphore, #tpu.memory_space<semaphore_mem>>)
        %dma_start3A_124 = arith.constant 0 : i32
        %dma_start3A_125 = tpu.memref_slice %arg10[%mul3A_117, %dma_start3A_124] : memref<50000x128xf32, #tpu.memory_space<hbm>> -> memref<16x128xf32, #tpu.memory_space<hbm>>
        %dma_start3A_126 = arith.constant 0 : i32
        %dma_start3A_127 = tpu.memref_slice %arg10[%mul3A_117, %dma_start3A_126] : memref<50000x128xf32, #tpu.memory_space<hbm>> -> memref<16x128xf32, #tpu.memory_space<hbm>>
        tpu.enqueue_dma source(%arg22 : memref<16x128xf32, #tpu.memory_space<vmem>>) target(%dma_start3A_127 : memref<16x128xf32, #tpu.memory_space<hbm>>) target_semaphore(%arg32 : memref<!tpu.dma_semaphore, #tpu.memory_space<semaphore_mem>>)
      } else {
      }
    }
    %scan3A_15 = arith.constant 49 : i32
    %dma_wait3A = arith.constant 0 : i32
    %dma_wait3A_16 = arith.constant 0 : i32
    %dma_wait3A_17 = arith.constant 0 : i32
    %dma_wait3A_18 = tpu.memref_slice %arg9[%dma_wait3A, %dma_wait3A_16, %dma_wait3A_17] : memref<50000x4x128xf32, #tpu.memory_space<hbm>> -> memref<16x4x128xf32, #tpu.memory_space<hbm>>
    %dma_wait3A_19 = arith.constant 0 : i32
    %dma_wait3A_20 = arith.constant 0 : i32
    %dma_wait3A_21 = arith.constant 0 : i32
    %dma_wait3A_22 = tpu.memref_slice %arg9[%dma_wait3A_19, %dma_wait3A_20, %dma_wait3A_21] : memref<50000x4x128xf32, #tpu.memory_space<hbm>> -> memref<16x4x128xf32, #tpu.memory_space<hbm>>
    tpu.wait_dma2 semaphore(%arg31 : memref<!tpu.dma_semaphore, #tpu.memory_space<semaphore_mem>>) src(%arg19 : memref<16x4x128xf32, #tpu.memory_space<vmem>>) dst(%dma_wait3A_22 : memref<16x4x128xf32, #tpu.memory_space<hbm>>)
    %dma_wait3A_23 = arith.constant 0 : i32
    %dma_wait3A_24 = arith.constant 0 : i32
    %dma_wait3A_25 = tpu.memref_slice %arg10[%dma_wait3A_23, %dma_wait3A_24] : memref<50000x128xf32, #tpu.memory_space<hbm>> -> memref<16x128xf32, #tpu.memory_space<hbm>>
    %dma_wait3A_26 = arith.constant 0 : i32
    %dma_wait3A_27 = arith.constant 0 : i32
    %dma_wait3A_28 = tpu.memref_slice %arg10[%dma_wait3A_26, %dma_wait3A_27] : memref<50000x128xf32, #tpu.memory_space<hbm>> -> memref<16x128xf32, #tpu.memory_space<hbm>>
    tpu.wait_dma2 semaphore(%arg31 : memref<!tpu.dma_semaphore, #tpu.memory_space<semaphore_mem>>) src(%arg21 : memref<16x128xf32, #tpu.memory_space<vmem>>) dst(%dma_wait3A_28 : memref<16x128xf32, #tpu.memory_space<hbm>>)
    %dma_wait3A_29 = arith.constant 0 : i32
    %dma_wait3A_30 = arith.constant 0 : i32
    %dma_wait3A_31 = arith.constant 0 : i32
    %dma_wait3A_32 = tpu.memref_slice %arg9[%dma_wait3A_29, %dma_wait3A_30, %dma_wait3A_31] : memref<50000x4x128xf32, #tpu.memory_space<hbm>> -> memref<16x4x128xf32, #tpu.memory_space<hbm>>
    %dma_wait3A_33 = arith.constant 0 : i32
    %dma_wait3A_34 = arith.constant 0 : i32
    %dma_wait3A_35 = arith.constant 0 : i32
    %dma_wait3A_36 = tpu.memref_slice %arg9[%dma_wait3A_33, %dma_wait3A_34, %dma_wait3A_35] : memref<50000x4x128xf32, #tpu.memory_space<hbm>> -> memref<16x4x128xf32, #tpu.memory_space<hbm>>
    tpu.wait_dma2 semaphore(%arg32 : memref<!tpu.dma_semaphore, #tpu.memory_space<semaphore_mem>>) src(%arg20 : memref<16x4x128xf32, #tpu.memory_space<vmem>>) dst(%dma_wait3A_36 : memref<16x4x128xf32, #tpu.memory_space<hbm>>)
    %dma_wait3A_37 = arith.constant 0 : i32
    %dma_wait3A_38 = arith.constant 0 : i32
    %dma_wait3A_39 = tpu.memref_slice %arg10[%dma_wait3A_37, %dma_wait3A_38] : memref<50000x128xf32, #tpu.memory_space<hbm>> -> memref<16x128xf32, #tpu.memory_space<hbm>>
    %dma_wait3A_40 = arith.constant 0 : i32
    %dma_wait3A_41 = arith.constant 0 : i32
    %dma_wait3A_42 = tpu.memref_slice %arg10[%dma_wait3A_40, %dma_wait3A_41] : memref<50000x128xf32, #tpu.memory_space<hbm>> -> memref<16x128xf32, #tpu.memory_space<hbm>>
    tpu.wait_dma2 semaphore(%arg32 : memref<!tpu.dma_semaphore, #tpu.memory_space<semaphore_mem>>) src(%arg22 : memref<16x128xf32, #tpu.memory_space<vmem>>) dst(%dma_wait3A_42 : memref<16x128xf32, #tpu.memory_space<hbm>>)
    %eq3A = arith.constant 0 : i32
    %eq3A_43 = arith.cmpi eq, %add3A, %eq3A : i32
    %convert_element_type3A = arith.extui %eq3A_43 : i1 to i32
    %cond3A = arith.constant 0 : i32
    %cond3A_44 = arith.cmpi ne, %convert_element_type3A, %cond3A : i32
    scf.if %cond3A_44 {
      "tpu.region"() ({
        %run_scoped3A = tpu.sem_alloc : memref<!tpu.dma_semaphore, #tpu.memory_space<semaphore_mem>>
        tpu.enqueue_dma source(%arg5 : memref<129xi32, #tpu.memory_space<hbm>>) target(%arg23 : memref<129xi32, #tpu.memory_space<vmem>>) target_semaphore(%run_scoped3A : memref<!tpu.dma_semaphore, #tpu.memory_space<semaphore_mem>>)
        tpu.wait_dma2 semaphore(%run_scoped3A : memref<!tpu.dma_semaphore, #tpu.memory_space<semaphore_mem>>) src(%arg5 : memref<129xi32, #tpu.memory_space<hbm>>) dst(%arg23 : memref<129xi32, #tpu.memory_space<vmem>>)
        tpu.yield
      }) : () -> ()
      %scan3A_45 = arith.constant 0 : i32
      %scan3A_46 = arith.constant 8 : i32
      %scan3A_47 = arith.addi %scan3A_45, %scan3A_46 : i32
      %scan3A_48 = arith.constant 1 : i32
      scf.for %scan3A_55 = %scan3A_45 to %scan3A_47 step %scan3A_48  : i32 {
        %mul3A_56 = arith.constant 16 : i32
        %mul3A_57 = arith.muli %scan3A_55, %mul3A_56 : i32
        %add3A_58 = vector.broadcast %mul3A_57 : i32 to vector<16xi32>
        %add3A_59 = arith.addi %add3A_58, %iota3A : vector<16xi32>
        %gather3A = tpu.vector_load_idx %arg23[%add3A_59] : memref<129xi32, #tpu.memory_space<vmem>>[vector<16xi32>], vector<16xi32>,
        %mul3A_60 = arith.constant 16 : i32
        %mul3A_61 = arith.muli %scan3A_55, %mul3A_60 : i32
        %add3A_62 = arith.constant 1 : i32
        %add3A_63 = arith.addi %mul3A_61, %add3A_62 : i32
        %add3A_64 = vector.broadcast %add3A_63 : i32 to vector<16xi32>
        %add3A_65 = arith.addi %add3A_64, %iota3A : vector<16xi32>
        %gather3A_66 = tpu.vector_load_idx %arg23[%add3A_65] : memref<129xi32, #tpu.memory_space<vmem>>[vector<16xi32>], vector<16xi32>,
        %sub3A = arith.subi %gather3A_66, %gather3A : vector<16xi32>
        %mul3A_67 = arith.constant 16 : i32
        %mul3A_68 = arith.muli %scan3A_55, %mul3A_67 : i32
        %swap3A = arith.index_cast %mul3A_68 : i32 to index
        %swap3A_69 = tpu.vector_load %arg24[%swap3A] {strides = array<i32>} : memref<128xi32, #tpu.memory_space<vmem>>, vector<16xi32>,
        tpu.vector_store %arg24[%swap3A], %sub3A {strides = array<i32>} : memref<128xi32, #tpu.memory_space<vmem>>, vector<16xi32>,
      }
      %scan3A_49 = arith.constant 8 : i32
      "tpu.region"() ({
        %run_scoped3A = tpu.sem_alloc : memref<!tpu.dma_semaphore, #tpu.memory_space<semaphore_mem>>
        tpu.enqueue_dma source(%arg24 : memref<128xi32, #tpu.memory_space<vmem>>) target(%arg11 : memref<128xi32, #tpu.memory_space<hbm>>) target_semaphore(%run_scoped3A : memref<!tpu.dma_semaphore, #tpu.memory_space<semaphore_mem>>)
        tpu.wait_dma2 semaphore(%run_scoped3A : memref<!tpu.dma_semaphore, #tpu.memory_space<semaphore_mem>>) src(%arg24 : memref<128xi32, #tpu.memory_space<vmem>>) dst(%arg11 : memref<128xi32, #tpu.memory_space<hbm>>)
        tpu.yield
      }) : () -> ()
      "tpu.region"() ({
        %run_scoped3A = tpu.sem_alloc : memref<!tpu.dma_semaphore, #tpu.memory_space<semaphore_mem>>
        tpu.enqueue_dma source(%arg6 : memref<128x6xf32, #tpu.memory_space<hbm>>) target(%arg25 : memref<128x6xf32, #tpu.memory_space<vmem>>) target_semaphore(%run_scoped3A : memref<!tpu.dma_semaphore, #tpu.memory_space<semaphore_mem>>)
        tpu.wait_dma2 semaphore(%run_scoped3A : memref<!tpu.dma_semaphore, #tpu.memory_space<semaphore_mem>>) src(%arg6 : memref<128x6xf32, #tpu.memory_space<hbm>>) dst(%arg25 : memref<128x6xf32, #tpu.memory_space<vmem>>)
        tpu.yield
      }) : () -> ()
      "tpu.region"() ({
        %run_scoped3A = tpu.sem_alloc : memref<!tpu.dma_semaphore, #tpu.memory_space<semaphore_mem>>
        tpu.enqueue_dma source(%arg7 : memref<1152xi32, #tpu.memory_space<hbm>>) target(%arg26 : memref<1152xi32, #tpu.memory_space<vmem>>) target_semaphore(%run_scoped3A : memref<!tpu.dma_semaphore, #tpu.memory_space<semaphore_mem>>)
        tpu.wait_dma2 semaphore(%run_scoped3A : memref<!tpu.dma_semaphore, #tpu.memory_space<semaphore_mem>>) src(%arg7 : memref<1152xi32, #tpu.memory_space<hbm>>) dst(%arg26 : memref<1152xi32, #tpu.memory_space<vmem>>)
        tpu.yield
      }) : () -> ()
      "tpu.region"() ({
        %run_scoped3A = tpu.sem_alloc : memref<!tpu.dma_semaphore, #tpu.memory_space<semaphore_mem>>
        tpu.enqueue_dma source(%arg8 : memref<1152xi32, #tpu.memory_space<hbm>>) target(%arg27 : memref<1152xi32, #tpu.memory_space<vmem>>) target_semaphore(%run_scoped3A : memref<!tpu.dma_semaphore, #tpu.memory_space<semaphore_mem>>)
        tpu.wait_dma2 semaphore(%run_scoped3A : memref<!tpu.dma_semaphore, #tpu.memory_space<semaphore_mem>>) src(%arg8 : memref<1152xi32, #tpu.memory_space<hbm>>) dst(%arg27 : memref<1152xi32, #tpu.memory_space<vmem>>)
        tpu.yield
      }) : () -> ()
      %scan3A_50 = arith.constant 0 : i32
      %scan3A_51 = arith.constant 72 : i32
      %scan3A_52 = arith.addi %scan3A_50, %scan3A_51 : i32
      %scan3A_53 = arith.constant 1 : i32
      scf.for %scan3A_55 = %scan3A_50 to %scan3A_52 step %scan3A_53  : i32 {
        %mul3A_56 = arith.constant 16 : i32
        %mul3A_57 = arith.muli %scan3A_55, %mul3A_56 : i32
        %get3A = arith.index_cast %mul3A_57 : i32 to index
        %get3A_58 = tpu.vector_load %arg26[%get3A] {strides = array<i32>} : memref<1152xi32, #tpu.memory_space<vmem>>, vector<16xi32>,
        %mul3A_59 = arith.constant 16 : i32
        %mul3A_60 = arith.muli %scan3A_55, %mul3A_59 : i32
        %get3A_61 = arith.index_cast %mul3A_60 : i32 to index
        %get3A_62 = tpu.vector_load %arg27[%get3A_61] {strides = array<i32>} : memref<1152xi32, #tpu.memory_space<vmem>>, vector<16xi32>,
        %gather3A = tpu.vector_load_idx %arg25[%get3A_58, %get3A_62] : memref<128x6xf32, #tpu.memory_space<vmem>>[vector<16xi32>, vector<16xi32>], vector<16xf32>,
        %mul3A_63 = arith.constant 16 : i32
        %mul3A_64 = arith.muli %scan3A_55, %mul3A_63 : i32
        %swap3A = arith.index_cast %mul3A_64 : i32 to index
        %swap3A_65 = tpu.vector_load %arg28[%swap3A] {strides = array<i32>} : memref<1152xf32, #tpu.memory_space<vmem>>, vector<16xf32>,
        tpu.vector_store %arg28[%swap3A], %gather3A {strides = array<i32>} : memref<1152xf32, #tpu.memory_space<vmem>>, vector<16xf32>,
      }
      %scan3A_54 = arith.constant 72 : i32
      "tpu.region"() ({
        %run_scoped3A = tpu.sem_alloc : memref<!tpu.dma_semaphore, #tpu.memory_space<semaphore_mem>>
        tpu.enqueue_dma source(%arg28 : memref<1152xf32, #tpu.memory_space<vmem>>) target(%arg12 : memref<1152xf32, #tpu.memory_space<hbm>>) target_semaphore(%run_scoped3A : memref<!tpu.dma_semaphore, #tpu.memory_space<semaphore_mem>>)
        tpu.wait_dma2 semaphore(%run_scoped3A : memref<!tpu.dma_semaphore, #tpu.memory_space<semaphore_mem>>) src(%arg28 : memref<1152xf32, #tpu.memory_space<vmem>>) dst(%arg12 : memref<1152xf32, #tpu.memory_space<hbm>>)
        tpu.yield
      }) : () -> ()
    } else {
    }
    return
  }
}

</mosaic_0001>

<sc_bundles>
// kernel: _run.3.cloned.1.call-start
scs
__scs_entry_jumppad:
0x0: {  	(pc) =	sbr.rel $0x88, $3  }
0x1: {  	(tag) =	ssettag $0x0;
	lr =	simm.s32 $0x1  }
0x2: {  	[smem:$0x3F9A] =	sst lr;
	_ =	strace $0xD0000000  }
0x3: {  	_ = 	snop  }
0x4: {  	_ = 	snop  }
0x5: {  	_ = 	snop  }
0x6: {  	_ = 	snop  }
0x7: {  	_ = 	snop  }
__scs_overlays_trampoline_lowered:
0x8: {  	[smem:$0x3FA9] =	sst s0  }
0x9: {  	[smem:$0x3FAA] =	sst s1  }
0xa: {  	[smem:$0x3FAB] =	sst s2  }
0xb: {  	[smem:$0x3FAC] =	sst s3  }
0xc: {  	[smem:$0x3FAD] =	sst s4  }
0xd: {  	[smem:$0x3FAE] =	sst s5  }
0xe: {  	[smem:$0x3FAF] =	sst s6  }
0xf: {  	[smem:$0x3FB0] =	sst s7  }
0x10: {  	[smem:$0x3FB1] =	sst s8  }
0x11: {  	[smem:$0x3FB2] =	sst s9;
	s0 =	simm.s32 @!p0 $0x0  }
0x12: {  	s1 =	sld [smem:$0x3F98];
	s0 =	simm.s32 @p0 $0x1  }
0x13: {  	[smem:$0x3FB3] =	sst s0;
	s0 =	simm.s32 @!p1 $0x0  }
0x14: {  	s2 =	sld [smem:$0x3F97];
	s0 =	simm.s32 @p1 $0x1  }
0x15: {  	[smem:$0x3FB4] =	sst s0;
	s0 =	simm.s32 @!p2 $0x0  }
0x16: {  	s3 =	sld [smem:$0x3FDB];
	s0 =	simm.s32 @p2 $0x1  }
0x17: {  	s4 =	simm.s32 $0x1BF5;
	[smem:$0x3FB6] =	sst s0  }
0x18: {  	s0 =	sld [smem:$0x3F99];
	_ =	swait.ge [sflag:s4], $0x0  }
0x19: {  	s7 =	sld [smem:$0x3F9A]  }
0x1a: {  	s8 =	sadd.s32 $0xFFFFE003, lr  }
0x1b: {  	s9 =	sadd.s32 $0xFFFFFEF7, lr;
	s5 =	simm.s32 $0xFFFFFFFF;
	p2 =	slt.u32 s8, $0xFFFFF086  }
0x1c: {  	p1 =	slt.u32 s9, $0xF7A;
	s5 =	simm.s32 @!p2 $0x0  }
0x1d: {  	s5 =	simm.s32 @p1 $0x1;
	p0 =	seq.s32 s7, s2  }
0x1e: {  	s7 =	smul.u32 @!p0 $0xF7A, s2;
	p2 =	seq.s32 @!p0 s5, $0x0  }
0x1f: {  	s9 =	smul.u32 $0xF7A, s1;
	s8 =	simm.s32 @!p0 $0x1BF5;
	p2 =	por !p2, p0  }
0x20: {  	[sflag:s8] =	ssyncset.s32 @!p0 $0xFFFFF086;
	s6 =	sadd.s32 @!p0 s3, s7;
	s7 =	simm.s32 @!p0 $0x108  }
0x21: {  	s3 =	sadd.s32 s3, s9;
	s6 =	sadd.s32 @!p0 $0x88, s6;
	s7 =	simm.s32 @p2 $0x1082  }
0x22: {  	[simem:s7], [sflag:s8] =	dma.local @!p0 [hbm:s6], $0xF7A  }
0x23: {  	s9 =	sor.u32 $0xD0000000, s2;
	s6 =	simm.s32 $0x108;
	_ =	swait.ge @!p0 [sflag:s8], $0x0  }
0x24: {  	s3 =	sadd.s32 $0x88, s3;
	s6 =	simm.s32 @!p1 $0x1082;
	[sflag:s4] =	ssyncset.s32 $0xFFFFF086  }
0x25: {  	[simem:s6], [sflag:s4] =	dma.local [hbm:s3], $0xF7A  }
0x26: {  	[smem:$0x3F9A] =	sst s1;
	(tag) =	ssettag s2;
	_ =	strace s9  }
0x27: {  	s1 =	sld [smem:$0x3FAA]  }
0x28: {  	s2 =	sld [smem:$0x3FAB]  }
0x29: {  	s4 =	sld [smem:$0x3FAD]  }
0x2a: {  	p0 =	seq.s32 s5, $0x0;
	s5 =	sld [smem:$0x3FAE]  }
0x2b: {  	s6 =	sld [smem:$0x3FAF]  }
0x2c: {  	s7 =	sld [smem:$0x3FB0]  }
0x2d: {  	s3 =	simm.s32 $0x108;
	s8 =	sld [smem:$0x3FB1]  }
0x2e: {  	s3 =	simm.s32 @!p0 $0x1082;
	s9 =	sld [smem:$0x3FB2]  }
0x2f: {  	lr =	sadd.s32 s0, s3;
	s0 =	sld [smem:$0x3FA9]  }
0x30: {  	s3 =	sld [smem:$0x3FAC]  }
0x31: {  	[smem:$0x3FB5] =	sst s10  }
0x32: {  	s10 =	sld [smem:$0x3FB3];
	_ =	sdelay $0x3  }
0x33: {  	p0 =	seq.s32 s10, $0x1;
	s10 =	sld [smem:$0x3FB5];
	_ =	sdelay $0x3  }
0x34: {  	[smem:$0x3FB5] =	sst s10  }
0x35: {  	s10 =	sld [smem:$0x3FB4];
	_ =	sdelay $0x3  }
0x36: {  	p1 =	seq.s32 s10, $0x1;
	s10 =	sld [smem:$0x3FB5];
	_ =	sdelay $0x3  }
0x37: {  	[smem:$0x3FB5] =	sst s10  }
0x38: {  	s10 =	sld [smem:$0x3FB6]  }
0x39: {  	_ = 	snop;
	(pc) =	sbr.ind lr, $3  }
0x3a: {  	_ = 	snop  }
0x3b: {  	_ = 	snop  }
0x3c: {  	p2 =	seq.s32 s10, $0x1;
	s10 =	sld [smem:$0x3FB5]  }
0x3d: {  	_ =	shalt  }
0x3e: {  	_ =	shalt  }
0x3f: {  	_ =	shalt  }
0x40: {  	_ =	shalt  }
0x41: {  	_ =	shalt  }
0x42: {  	_ =	shalt  }
0x43: {  	_ =	shalt  }
0x44: {  	_ =	shalt  }
0x45: {  	_ =	shalt  }
0x46: {  	_ =	shalt  }
0x47: {  	_ =	shalt  }
0x48: {  	_ =	shalt  }
0x49: {  	_ =	shalt  }
0x4a: {  	_ =	shalt  }
0x4b: {  	_ =	shalt  }
0x4c: {  	_ =	shalt  }
0x4d: {  	_ =	shalt  }
0x4e: {  	_ =	shalt  }
0x4f: {  	_ =	shalt  }
0x50: {  	_ =	shalt  }
0x51: {  	_ =	shalt  }
0x52: {  	_ =	shalt  }
0x53: {  	_ =	shalt  }
0x54: {  	_ =	shalt  }
0x55: {  	_ =	shalt  }
0x56: {  	_ =	shalt  }
0x57: {  	_ =	shalt  }
0x58: {  	_ =	shalt  }
0x59: {  	_ =	shalt  }
0x5a: {  	_ =	shalt  }
0x5b: {  	_ =	shalt  }
0x5c: {  	_ =	shalt  }
0x5d: {  	_ =	shalt  }
0x5e: {  	_ =	shalt  }
0x5f: {  	_ =	shalt  }
0x60: {  	_ =	shalt  }
0x61: {  	_ =	shalt  }
0x62: {  	_ =	shalt  }
0x63: {  	_ =	shalt  }
0x64: {  	_ =	shalt  }
0x65: {  	_ =	shalt  }
0x66: {  	_ =	shalt  }
0x67: {  	_ =	shalt  }
0x68: {  	_ =	shalt  }
0x69: {  	_ =	shalt  }
0x6a: {  	_ =	shalt  }
0x6b: {  	_ =	shalt  }
0x6c: {  	_ =	shalt  }
0x6d: {  	_ =	shalt  }
0x6e: {  	_ =	shalt  }
0x6f: {  	_ =	shalt  }
0x70: {  	_ =	shalt  }
0x71: {  	_ =	shalt  }
0x72: {  	_ =	shalt  }
0x73: {  	_ =	shalt  }
0x74: {  	_ =	shalt  }
0x75: {  	_ =	shalt  }
0x76: {  	_ =	shalt  }
0x77: {  	_ =	shalt  }
0x78: {  	_ =	shalt  }
0x79: {  	_ =	shalt  }
0x7a: {  	_ =	shalt  }
0x7b: {  	_ =	shalt  }
0x7c: {  	_ =	shalt  }
0x7d: {  	_ =	shalt  }
0x7e: {  	_ =	shalt  }
0x7f: {  	_ =	shalt  }
0x80: {  	_ =	shalt  }
0x81: {  	_ =	shalt  }
0x82: {  	_ =	shalt  }
0x83: {  	_ =	shalt  }
0x84: {  	_ =	shalt  }
0x85: {  	_ =	shalt  }
0x86: {  	_ =	shalt  }
0x87: {  	_ =	shalt  }
.Lfunc_end0:
.L_simem_size_0:
called_computation_lowered:
.L_overlay_start_0:
0x88: {  	s2 =	sld [smem:$0x3FD9]  }
0x89: {  	s3 =	sld [smem:$0x3FFE];
	_ =	sdelay $0x1  }
0x8a: {  	s1 =	srdreg.scid  }
0x8b: {  	s0 =	sand.u32 $0x1, s1  }
0x8c: {  	s30 =	sshll.u32 s0, $0xA;
	s2 =	sadd.s32 s3, s2  }
0x8d: {  	s2 =	sadd.s32 s2, s30  }
0x8e: {  	[smem:$0x3FC1] =	sst s2  }
0x8f: {  	_ = 	snop  }
0x90: {  	s2 =	sld [smem:$0x3FC8]  }
0x91: {  	s31 =	sld [smem:$0x3FC7]  }
0x92: {  	s4 =	sld [smem:$0x3FD0]  }
0x93: {  	s5 =	sld [smem:$0x3FC6]  }
0x94: {  	s6 =	sld [smem:$0x3FC4]  }
0x95: {  	s8 =	simm.s32 $0xA;
	s9 =	simm.s32 $0x10;
	s7 =	sld [smem:$0x3FC3]  }
0x96: {  	[smem:s9], [sflag:s8] =	dma.local [hbm:s4], $0x1  }
0x97: {  	_ =	swait.eq [sflag:s8], $0x1  }
0x98: {  	s16 =	sld [smem:$0x10]  }
0x99: {  	s17 =	sld [smem:$0x11];
	[sflag:s8] =	ssyncset.done $0x0  }
0x9a: {  	s10 =	sld [smem:$0x12];
	[sflag:s8] =	ssyncadd.s32 $0xFFFFFFFF  }
0x9b: {  	s18 =	sld [smem:$0x13];
	(tm) =	ssettm $0x1  }
0x9c: {  	s11 =	sld [smem:$0x3FFB];
	_ =	sdelay $0x3  }
0x9d: {  	_ =	strace s11  }
0x9e: {  	s11 =	sld [smem:$0x3FFC];
	_ =	sdelay $0x3  }
0x9f: {  	_ =	strace s11  }
0xa0: {  	s11 =	sld [smem:$0x3FFD];
	_ =	sdelay $0x3  }
0xa1: {  	_ =	strace s11  }
0xa2: {  	_ =	strace $0x8FFFFFFF  }
0xa3: {  	s19 =	sld [smem:$0x3FDB];
	_ =	sdelay $0x1  }
0xa4: {  	s12 =	simm.s32 $_scs_section_size  }
0xa5: {  	s13 =	simm.s32 $_size__tile_overlayer_lowered;
	s14 =	simm.s32 $_tile_overlayer_lowered  }
0xa6: {  	s22 =	simm.s32 $0x1BFF;
	s21 =	sshll.u32 s14, $0x1;
	s11 =	sadd.s32 s12, s19  }
0xa7: {  	s15 =	simm.s32 $0x0;
	s20 =	sshll.u32 s13, $0x1;
	s13 =	sadd.s32 s21, s11  }
0xa8: {  	[timem:s15], [sflag:s22] =	dma.local [hbm:s13], s20  }
0xa9: {  	_ =	swait.ge [sflag:s22], s20  }
0xaa: {  	s12 =	ssub.s32 $0x0, s20;
	[sflag:s22] =	ssyncset.done $0x0  }
0xab: {  	[sflag:s22] =	ssyncadd.s32 s12;
	_ =	sdelay $0x1  }
0xac: {  	s23 =	simm.s32 $0x1B8B  }
0xad: {  	_ =	swait.ge [sflag:s23], $0x1  }
0xae: {  	[sflag:s23] =	ssyncset.done $0x0  }
0xaf: {  	s25 =	simm.s32 $0x1B8E;
	s24 =	sld [smem:$0x3FFE];
	[sflag:s23] =	ssyncadd.s32 $0xFFFFFFFF  }
0xb0: {  	s26 =	simm.s32 $execute0_lowered;
	[smem:$0x3FD2] =	sst s25  }
0xb1: {  	s13 =	sshll.u32 s26, $0x1;
	_ =	strace $0x80000046;
	[dreg:$0x1] =	wrdreg $0xFFFFFFFF  }
0xb2: {  	s28 =	simm.s32 $_size_execute0_lowered;
	s11 =	sadd.s32 s11, s13;
	[dreg:$0x0] =	wrdreg $0x0  }
0xb3: {  	s13 =	sshll.u32 s28, $0x1;
	[dreg:$0x2] =	wrdreg s11  }
0xb4: {  	[dreg:$0x3] =	wrdreg s13  }
0xb5: {  	[dreg:$0x4] =	wrdreg $0xC0  }
0xb6: {  	_ =	task [dreg:s15], $0x5FFFF  }
0xb7: {  	[dreg:$0x1] =	wrdreg $0xFFFFFFFF  }
0xb8: {  	[dreg:$0x0] =	wrdreg $0x60  }
0xb9: {  	[dreg:$0x2] =	wrdreg s24  }
0xba: {  	[dreg:$0x3] =	wrdreg s2  }
0xbb: {  	[dreg:$0x4] =	wrdreg s31  }
0xbc: {  	[dreg:$0x5] =	wrdreg s5  }
0xbd: {  	[dreg:$0x6] =	wrdreg s6  }
0xbe: {  	[dreg:$0x7] =	wrdreg s7  }
0xbf: {  	[dreg:$0x8] =	wrdreg s16  }
0xc0: {  	[dreg:$0x9] =	wrdreg s17  }
0xc1: {  	[dreg:$0xa] =	wrdreg s10  }
0xc2: {  	[dreg:$0xb] =	wrdreg s18  }
0xc3: {  	[dreg:$0xc] =	wrdreg $0x9  }
0xc4: {  	_ =	task.clear_ibuf [dreg:s15], $0xDFFFF;
	_ =	strace $0x90000046  }
0xc5: {  	s29 =	simm.s32 $0x9;
	_ =	strace $0x80000048  }
0xc6: {  	_ =	swait.ge [sflag:s29], $0x1  }
0xc7: {  	[sflag:s29] =	ssyncadd.s32 $0xFFFFFFFF  }
0xc8: {  	_ =	strace $0x90000048  }
0xc9: {  	_ =	sfence  }
0xca: {  	s30 =	sld [smem:$0x0];
	_ =	sdelay $0x2  }
0xcb: {  	s31 =	sshll.u32 s1, $0xD;
	s1 =	sshrl.u32 s1, $0x2  }
0xcc: {  	s3 =	sand.u32 $0x4000, s31;
	s1 =	sadd.s32 s1, s30  }
0xcd: {  	s0 =	sor.u32 s3, s0;
	s1 =	sshll.u32 s1, $0x11  }
0xce: {  	s0 =	sor.u32 s1, s0  }
0xcf: {  	s0 =	sadd.s32 $0x8F2B, s0  }
0xd0: {  	[sflag:s0] =	ssyncadd.remote.s32 $0x1  }
0xd1: {  	_ =	sfence.sel $0xFFFF  }
0xd2: {  	[dreg:$0x0] =	wrdreg $0xFFFFFFFF;
	(pc) =	sbr.abs _section_cstart, $3  }
0xd3: {  	[dreg:$0x1] =	wrdreg $0xFFFFFFFF  }
0xd4: {  	_ =	task.clear_ibuf [dreg:s15], $0x2FFFF;
	_ =	strace $0x9FFFFFFF  }
0xd5: {  	(tm) =	ssettm $0x7FFFFFFF  }
tec
execute0_lowered:
.L_overlay_start_1:
0x0: {  	(tag) =	ssettag $0x1  }
0x1: {  	s2 =	rddreg [dreg:$0x0]  }
0x2: {  	s0 =	rddreg [dreg:$0x1]  }
0x3: {  	s1 =	rddreg [dreg:$0x2]  }
0x4: {  	s6 =	rddreg [dreg:$0x6]  }
0x5: {  	s7 =	rddreg [dreg:$0x7];
	s11 =	simm.s32 $0x0  }
0x6: {  	s3 =	srdreg.scid;
	s5 =	stileid.u32;
	s20 =	simm.s32 $0x5  }
0x7: {  	s22 =	simm.s32 $0x2000;
	s28 =	simm.s32 $0x2;
	s29 =	simm.s32 $0xA000  }
0x8: {  	s30 =	simm.s32 $0x18000;
	s31 =	simm.s32 $0x1A800;
	s10 =	simm.s32 $0x4  }
0x9: {  	s8 =	simm.s32 $0x0;
	[smem:$0x7FF] =	sst s11;
	s3 =	sand.u32 $0x1, s3  }
0xa: {  	s12 =	sadd.s32 $0xA00, s2;
	s5 =	sshll.u32 s5, $0x1;
	s2 =	sadd.s32 $0x800, s2  }
0xb: {  	_ =	strace $0x80000047;
	s4 =	ssub.s32 $0x2, s3;
	s3 =	sor.u32 s3, s5  }
0xc: {  	[dreg:$0xb] =	wrdreg s2;
	s24 =	sshrl.u32 s4, $0x1;
	s25 =	sshll.u32 s3, $0x9  }
0xd: {  	s5 =	sshll.u32 s3, $0xA;
	s16 =	sor.u32 $0x40, s3;
	s17 =	sshll.u32 s3, $0x4  }
.Ltmp0:
0xe: {  	s19 =	sor.u32 $0x20, s3;
	p0 =	sne.s32 s3, $0x0;
	(pc) =	sbr.rel .LBB2_1-.Ltmp0, $4  }
0xf: {  	v0 =	vlaneseq.u32;
	s2 =	ssub.s32 s4, s24;
	s4 =	sadd.s32 s0, s25;
	s26 =	sadd.s32 s1, s5  }
0x10: {  	v1 =	vmul.u32 $0x8, v0;
	s24 =	simm.s32 $0x1;
	s25 =	simm.s32 $0x16000;
	[dreg:$0xc] =	wrdreg s4  }
0x11: {  	s5 =	simm.s32 $0x1B108;
	[dreg:$0xd] =	wrdreg s26;
	s2 =	smax.u32 s2, $0x1  }
0x12: {  	v2 =	vor.u32 $0x400, v1;
	s26 =	simm.s32 $0x1A000;
	[dreg:$0xe] =	wrdreg s2;
	s2 =	simm.s32 $0x1B000  }
.LBB2_9:
0x13: {  	s3 =	simm.s32 $0x3  }
0x14: {  	_ =	swait.ge [sflag:s3], $0x2000  }
0x15: {  	[sflag:s3] =	ssyncset.done $0x0  }
0x16: {  	[sflag:s3] =	ssyncadd.s32 $0xFFFFE000  }
0x17: {  	_ =	swait.ge [sflag:s3], $0x800  }
0x18: {  	[sflag:s3] =	ssyncset.done $0x0  }
0x19: {  	[sflag:s3] =	ssyncadd.s32 $0xFFFFF800  }
0x1a: {  	_ =	swait.ge [sflag:s10], $0x2000  }
.Ltmp1:
0x1b: {  	[sflag:s10] =	ssyncset.done $0x0;
	(pc) =	sbr.rel @!p0 .LBB2_10-.Ltmp1, $4  }
0x1c: {  	[sflag:s10] =	ssyncadd.s32 $0xFFFFE000  }
0x1d: {  	_ =	swait.ge [sflag:s10], $0x800  }
0x1e: {  	[sflag:s10] =	ssyncset.done $0x0  }
0x1f: {  	[sflag:s10] =	ssyncadd.s32 $0xFFFFF800  }
.LBB2_15:
0x20: {  	s8 =	sadd.s32 $0x1, s8;
	s3 =	rddreg [dreg:$0xe]  }
0x21: {  	p1 =	sne.s32 s8, s3  }
.Ltmp2:
0x22: {  	_ = 	snop;
	(pc) =	sbr.rel @!p1 .LBB2_16-.Ltmp2, $1  }
0x23: {  	_ =	sdelay $0x3  }
.LBB2_1:
0x24: {  	s3 =	rddreg [dreg:$0xc]  }
0x25: {  	[tilespmem:s11], [sflag:$0x5] =	stream.linear.gather [hbm4b:s3+s11], $0x1000, $0x38;
	[tilespmem:$0x1C288] =	vst v63  }
0x26: {  	_ =	swait.ge [sflag:s20], $0x1000  }
0x27: {  	[sflag:s20] =	ssyncset.done $0x0  }
0x28: {  	s21 =	simm.s32 $0x1000;
	[sflag:s20] =	ssyncadd.s32 $0xFFFFF000  }
0x29: {  	[tilespmem:s22], [sflag:$0x1] =	stream.indirect.gather [hbm4b:s12+s21], $0x8, s11, s21, $0xb8;
	[tilespmem:$0x1C288] =	vst v63  }
.Ltmp3:
0x2a: {  	s4 =	simm.s32 $0x12000;
	s23 =	rddreg [dreg:$0xd];
	(pc) =	sbr.rel .LBB2_2-.Ltmp3, $4  }
0x2b: {  	[tilespmem:s4], [sflag:$0x5] =	stream.linear.gather [hbm4b:s23+s11], $0x2000, $0x38;
	[tilespmem:$0x1C288] =	vst v63  }
0x2c: {  	_ =	swait.ge [sflag:s20], $0x2000  }
0x2d: {  	[sflag:s20] =	ssyncset.done $0x0  }
0x2e: {  	s9 =	simm.s32 $0x0;
	[sflag:s20] =	ssyncadd.s32 $0xFFFFE000  }
.LBB2_8:
0x2f: {  	s9 =	sadd.s32 $0x1, s9  }
0x30: {  	p1 =	sne.s32 s9, $0x31  }
.Ltmp4:
0x31: {  	_ = 	snop;
	(pc) =	sbr.rel @!p1 .LBB2_9-.Ltmp4, $1  }
0x32: {  	_ =	sdelay $0x3  }
.LBB2_2:
0x33: {  	p1 =	seq.s32 s9, $0x0  }
0x34: {  	s4 =	simm.s32 @!p1 $0x3  }
0x35: {  	_ =	swait.ge @!p1 [sflag:s4], $0x2000  }
0x36: {  	[sflag:s4] =	ssyncset.done @!p1 $0x0  }
0x37: {  	[sflag:s4] =	ssyncadd.s32 @!p1 $0xFFFFE000  }
0x38: {  	_ =	swait.ge @!p1 [sflag:s4], $0x800  }
0x39: {  	s13 =	sshll.u32 s9, $0x6;
	[sflag:s4] =	ssyncset.done @!p1 $0x0  }
0x3a: {  	[sflag:s4] =	ssyncadd.s32 @!p1 $0xFFFFF800;
	s4 =	sor.u32 s19, s13  }
0x3b: {  	_ =	swait.ge [sflag:s24], $0x8000;
	p2 =	sgt.u32 s4, $0xC34  }
0x3c: {  	[sflag:s24] =	ssyncset.done $0x0;
	s14 =	sshll.u32 @!p2 s4, $0x9;
	s15 =	simm.s32 @!p2 $0x0  }
0x3d: {  	s18 =	simm.s32 @!p2 $0x1000;
	[sflag:s24] =	ssyncadd.s32 $0xFFFF8000;
	s14 =	sadd.s32 @!p2 s0, s14  }
0x3e: {  	[tilespmem:s18], [sflag:$0x5] =	stream.linear.gather @!p2 [hbm4b:s14+s15], $0x1000, $0x38;
	[tilespmem:$0x1C288] =	vst v63  }
0x3f: {  	s14 =	simm.s32 @!p2 $0x5  }
0x40: {  	_ =	swait.ge @!p2 [sflag:s14], $0x1000  }
0x41: {  	[sflag:s14] =	ssyncset.done @!p2 $0x0  }
0x42: {  	s21 =	simm.s32 @!p2 $0xA000;
	[sflag:s14] =	ssyncadd.s32 @!p2 $0xFFFFF000  }
0x43: {  	[tilespmem:s21], [sflag:$0x2] =	stream.indirect.gather @!p2 [hbm4b:s12+s18], $0x8, s18, s18, $0xb8;
	[tilespmem:$0x1C288] =	vst v63  }
0x44: {  	s18 =	sshll.u32 @!p2 s4, $0xA  }
0x45: {  	s21 =	simm.s32 @!p2 $0x14000;
	s18 =	sadd.s32 @!p2 s1, s18  }
0x46: {  	[tilespmem:s21], [sflag:$0x5] =	stream.linear.gather @!p2 [hbm4b:s18+s15], $0x2000, $0x38;
	[tilespmem:$0x1C288] =	vst v63  }
0x47: {  	s23 =	simm.s32 $0x70;
	s13 =	sadd.s32 s16, s13;
	_ =	swait.ge @!p2 [sflag:s14], $0x2000  }
0x48: {  	s21 =	simm.s32 $0xFFFFFFF8;
	s15 =	simm.s32 $0x160C0;
	[sflag:s14] =	ssyncset.done @!p2 $0x0  }
0x49: {  	s18 =	simm.s32 $0x120C0;
	[sflag:s14] =	ssyncadd.s32 @!p2 $0xFFFFE000;
	s14 =	simm.s32 $0x1A040  }
.LBB2_3:
0x4a: {  	s3 =	sadd.s32 $0xFFFFFF90, s23  }
0x4b: {  	v3 =	vmov s3  }
0x4c: {  	v3 =	vshll.u32 v3, $0x3  }
0x4d: {  	v4 =	vor.u32 v2, v3  }
0x4e: {  	v3 =	vor.u32 v1, v3;
	_ =	sdelay $0x1  }
0x4f: {  	v5 =	vor.u32 $0x1, v4  }
0x50: {  	v9 =	vld [tilespmem:s18+$0xFFFFFF40];
	v6 =	vor.u32 $0x1, v3  }
0x51: {  	v7 =	vld.idx.msk [tilespmem:v4+s22+$0x0], $0xffff;
	v4 =	vor.u32 $0x2, v4  }
0x52: {  	v8 =	vld.idx.msk [tilespmem:v3+s22+$0x0], $0xffff;
	v3 =	vor.u32 $0x2, v3  }
0x53: {  	v10 =	vld [tilespmem:s18+$0xFFFFFFC0]  }
0x54: {  	v5 =	vld.idx.msk [tilespmem:v5+s22+$0x0], $0xffff  }
0x55: {  	v6 =	vld.idx.msk [tilespmem:v6+s22+$0x0], $0xffff  }
0x56: {  	v4 =	vld.idx.msk [tilespmem:v4+s22+$0x0], $0xffff  }
0x57: {  	v3 =	vld.idx.msk [tilespmem:v3+s22+$0x0], $0xffff;
	_ =	sdelay $0x1  }
0x58: {  	v41 =	vld [tilespmem:s18+$0x40];
	v7 =	vsub.f32 v7, v8  }
0x59: {  	v5 =	vsub.f32 v5, v6  }
0x5a: {  	v42 =	vadd.f32 v9, v7  }
0x5b: {  	v5 =	vadd.f32 v10, v5;
	v3 =	vsub.f32 v4, v3;
	_ =	sdelay $0x1  }
0x5c: {  	v43 =	vmul.f32 v42, v42;
	v44 =	vmul.f32 v5, v5;
	v3 =	vadd.f32 v41, v3;
	_ =	sdelay $0x1  }
0x5d: {  	v4 =	vadd.f32 v44, v43;
	v45 =	vmul.f32 v3, v3;
	_ =	sdelay $0x1  }
0x5e: {  	v4 =	vadd.f32 v45, v4;
	_ =	sdelay $0x1  }
0x5f: {  	v7 =	vshrl.u32 v4, $0x1;
	v46 =	vmul.f32 $5.000000000e-01, v4  }
0x60: {  	v7 =	vsub.s32 $0x5F3759DF, v7  }
0x61: {  	v47 =	vmul.f32 v7, v46;
	_ =	sdelay $0x1  }
0x62: {  	v9 =	vmul.f32 v7, v47;
	_ =	sdelay $0x1  }
0x63: {  	v9 =	vsub.f32 $1.500000000e+00, v9;
	_ =	sdelay $0x1  }
0x64: {  	v7 =	vmul.f32 v7, v9;
	_ =	sdelay $0x1  }
0x65: {  	v9 =	vmul.f32 v7, v46;
	_ =	sdelay $0x1  }
0x66: {  	v9 =	vmul.f32 v9, v7;
	_ =	sdelay $0x1  }
0x67: {  	v9 =	vsub.f32 $1.500000000e+00, v9;
	_ =	sdelay $0x1  }
0x68: {  	v7 =	vmul.f32 v9, v7;
	_ =	sdelay $0x1  }
0x69: {  	v8 =	vmul.f32 v7, v46;
	_ =	sdelay $0x1  }
0x6a: {  	v8 =	vmul.f32 v8, v7;
	_ =	sdelay $0x1  }
0x6b: {  	s3 =	sadd.s32 $0xFFFFFFA0, s23;
	v8 =	vsub.f32 $1.500000000e+00, v8  }
0x6c: {  	v48 =	vmov s3  }
0x6d: {  	v49 =	vshll.u32 v48, $0x3;
	v7 =	vmul.f32 v8, v7  }
0x6e: {  	v9 =	vor.u32 v2, v49  }
0x6f: {  	v51 =	vor.u32 v1, v49;
	[tilespmem:s15+$0xFFFFFF40] =	vst v42;
	v50 =	vmul.f32 v7, v4  }
0x70: {  	[tilespmem:s15+$0xFFFFFFC0] =	vst v5;
	vm0 =	vgt.f32 v4, $0.0e+00  }
0x71: {  	[tilespmem:s15+$0x40] =	vst v3;
	v52 =	vor.u32 $0x1, v9;
	v3 =	vnsel vm0, $0x0, v50  }
0x72: {  	v54 =	vor.u32 $0x2, v9;
	[tilespmem:s14+$0xFFFFFFC0] =	vst v3  }
0x73: {  	v3 =	vor.u32 $0x1, v51;
	v5 =	vld.idx.msk [tilespmem:v9+s22+$0x0], $0xffff  }
0x74: {  	v7 =	vor.u32 $0x2, v51;
	v53 =	vld.idx.msk [tilespmem:v51+s22+$0x0], $0xffff  }
0x75: {  	v55 =	vld [tilespmem:s18+$0xFFFFFF50]  }
0x76: {  	v4 =	vld.idx.msk [tilespmem:v52+s22+$0x0], $0xffff  }
0x77: {  	v8 =	vld.idx.msk [tilespmem:v54+s22+$0x0], $0xffff  }
0x78: {  	v3 =	vld.idx.msk [tilespmem:v3+s22+$0x0], $0xffff  }
0x79: {  	v7 =	vld.idx.msk [tilespmem:v7+s22+$0x0], $0xffff  }
0x7a: {  	v56 =	vld [tilespmem:s18+$0xFFFFFFD0];
	_ =	sdelay $0x1  }
0x7b: {  	v57 =	vld [tilespmem:s18+$0x50]  }
0x7c: {  	v5 =	vsub.f32 v5, v53;
	v3 =	vsub.f32 v4, v3  }
0x7d: {  	v59 =	vsub.f32 v8, v7  }
0x7e: {  	v58 =	vadd.f32 v55, v5;
	v3 =	vadd.f32 v56, v3;
	_ =	sdelay $0x1  }
0x7f: {  	v5 =	vadd.f32 v57, v59;
	v60 =	vmul.f32 v58, v58;
	v61 =	vmul.f32 v3, v3;
	_ =	sdelay $0x1  }
0x80: {  	v62 =	vmul.f32 v5, v5;
	v6 =	vadd.f32 v61, v60;
	_ =	sdelay $0x1  }
0x81: {  	v6 =	vadd.f32 v62, v6;
	_ =	sdelay $0x1  }
0x82: {  	v7 =	vshrl.u32 v6, $0x1;
	v63 =	vmul.f32 $5.000000000e-01, v6  }
0x83: {  	v7 =	vsub.s32 $0x5F3759DF, v7  }
0x84: {  	v12 =	vmul.f32 v7, v63;
	_ =	sdelay $0x1  }
0x85: {  	v9 =	vmul.f32 v7, v12;
	_ =	sdelay $0x1  }
0x86: {  	v9 =	vsub.f32 $1.500000000e+00, v9;
	_ =	sdelay $0x1  }
0x87: {  	v7 =	vmul.f32 v7, v9;
	_ =	sdelay $0x1  }
0x88: {  	v9 =	vmul.f32 v7, v63;
	_ =	sdelay $0x1  }
0x89: {  	v9 =	vmul.f32 v9, v7;
	_ =	sdelay $0x1  }
0x8a: {  	v9 =	vsub.f32 $1.500000000e+00, v9;
	_ =	sdelay $0x1  }
0x8b: {  	v7 =	vmul.f32 v9, v7;
	_ =	sdelay $0x1  }
0x8c: {  	v8 =	vmul.f32 v7, v63;
	_ =	sdelay $0x1  }
0x8d: {  	v8 =	vmul.f32 v8, v7;
	_ =	sdelay $0x1  }
0x8e: {  	s3 =	sadd.s32 $0xFFFFFFB0, s23;
	v8 =	vsub.f32 $1.500000000e+00, v8  }
0x8f: {  	v13 =	vmov s3  }
0x90: {  	v14 =	vshll.u32 v13, $0x3;
	v7 =	vmul.f32 v8, v7  }
0x91: {  	v9 =	vor.u32 v2, v14  }
0x92: {  	v16 =	vor.u32 v1, v14;
	[tilespmem:s15+$0xFFFFFF50] =	vst v58;
	v15 =	vmul.f32 v7, v6  }
0x93: {  	[tilespmem:s15+$0x50] =	vst v5;
	vm9 =	vgt.f32 v6, $0.0e+00  }
0x94: {  	[tilespmem:s15+$0xFFFFFFD0] =	vst v3;
	v17 =	vor.u32 $0x1, v9;
	v3 =	vnsel vm9, $0x0, v15  }
0x95: {  	v19 =	vor.u32 $0x2, v9;
	[tilespmem:s14+$0xFFFFFFD0] =	vst v3  }
0x96: {  	v3 =	vor.u32 $0x1, v16;
	v5 =	vld.idx.msk [tilespmem:v9+s22+$0x0], $0xffff  }
0x97: {  	v7 =	vor.u32 $0x2, v16;
	v18 =	vld.idx.msk [tilespmem:v16+s22+$0x0], $0xffff  }
0x98: {  	v20 =	vld [tilespmem:s18+$0xFFFFFF60]  }
0x99: {  	v4 =	vld.idx.msk [tilespmem:v17+s22+$0x0], $0xffff  }
0x9a: {  	v8 =	vld.idx.msk [tilespmem:v19+s22+$0x0], $0xffff  }
0x9b: {  	v3 =	vld.idx.msk [tilespmem:v3+s22+$0x0], $0xffff  }
0x9c: {  	v7 =	vld.idx.msk [tilespmem:v7+s22+$0x0], $0xffff  }
0x9d: {  	v21 =	vld [tilespmem:s18+$0xFFFFFFE0];
	_ =	sdelay $0x1  }
0x9e: {  	v22 =	vld [tilespmem:s18+$0x60]  }
0x9f: {  	v5 =	vsub.f32 v5, v18;
	v3 =	vsub.f32 v4, v3  }
0xa0: {  	v24 =	vsub.f32 v8, v7  }
0xa1: {  	v23 =	vadd.f32 v20, v5;
	v3 =	vadd.f32 v21, v3;
	_ =	sdelay $0x1  }
0xa2: {  	v5 =	vadd.f32 v22, v24;
	v25 =	vmul.f32 v23, v23;
	v26 =	vmul.f32 v3, v3;
	_ =	sdelay $0x1  }
0xa3: {  	v27 =	vmul.f32 v5, v5;
	v6 =	vadd.f32 v26, v25;
	_ =	sdelay $0x1  }
0xa4: {  	v6 =	vadd.f32 v27, v6;
	_ =	sdelay $0x1  }
0xa5: {  	v7 =	vshrl.u32 v6, $0x1;
	v28 =	vmul.f32 $5.000000000e-01, v6  }
0xa6: {  	v7 =	vsub.s32 $0x5F3759DF, v7  }
0xa7: {  	v29 =	vmul.f32 v7, v28;
	_ =	sdelay $0x1  }
0xa8: {  	v9 =	vmul.f32 v7, v29;
	_ =	sdelay $0x1  }
0xa9: {  	v9 =	vsub.f32 $1.500000000e+00, v9;
	_ =	sdelay $0x1  }
0xaa: {  	v7 =	vmul.f32 v7, v9;
	_ =	sdelay $0x1  }
0xab: {  	v9 =	vmul.f32 v7, v28;
	_ =	sdelay $0x1  }
0xac: {  	v9 =	vmul.f32 v9, v7;
	_ =	sdelay $0x1  }
0xad: {  	v9 =	vsub.f32 $1.500000000e+00, v9;
	_ =	sdelay $0x1  }
0xae: {  	v7 =	vmul.f32 v9, v7;
	_ =	sdelay $0x1  }
0xaf: {  	v8 =	vmul.f32 v7, v28;
	_ =	sdelay $0x1  }
0xb0: {  	v8 =	vmul.f32 v8, v7;
	_ =	sdelay $0x1  }
0xb1: {  	s3 =	sadd.s32 $0xFFFFFFC0, s23;
	v8 =	vsub.f32 $1.500000000e+00, v8  }
0xb2: {  	v30 =	vmov s3  }
0xb3: {  	v31 =	vshll.u32 v30, $0x3;
	v7 =	vmul.f32 v8, v7  }
0xb4: {  	v9 =	vor.u32 v2, v31  }
0xb5: {  	v33 =	vor.u32 v1, v31;
	[tilespmem:s15+$0xFFFFFF60] =	vst v23;
	v32 =	vmul.f32 v7, v6  }
0xb6: {  	[tilespmem:s15+$0x60] =	vst v5;
	vm10 =	vgt.f32 v6, $0.0e+00  }
0xb7: {  	[tilespmem:s15+$0xFFFFFFE0] =	vst v3;
	v34 =	vor.u32 $0x1, v9;
	v3 =	vnsel vm10, $0x0, v32  }
0xb8: {  	v36 =	vor.u32 $0x2, v9;
	[tilespmem:s14+$0xFFFFFFE0] =	vst v3  }
0xb9: {  	v3 =	vor.u32 $0x1, v33;
	v5 =	vld.idx.msk [tilespmem:v9+s22+$0x0], $0xffff  }
0xba: {  	v7 =	vor.u32 $0x2, v33;
	v35 =	vld.idx.msk [tilespmem:v33+s22+$0x0], $0xffff  }
0xbb: {  	v37 =	vld [tilespmem:s18+$0xFFFFFF70]  }
0xbc: {  	v4 =	vld.idx.msk [tilespmem:v34+s22+$0x0], $0xffff  }
0xbd: {  	v8 =	vld.idx.msk [tilespmem:v36+s22+$0x0], $0xffff  }
0xbe: {  	v3 =	vld.idx.msk [tilespmem:v3+s22+$0x0], $0xffff  }
0xbf: {  	v7 =	vld.idx.msk [tilespmem:v7+s22+$0x0], $0xffff  }
0xc0: {  	v38 =	vld [tilespmem:s18+$0xFFFFFFF0];
	_ =	sdelay $0x1  }
0xc1: {  	v39 =	vld [tilespmem:s18+$0x70]  }
0xc2: {  	v5 =	vsub.f32 v5, v35;
	v3 =	vsub.f32 v4, v3  }
0xc3: {  	v41 =	vsub.f32 v8, v7  }
0xc4: {  	v40 =	vadd.f32 v37, v5;
	v3 =	vadd.f32 v38, v3;
	_ =	sdelay $0x1  }
0xc5: {  	v5 =	vadd.f32 v39, v41;
	v42 =	vmul.f32 v40, v40;
	v43 =	vmul.f32 v3, v3;
	_ =	sdelay $0x1  }
0xc6: {  	v44 =	vmul.f32 v5, v5;
	v6 =	vadd.f32 v43, v42;
	_ =	sdelay $0x1  }
0xc7: {  	v6 =	vadd.f32 v44, v6;
	_ =	sdelay $0x1  }
0xc8: {  	v7 =	vshrl.u32 v6, $0x1;
	v45 =	vmul.f32 $5.000000000e-01, v6  }
0xc9: {  	v7 =	vsub.s32 $0x5F3759DF, v7  }
0xca: {  	v46 =	vmul.f32 v7, v45;
	_ =	sdelay $0x1  }
0xcb: {  	v9 =	vmul.f32 v7, v46;
	_ =	sdelay $0x1  }
0xcc: {  	v9 =	vsub.f32 $1.500000000e+00, v9;
	_ =	sdelay $0x1  }
0xcd: {  	v7 =	vmul.f32 v7, v9;
	_ =	sdelay $0x1  }
0xce: {  	v9 =	vmul.f32 v7, v45;
	_ =	sdelay $0x1  }
0xcf: {  	v9 =	vmul.f32 v9, v7;
	_ =	sdelay $0x1  }
0xd0: {  	v9 =	vsub.f32 $1.500000000e+00, v9;
	_ =	sdelay $0x1  }
0xd1: {  	v7 =	vmul.f32 v9, v7;
	_ =	sdelay $0x1  }
0xd2: {  	v8 =	vmul.f32 v7, v45;
	_ =	sdelay $0x1  }
0xd3: {  	v8 =	vmul.f32 v8, v7;
	_ =	sdelay $0x1  }
0xd4: {  	s3 =	sadd.s32 $0xFFFFFFD0, s23;
	v8 =	vsub.f32 $1.500000000e+00, v8  }
0xd5: {  	v47 =	vmov s3  }
0xd6: {  	v48 =	vshll.u32 v47, $0x3;
	v7 =	vmul.f32 v8, v7  }
0xd7: {  	v9 =	vor.u32 v2, v48  }
0xd8: {  	v50 =	vor.u32 v1, v48;
	[tilespmem:s15+$0xFFFFFF70] =	vst v40;
	v49 =	vmul.f32 v7, v6  }
0xd9: {  	[tilespmem:s15+$0x70] =	vst v5;
	vm11 =	vgt.f32 v6, $0.0e+00  }
0xda: {  	[tilespmem:s15+$0xFFFFFFF0] =	vst v3;
	v51 =	vor.u32 $0x1, v9;
	v3 =	vnsel vm11, $0x0, v49  }
0xdb: {  	v53 =	vor.u32 $0x2, v9;
	[tilespmem:s14+$0xFFFFFFF0] =	vst v3  }
0xdc: {  	v3 =	vor.u32 $0x1, v50;
	v5 =	vld.idx.msk [tilespmem:v9+s22+$0x0], $0xffff  }
0xdd: {  	v7 =	vor.u32 $0x2, v50;
	v52 =	vld.idx.msk [tilespmem:v50+s22+$0x0], $0xffff  }
0xde: {  	v54 =	vld [tilespmem:s18+$0xFFFFFF80]  }
0xdf: {  	v4 =	vld.idx.msk [tilespmem:v51+s22+$0x0], $0xffff  }
0xe0: {  	v8 =	vld.idx.msk [tilespmem:v53+s22+$0x0], $0xffff  }
0xe1: {  	v3 =	vld.idx.msk [tilespmem:v3+s22+$0x0], $0xffff  }
0xe2: {  	v7 =	vld.idx.msk [tilespmem:v7+s22+$0x0], $0xffff  }
0xe3: {  	v55 =	vld [tilespmem:s18+$0x0];
	_ =	sdelay $0x1  }
0xe4: {  	v56 =	vld [tilespmem:s18+$0x80]  }
0xe5: {  	v5 =	vsub.f32 v5, v52;
	v3 =	vsub.f32 v4, v3  }
0xe6: {  	v58 =	vsub.f32 v8, v7  }
0xe7: {  	v57 =	vadd.f32 v54, v5;
	v3 =	vadd.f32 v55, v3;
	_ =	sdelay $0x1  }
0xe8: {  	v5 =	vadd.f32 v56, v58;
	v59 =	vmul.f32 v57, v57;
	v60 =	vmul.f32 v3, v3;
	_ =	sdelay $0x1  }
0xe9: {  	v61 =	vmul.f32 v5, v5;
	v6 =	vadd.f32 v60, v59;
	_ =	sdelay $0x1  }
0xea: {  	v6 =	vadd.f32 v61, v6;
	_ =	sdelay $0x1  }
0xeb: {  	v7 =	vshrl.u32 v6, $0x1;
	v62 =	vmul.f32 $5.000000000e-01, v6  }
0xec: {  	v7 =	vsub.s32 $0x5F3759DF, v7  }
0xed: {  	v63 =	vmul.f32 v7, v62;
	_ =	sdelay $0x1  }
0xee: {  	v9 =	vmul.f32 v7, v63;
	_ =	sdelay $0x1  }
0xef: {  	v9 =	vsub.f32 $1.500000000e+00, v9;
	_ =	sdelay $0x1  }
0xf0: {  	v7 =	vmul.f32 v7, v9;
	_ =	sdelay $0x1  }
0xf1: {  	v9 =	vmul.f32 v7, v62;
	_ =	sdelay $0x1  }
0xf2: {  	v9 =	vmul.f32 v9, v7;
	_ =	sdelay $0x1  }
0xf3: {  	v9 =	vsub.f32 $1.500000000e+00, v9;
	_ =	sdelay $0x1  }
0xf4: {  	v7 =	vmul.f32 v9, v7;
	_ =	sdelay $0x1  }
0xf5: {  	v8 =	vmul.f32 v7, v62;
	_ =	sdelay $0x1  }
0xf6: {  	v8 =	vmul.f32 v8, v7;
	_ =	sdelay $0x1  }
0xf7: {  	s3 =	sadd.s32 $0xFFFFFFE0, s23;
	v8 =	vsub.f32 $1.500000000e+00, v8  }
0xf8: {  	v12 =	vmov s3  }
0xf9: {  	v13 =	vshll.u32 v12, $0x3;
	v7 =	vmul.f32 v8, v7  }
0xfa: {  	v9 =	vor.u32 v2, v13  }
0xfb: {  	v15 =	vor.u32 v1, v13;
	[tilespmem:s15+$0xFFFFFF80] =	vst v57;
	v14 =	vmul.f32 v7, v6  }
0xfc: {  	[tilespmem:s15+$0x80] =	vst v5;
	vm12 =	vgt.f32 v6, $0.0e+00  }
0xfd: {  	[tilespmem:s15+$0x0] =	vst v3;
	v16 =	vor.u32 $0x1, v9;
	v3 =	vnsel vm12, $0x0, v14  }
0xfe: {  	v18 =	vor.u32 $0x2, v9;
	[tilespmem:s14+$0x0] =	vst v3  }
0xff: {  	v3 =	vor.u32 $0x1, v15;
	v5 =	vld.idx.msk [tilespmem:v9+s22+$0x0], $0xffff  }
0x100: {  	v7 =	vor.u32 $0x2, v15;
	v17 =	vld.idx.msk [tilespmem:v15+s22+$0x0], $0xffff  }
0x101: {  	v19 =	vld [tilespmem:s18+$0xFFFFFF90]  }
0x102: {  	v4 =	vld.idx.msk [tilespmem:v16+s22+$0x0], $0xffff  }
0x103: {  	v8 =	vld.idx.msk [tilespmem:v18+s22+$0x0], $0xffff  }
0x104: {  	v3 =	vld.idx.msk [tilespmem:v3+s22+$0x0], $0xffff  }
0x105: {  	v7 =	vld.idx.msk [tilespmem:v7+s22+$0x0], $0xffff  }
0x106: {  	v20 =	vld [tilespmem:s18+$0x10];
	_ =	sdelay $0x1  }
0x107: {  	v21 =	vld [tilespmem:s18+$0x90]  }
0x108: {  	v5 =	vsub.f32 v5, v17;
	v3 =	vsub.f32 v4, v3  }
0x109: {  	v23 =	vsub.f32 v8, v7  }
0x10a: {  	v22 =	vadd.f32 v19, v5;
	v3 =	vadd.f32 v20, v3;
	_ =	sdelay $0x1  }
0x10b: {  	v5 =	vadd.f32 v21, v23;
	v24 =	vmul.f32 v22, v22;
	v25 =	vmul.f32 v3, v3;
	_ =	sdelay $0x1  }
0x10c: {  	v26 =	vmul.f32 v5, v5;
	v6 =	vadd.f32 v25, v24;
	_ =	sdelay $0x1  }
0x10d: {  	v6 =	vadd.f32 v26, v6;
	_ =	sdelay $0x1  }
0x10e: {  	v7 =	vshrl.u32 v6, $0x1;
	v27 =	vmul.f32 $5.000000000e-01, v6  }
0x10f: {  	v7 =	vsub.s32 $0x5F3759DF, v7  }
0x110: {  	v28 =	vmul.f32 v7, v27;
	_ =	sdelay $0x1  }
0x111: {  	v9 =	vmul.f32 v7, v28;
	_ =	sdelay $0x1  }
0x112: {  	v9 =	vsub.f32 $1.500000000e+00, v9;
	_ =	sdelay $0x1  }
0x113: {  	v7 =	vmul.f32 v7, v9;
	_ =	sdelay $0x1  }
0x114: {  	v9 =	vmul.f32 v7, v27;
	_ =	sdelay $0x1  }
0x115: {  	v9 =	vmul.f32 v9, v7;
	_ =	sdelay $0x1  }
0x116: {  	v9 =	vsub.f32 $1.500000000e+00, v9;
	_ =	sdelay $0x1  }
0x117: {  	v7 =	vmul.f32 v9, v7;
	_ =	sdelay $0x1  }
0x118: {  	v8 =	vmul.f32 v7, v27;
	_ =	sdelay $0x1  }
0x119: {  	v8 =	vmul.f32 v8, v7;
	_ =	sdelay $0x1  }
0x11a: {  	s3 =	sadd.s32 $0xFFFFFFF0, s23;
	v8 =	vsub.f32 $1.500000000e+00, v8  }
0x11b: {  	v29 =	vmov s3  }
0x11c: {  	v30 =	vshll.u32 v29, $0x3;
	v7 =	vmul.f32 v8, v7  }
0x11d: {  	v9 =	vor.u32 v2, v30  }
0x11e: {  	v32 =	vor.u32 v1, v30;
	[tilespmem:s15+$0xFFFFFF90] =	vst v22;
	v31 =	vmul.f32 v7, v6  }
0x11f: {  	[tilespmem:s15+$0x90] =	vst v5;
	vm13 =	vgt.f32 v6, $0.0e+00  }
0x120: {  	[tilespmem:s15+$0x10] =	vst v3;
	v33 =	vor.u32 $0x1, v9;
	v3 =	vnsel vm13, $0x0, v31  }
0x121: {  	v35 =	vor.u32 $0x2, v9;
	[tilespmem:s14+$0x10] =	vst v3  }
0x122: {  	v3 =	vor.u32 $0x1, v32;
	v5 =	vld.idx.msk [tilespmem:v9+s22+$0x0], $0xffff  }
0x123: {  	v7 =	vor.u32 $0x2, v32;
	v34 =	vld.idx.msk [tilespmem:v32+s22+$0x0], $0xffff  }
0x124: {  	v36 =	vld [tilespmem:s18+$0xFFFFFFA0]  }
0x125: {  	v4 =	vld.idx.msk [tilespmem:v33+s22+$0x0], $0xffff  }
0x126: {  	v8 =	vld.idx.msk [tilespmem:v35+s22+$0x0], $0xffff  }
0x127: {  	v3 =	vld.idx.msk [tilespmem:v3+s22+$0x0], $0xffff  }
0x128: {  	v7 =	vld.idx.msk [tilespmem:v7+s22+$0x0], $0xffff  }
0x129: {  	v37 =	vld [tilespmem:s18+$0x20];
	_ =	sdelay $0x1  }
0x12a: {  	v38 =	vld [tilespmem:s18+$0xA0]  }
0x12b: {  	v5 =	vsub.f32 v5, v34;
	v3 =	vsub.f32 v4, v3  }
0x12c: {  	v40 =	vsub.f32 v8, v7  }
0x12d: {  	v39 =	vadd.f32 v36, v5;
	v3 =	vadd.f32 v37, v3;
	_ =	sdelay $0x1  }
0x12e: {  	v5 =	vadd.f32 v38, v40;
	v41 =	vmul.f32 v39, v39;
	v42 =	vmul.f32 v3, v3;
	_ =	sdelay $0x1  }
0x12f: {  	v43 =	vmul.f32 v5, v5;
	v6 =	vadd.f32 v42, v41;
	_ =	sdelay $0x1  }
0x130: {  	v6 =	vadd.f32 v43, v6;
	_ =	sdelay $0x1  }
0x131: {  	v7 =	vshrl.u32 v6, $0x1;
	v44 =	vmul.f32 $5.000000000e-01, v6  }
0x132: {  	v7 =	vsub.s32 $0x5F3759DF, v7  }
0x133: {  	v45 =	vmul.f32 v7, v44;
	_ =	sdelay $0x1  }
0x134: {  	v9 =	vmul.f32 v7, v45;
	_ =	sdelay $0x1  }
0x135: {  	v9 =	vsub.f32 $1.500000000e+00, v9;
	_ =	sdelay $0x1  }
0x136: {  	v7 =	vmul.f32 v7, v9;
	_ =	sdelay $0x1  }
0x137: {  	v9 =	vmul.f32 v7, v44;
	_ =	sdelay $0x1  }
0x138: {  	v9 =	vmul.f32 v9, v7;
	_ =	sdelay $0x1  }
0x139: {  	v9 =	vsub.f32 $1.500000000e+00, v9;
	_ =	sdelay $0x1  }
0x13a: {  	v7 =	vmul.f32 v9, v7;
	_ =	sdelay $0x1  }
0x13b: {  	v8 =	vmul.f32 v7, v44;
	_ =	sdelay $0x1  }
0x13c: {  	v8 =	vmul.f32 v8, v7;
	_ =	sdelay $0x1  }
0x13d: {  	v8 =	vsub.f32 $1.500000000e+00, v8  }
0x13e: {  	v46 =	vmov s23  }
0x13f: {  	v47 =	vshll.u32 v46, $0x3;
	v7 =	vmul.f32 v8, v7  }
0x140: {  	v9 =	vor.u32 v2, v47  }
0x141: {  	v49 =	vor.u32 v1, v47;
	[tilespmem:s15+$0xFFFFFFA0] =	vst v39;
	v48 =	vmul.f32 v7, v6  }
0x142: {  	[tilespmem:s15+$0xA0] =	vst v5;
	vm14 =	vgt.f32 v6, $0.0e+00  }
0x143: {  	[tilespmem:s15+$0x20] =	vst v3;
	v50 =	vor.u32 $0x1, v9;
	v3 =	vnsel vm14, $0x0, v48  }
0x144: {  	v52 =	vor.u32 $0x2, v9;
	[tilespmem:s14+$0x20] =	vst v3  }
0x145: {  	v3 =	vor.u32 $0x1, v49;
	v5 =	vld.idx.msk [tilespmem:v9+s22+$0x0], $0xffff  }
0x146: {  	v7 =	vor.u32 $0x2, v49;
	v51 =	vld.idx.msk [tilespmem:v49+s22+$0x0], $0xffff  }
0x147: {  	v53 =	vld [tilespmem:s18+$0xFFFFFFB0]  }
0x148: {  	v4 =	vld.idx.msk [tilespmem:v50+s22+$0x0], $0xffff  }
0x149: {  	v8 =	vld.idx.msk [tilespmem:v52+s22+$0x0], $0xffff  }
0x14a: {  	v3 =	vld.idx.msk [tilespmem:v3+s22+$0x0], $0xffff  }
0x14b: {  	v7 =	vld.idx.msk [tilespmem:v7+s22+$0x0], $0xffff  }
0x14c: {  	v54 =	vld [tilespmem:s18+$0x30];
	_ =	sdelay $0x1  }
0x14d: {  	v55 =	vld [tilespmem:s18+$0xB0]  }
0x14e: {  	v5 =	vsub.f32 v5, v51;
	v3 =	vsub.f32 v4, v3  }
0x14f: {  	v57 =	vsub.f32 v8, v7  }
0x150: {  	v56 =	vadd.f32 v53, v5;
	v3 =	vadd.f32 v54, v3;
	_ =	sdelay $0x1  }
0x151: {  	v5 =	vadd.f32 v55, v57;
	v58 =	vmul.f32 v56, v56;
	v59 =	vmul.f32 v3, v3;
	_ =	sdelay $0x1  }
0x152: {  	v60 =	vmul.f32 v5, v5;
	v6 =	vadd.f32 v59, v58;
	_ =	sdelay $0x1  }
0x153: {  	v6 =	vadd.f32 v60, v6;
	_ =	sdelay $0x1  }
0x154: {  	v7 =	vshrl.u32 v6, $0x1;
	v61 =	vmul.f32 $5.000000000e-01, v6  }
0x155: {  	v7 =	vsub.s32 $0x5F3759DF, v7  }
0x156: {  	v62 =	vmul.f32 v7, v61;
	_ =	sdelay $0x1  }
0x157: {  	v9 =	vmul.f32 v7, v62;
	_ =	sdelay $0x1  }
0x158: {  	v9 =	vsub.f32 $1.500000000e+00, v9;
	_ =	sdelay $0x1  }
0x159: {  	v7 =	vmul.f32 v7, v9;
	_ =	sdelay $0x1  }
0x15a: {  	v9 =	vmul.f32 v7, v61;
	_ =	sdelay $0x1  }
0x15b: {  	v9 =	vmul.f32 v9, v7;
	_ =	sdelay $0x1  }
0x15c: {  	v9 =	vsub.f32 $1.500000000e+00, v9;
	_ =	sdelay $0x1  }
0x15d: {  	v7 =	vmul.f32 v9, v7;
	_ =	sdelay $0x1  }
0x15e: {  	v8 =	vmul.f32 v7, v61;
	_ =	sdelay $0x1  }
0x15f: {  	v8 =	vmul.f32 v8, v7;
	_ =	sdelay $0x1  }
0x160: {  	v8 =	vsub.f32 $1.500000000e+00, v8  }
0x161: {  	s21 =	sadd.s32 $0x8, s21  }
0x162: {  	p3 =	slt.u32 s21, $0x78;
	v7 =	vmul.f32 v8, v7  }
.Ltmp5:
0x163: {  	_ = 	snop;
	(pc) =	sbr.rel @p3 .LBB2_3-.Ltmp5, $4  }
0x164: {  	[tilespmem:s15+$0xFFFFFFB0] =	vst v56;
	v63 =	vmul.f32 v7, v6  }
0x165: {  	[tilespmem:s15+$0xB0] =	vst v5;
	vm15 =	vgt.f32 v6, $0.0e+00  }
0x166: {  	s23 =	sadd.s32 $0x100, s23;
	[tilespmem:s15+$0x30] =	vst v3;
	v3 =	vnsel vm15, $0x0, v63  }
0x167: {  	s18 =	sadd.s32 $0x200, s18;
	s15 =	sadd.s32 $0x200, s15;
	[tilespmem:s14+$0x30] =	vst v3;
	s14 =	sadd.s32 $0x80, s14  }
0x168: {  	s3 =	sshll.u32 s9, $0xA  }
0x169: {  	s3 =	sor.u32 s17, s3  }
0x16a: {  	s14 =	sshll.u32 s3, $0x6  }
0x16b: {  	s3 =	sshll.u32 s3, $0x4;
	s14 =	sadd.s32 s6, s14  }
0x16c: {  	[hbm4b:s14+s11] =	stream.linear.scatter [tilespmem:s25], [sflag:$0x3], $0x2000, $0x38;
	[tilespmem:$0x1C288] =	vst v63  }
0x16d: {  	p3 =	sgt.u32 s13, $0xC34;
	s3 =	sadd.s32 s7, s3  }
0x16e: {  	[hbm4b:s3+s11] =	stream.linear.scatter [tilespmem:s26], [sflag:$0x3], $0x800, $0x38;
	[tilespmem:$0x1C288] =	vst v63  }
0x16f: {  	s3 =	sshll.u32 @!p3 s13, $0x9  }
0x170: {  	s14 =	simm.s32 @!p3 $0x0;
	s3 =	sadd.s32 @!p3 s0, s3  }
0x171: {  	[tilespmem:s14], [sflag:$0x5] =	stream.linear.gather @!p3 [hbm4b:s3+s14], $0x1000, $0x38;
	[tilespmem:$0x1C288] =	vst v63  }
0x172: {  	s3 =	simm.s32 @!p3 $0x5  }
0x173: {  	_ =	swait.ge @!p3 [sflag:s3], $0x1000  }
0x174: {  	s15 =	simm.s32 @!p3 $0x1000;
	[sflag:s3] =	ssyncset.done @!p3 $0x0  }
0x175: {  	s18 =	simm.s32 @!p3 $0x2000;
	s13 =	sshll.u32 @!p3 s13, $0xA;
	[sflag:s3] =	ssyncadd.s32 @!p3 $0xFFFFF000  }
0x176: {  	[tilespmem:s18], [sflag:$0x1] =	stream.indirect.gather @!p3 [hbm4b:s12+s15], $0x8, s14, s15, $0xb8;
	[tilespmem:$0x1C288] =	vst v63  }
.Ltmp6:
0x177: {  	s13 =	sadd.s32 @!p3 s1, s13;
	s15 =	simm.s32 @!p3 $0x12000;
	(pc) =	sbr.rel @p2 .LBB2_8-.Ltmp6, $4  }
0x178: {  	[tilespmem:s15], [sflag:$0x5] =	stream.linear.gather @!p3 [hbm4b:s13+s14], $0x2000, $0x38;
	[tilespmem:$0x1C288] =	vst v63  }
0x179: {  	_ =	swait.ge @!p3 [sflag:s3], $0x2000  }
0x17a: {  	[sflag:s3] =	ssyncset.done @!p3 $0x0  }
0x17b: {  	[sflag:s3] =	ssyncadd.s32 @!p3 $0xFFFFE000  }
0x17c: {  	_ =	swait.ge [sflag:s28], $0x8000  }
0x17d: {  	[sflag:s28] =	ssyncset.done $0x0  }
0x17e: {  	s3 =	simm.s32 @!p1 $0x4;
	[sflag:s28] =	ssyncadd.s32 $0xFFFF8000  }
0x17f: {  	_ =	swait.ge @!p1 [sflag:s3], $0x2000  }
0x180: {  	[sflag:s3] =	ssyncset.done @!p1 $0x0  }
0x181: {  	[sflag:s3] =	ssyncadd.s32 @!p1 $0xFFFFE000  }
0x182: {  	s13 =	simm.s32 $0xFFFFFFF8;
	_ =	swait.ge @!p1 [sflag:s3], $0x800  }
0x183: {  	s21 =	simm.s32 $0x70;
	s14 =	simm.s32 $0x1A840;
	[sflag:s3] =	ssyncset.done @!p1 $0x0  }
0x184: {  	s15 =	simm.s32 $0x180C0;
	s18 =	simm.s32 $0x140C0;
	[sflag:s3] =	ssyncadd.s32 @!p1 $0xFFFFF800  }
.LBB2_6:
0x185: {  	s3 =	sadd.s32 $0xFFFFFF90, s21  }
0x186: {  	v3 =	vmov s3  }
0x187: {  	v3 =	vshll.u32 v3, $0x3  }
0x188: {  	v4 =	vor.u32 v2, v3  }
0x189: {  	v3 =	vor.u32 v1, v3;
	_ =	sdelay $0x1  }
0x18a: {  	v5 =	vor.u32 $0x1, v4  }
0x18b: {  	v9 =	vld [tilespmem:s18+$0xFFFFFF40];
	v6 =	vor.u32 $0x1, v3  }
0x18c: {  	v7 =	vld.idx.msk [tilespmem:v4+s29+$0x0], $0xffff;
	v4 =	vor.u32 $0x2, v4  }
0x18d: {  	v8 =	vld.idx.msk [tilespmem:v3+s29+$0x0], $0xffff;
	v3 =	vor.u32 $0x2, v3  }
0x18e: {  	v10 =	vld [tilespmem:s18+$0xFFFFFFC0]  }
0x18f: {  	v5 =	vld.idx.msk [tilespmem:v5+s29+$0x0], $0xffff  }
0x190: {  	v6 =	vld.idx.msk [tilespmem:v6+s29+$0x0], $0xffff  }
0x191: {  	v4 =	vld.idx.msk [tilespmem:v4+s29+$0x0], $0xffff  }
0x192: {  	v3 =	vld.idx.msk [tilespmem:v3+s29+$0x0], $0xffff;
	_ =	sdelay $0x1  }
0x193: {  	v41 =	vld [tilespmem:s18+$0x40];
	v7 =	vsub.f32 v7, v8  }
0x194: {  	v5 =	vsub.f32 v5, v6  }
0x195: {  	v42 =	vadd.f32 v9, v7  }
0x196: {  	v5 =	vadd.f32 v10, v5;
	v3 =	vsub.f32 v4, v3;
	_ =	sdelay $0x1  }
0x197: {  	v43 =	vmul.f32 v42, v42;
	v44 =	vmul.f32 v5, v5;
	v3 =	vadd.f32 v41, v3;
	_ =	sdelay $0x1  }
0x198: {  	v4 =	vadd.f32 v44, v43;
	v45 =	vmul.f32 v3, v3;
	_ =	sdelay $0x1  }
0x199: {  	v4 =	vadd.f32 v45, v4;
	_ =	sdelay $0x1  }
0x19a: {  	v7 =	vshrl.u32 v4, $0x1;
	v46 =	vmul.f32 $5.000000000e-01, v4  }
0x19b: {  	v7 =	vsub.s32 $0x5F3759DF, v7  }
0x19c: {  	v47 =	vmul.f32 v7, v46;
	_ =	sdelay $0x1  }
0x19d: {  	v9 =	vmul.f32 v7, v47;
	_ =	sdelay $0x1  }
0x19e: {  	v9 =	vsub.f32 $1.500000000e+00, v9;
	_ =	sdelay $0x1  }
0x19f: {  	v7 =	vmul.f32 v7, v9;
	_ =	sdelay $0x1  }
0x1a0: {  	v9 =	vmul.f32 v7, v46;
	_ =	sdelay $0x1  }
0x1a1: {  	v9 =	vmul.f32 v9, v7;
	_ =	sdelay $0x1  }
0x1a2: {  	v9 =	vsub.f32 $1.500000000e+00, v9;
	_ =	sdelay $0x1  }
0x1a3: {  	v7 =	vmul.f32 v9, v7;
	_ =	sdelay $0x1  }
0x1a4: {  	v8 =	vmul.f32 v7, v46;
	_ =	sdelay $0x1  }
0x1a5: {  	v8 =	vmul.f32 v8, v7;
	_ =	sdelay $0x1  }
0x1a6: {  	s23 =	sadd.s32 $0xFFFFFFA0, s21;
	v8 =	vsub.f32 $1.500000000e+00, v8  }
0x1a7: {  	v48 =	vmov s23  }
0x1a8: {  	v49 =	vshll.u32 v48, $0x3;
	v7 =	vmul.f32 v8, v7  }
0x1a9: {  	v9 =	vor.u32 v2, v49  }
0x1aa: {  	v51 =	vor.u32 v1, v49;
	[tilespmem:s15+$0xFFFFFF40] =	vst v42;
	v50 =	vmul.f32 v7, v4  }
0x1ab: {  	[tilespmem:s15+$0xFFFFFFC0] =	vst v5;
	vm0 =	vgt.f32 v4, $0.0e+00  }
0x1ac: {  	[tilespmem:s15+$0x40] =	vst v3;
	v52 =	vor.u32 $0x1, v9;
	v3 =	vnsel vm0, $0x0, v50  }
0x1ad: {  	v54 =	vor.u32 $0x2, v9;
	[tilespmem:s14+$0xFFFFFFC0] =	vst v3  }
0x1ae: {  	v3 =	vor.u32 $0x1, v51;
	v5 =	vld.idx.msk [tilespmem:v9+s29+$0x0], $0xffff  }
0x1af: {  	v7 =	vor.u32 $0x2, v51;
	v53 =	vld.idx.msk [tilespmem:v51+s29+$0x0], $0xffff  }
0x1b0: {  	v55 =	vld [tilespmem:s18+$0xFFFFFF50]  }
0x1b1: {  	v4 =	vld.idx.msk [tilespmem:v52+s29+$0x0], $0xffff  }
0x1b2: {  	v8 =	vld.idx.msk [tilespmem:v54+s29+$0x0], $0xffff  }
0x1b3: {  	v3 =	vld.idx.msk [tilespmem:v3+s29+$0x0], $0xffff  }
0x1b4: {  	v7 =	vld.idx.msk [tilespmem:v7+s29+$0x0], $0xffff  }
0x1b5: {  	v56 =	vld [tilespmem:s18+$0xFFFFFFD0];
	_ =	sdelay $0x1  }
0x1b6: {  	v57 =	vld [tilespmem:s18+$0x50]  }
0x1b7: {  	v5 =	vsub.f32 v5, v53;
	v3 =	vsub.f32 v4, v3  }
0x1b8: {  	v59 =	vsub.f32 v8, v7  }
0x1b9: {  	v58 =	vadd.f32 v55, v5;
	v3 =	vadd.f32 v56, v3;
	_ =	sdelay $0x1  }
0x1ba: {  	v5 =	vadd.f32 v57, v59;
	v60 =	vmul.f32 v58, v58;
	v61 =	vmul.f32 v3, v3;
	_ =	sdelay $0x1  }
0x1bb: {  	v62 =	vmul.f32 v5, v5;
	v6 =	vadd.f32 v61, v60;
	_ =	sdelay $0x1  }
0x1bc: {  	v6 =	vadd.f32 v62, v6;
	_ =	sdelay $0x1  }
0x1bd: {  	v7 =	vshrl.u32 v6, $0x1;
	v63 =	vmul.f32 $5.000000000e-01, v6  }
0x1be: {  	v7 =	vsub.s32 $0x5F3759DF, v7  }
0x1bf: {  	v12 =	vmul.f32 v7, v63;
	_ =	sdelay $0x1  }
0x1c0: {  	v9 =	vmul.f32 v7, v12;
	_ =	sdelay $0x1  }
0x1c1: {  	v9 =	vsub.f32 $1.500000000e+00, v9;
	_ =	sdelay $0x1  }
0x1c2: {  	v7 =	vmul.f32 v7, v9;
	_ =	sdelay $0x1  }
0x1c3: {  	v9 =	vmul.f32 v7, v63;
	_ =	sdelay $0x1  }
0x1c4: {  	v9 =	vmul.f32 v9, v7;
	_ =	sdelay $0x1  }
0x1c5: {  	v9 =	vsub.f32 $1.500000000e+00, v9;
	_ =	sdelay $0x1  }
0x1c6: {  	v7 =	vmul.f32 v9, v7;
	_ =	sdelay $0x1  }
0x1c7: {  	v8 =	vmul.f32 v7, v63;
	_ =	sdelay $0x1  }
0x1c8: {  	v8 =	vmul.f32 v8, v7;
	_ =	sdelay $0x1  }
0x1c9: {  	s23 =	sadd.s32 $0xFFFFFFB0, s21;
	v8 =	vsub.f32 $1.500000000e+00, v8  }
0x1ca: {  	v13 =	vmov s23  }
0x1cb: {  	v14 =	vshll.u32 v13, $0x3;
	v7 =	vmul.f32 v8, v7  }
0x1cc: {  	v9 =	vor.u32 v2, v14  }
0x1cd: {  	v16 =	vor.u32 v1, v14;
	[tilespmem:s15+$0xFFFFFF50] =	vst v58;
	v15 =	vmul.f32 v7, v6  }
0x1ce: {  	[tilespmem:s15+$0x50] =	vst v5;
	vm9 =	vgt.f32 v6, $0.0e+00  }
0x1cf: {  	[tilespmem:s15+$0xFFFFFFD0] =	vst v3;
	v17 =	vor.u32 $0x1, v9;
	v3 =	vnsel vm9, $0x0, v15  }
0x1d0: {  	v19 =	vor.u32 $0x2, v9;
	[tilespmem:s14+$0xFFFFFFD0] =	vst v3  }
0x1d1: {  	v3 =	vor.u32 $0x1, v16;
	v5 =	vld.idx.msk [tilespmem:v9+s29+$0x0], $0xffff  }
0x1d2: {  	v7 =	vor.u32 $0x2, v16;
	v18 =	vld.idx.msk [tilespmem:v16+s29+$0x0], $0xffff  }
0x1d3: {  	v20 =	vld [tilespmem:s18+$0xFFFFFF60]  }
0x1d4: {  	v4 =	vld.idx.msk [tilespmem:v17+s29+$0x0], $0xffff  }
0x1d5: {  	v8 =	vld.idx.msk [tilespmem:v19+s29+$0x0], $0xffff  }
0x1d6: {  	v3 =	vld.idx.msk [tilespmem:v3+s29+$0x0], $0xffff  }
0x1d7: {  	v7 =	vld.idx.msk [tilespmem:v7+s29+$0x0], $0xffff  }
0x1d8: {  	v21 =	vld [tilespmem:s18+$0xFFFFFFE0];
	_ =	sdelay $0x1  }
0x1d9: {  	v22 =	vld [tilespmem:s18+$0x60]  }
0x1da: {  	v5 =	vsub.f32 v5, v18;
	v3 =	vsub.f32 v4, v3  }
0x1db: {  	v24 =	vsub.f32 v8, v7  }
0x1dc: {  	v23 =	vadd.f32 v20, v5;
	v3 =	vadd.f32 v21, v3;
	_ =	sdelay $0x1  }
0x1dd: {  	v5 =	vadd.f32 v22, v24;
	v25 =	vmul.f32 v23, v23;
	v26 =	vmul.f32 v3, v3;
	_ =	sdelay $0x1  }
0x1de: {  	v27 =	vmul.f32 v5, v5;
	v6 =	vadd.f32 v26, v25;
	_ =	sdelay $0x1  }
0x1df: {  	v6 =	vadd.f32 v27, v6;
	_ =	sdelay $0x1  }
0x1e0: {  	v7 =	vshrl.u32 v6, $0x1;
	v28 =	vmul.f32 $5.000000000e-01, v6  }
0x1e1: {  	v7 =	vsub.s32 $0x5F3759DF, v7  }
0x1e2: {  	v29 =	vmul.f32 v7, v28;
	_ =	sdelay $0x1  }
0x1e3: {  	v9 =	vmul.f32 v7, v29;
	_ =	sdelay $0x1  }
0x1e4: {  	v9 =	vsub.f32 $1.500000000e+00, v9;
	_ =	sdelay $0x1  }
0x1e5: {  	v7 =	vmul.f32 v7, v9;
	_ =	sdelay $0x1  }
0x1e6: {  	v9 =	vmul.f32 v7, v28;
	_ =	sdelay $0x1  }
0x1e7: {  	v9 =	vmul.f32 v9, v7;
	_ =	sdelay $0x1  }
0x1e8: {  	v9 =	vsub.f32 $1.500000000e+00, v9;
	_ =	sdelay $0x1  }
0x1e9: {  	v7 =	vmul.f32 v9, v7;
	_ =	sdelay $0x1  }
0x1ea: {  	v8 =	vmul.f32 v7, v28;
	_ =	sdelay $0x1  }
0x1eb: {  	v8 =	vmul.f32 v8, v7;
	_ =	sdelay $0x1  }
0x1ec: {  	s23 =	sadd.s32 $0xFFFFFFC0, s21;
	v8 =	vsub.f32 $1.500000000e+00, v8  }
0x1ed: {  	v30 =	vmov s23  }
0x1ee: {  	v31 =	vshll.u32 v30, $0x3;
	v7 =	vmul.f32 v8, v7  }
0x1ef: {  	v9 =	vor.u32 v2, v31  }
0x1f0: {  	v33 =	vor.u32 v1, v31;
	[tilespmem:s15+$0xFFFFFF60] =	vst v23;
	v32 =	vmul.f32 v7, v6  }
0x1f1: {  	[tilespmem:s15+$0x60] =	vst v5;
	vm10 =	vgt.f32 v6, $0.0e+00  }
0x1f2: {  	[tilespmem:s15+$0xFFFFFFE0] =	vst v3;
	v34 =	vor.u32 $0x1, v9;
	v3 =	vnsel vm10, $0x0, v32  }
0x1f3: {  	v36 =	vor.u32 $0x2, v9;
	[tilespmem:s14+$0xFFFFFFE0] =	vst v3  }
0x1f4: {  	v3 =	vor.u32 $0x1, v33;
	v5 =	vld.idx.msk [tilespmem:v9+s29+$0x0], $0xffff  }
0x1f5: {  	v7 =	vor.u32 $0x2, v33;
	v35 =	vld.idx.msk [tilespmem:v33+s29+$0x0], $0xffff  }
0x1f6: {  	v37 =	vld [tilespmem:s18+$0xFFFFFF70]  }
0x1f7: {  	v4 =	vld.idx.msk [tilespmem:v34+s29+$0x0], $0xffff  }
0x1f8: {  	v8 =	vld.idx.msk [tilespmem:v36+s29+$0x0], $0xffff  }
0x1f9: {  	v3 =	vld.idx.msk [tilespmem:v3+s29+$0x0], $0xffff  }
0x1fa: {  	v7 =	vld.idx.msk [tilespmem:v7+s29+$0x0], $0xffff  }
0x1fb: {  	v38 =	vld [tilespmem:s18+$0xFFFFFFF0];
	_ =	sdelay $0x1  }
0x1fc: {  	v39 =	vld [tilespmem:s18+$0x70]  }
0x1fd: {  	v5 =	vsub.f32 v5, v35;
	v3 =	vsub.f32 v4, v3  }
0x1fe: {  	v41 =	vsub.f32 v8, v7  }
0x1ff: {  	v40 =	vadd.f32 v37, v5;
	v3 =	vadd.f32 v38, v3;
	_ =	sdelay $0x1  }
0x200: {  	v5 =	vadd.f32 v39, v41;
	v42 =	vmul.f32 v40, v40;
	v43 =	vmul.f32 v3, v3;
	_ =	sdelay $0x1  }
0x201: {  	v44 =	vmul.f32 v5, v5;
	v6 =	vadd.f32 v43, v42;
	_ =	sdelay $0x1  }
0x202: {  	v6 =	vadd.f32 v44, v6;
	_ =	sdelay $0x1  }
0x203: {  	v7 =	vshrl.u32 v6, $0x1;
	v45 =	vmul.f32 $5.000000000e-01, v6  }
0x204: {  	v7 =	vsub.s32 $0x5F3759DF, v7  }
0x205: {  	v46 =	vmul.f32 v7, v45;
	_ =	sdelay $0x1  }
0x206: {  	v9 =	vmul.f32 v7, v46;
	_ =	sdelay $0x1  }
0x207: {  	v9 =	vsub.f32 $1.500000000e+00, v9;
	_ =	sdelay $0x1  }
0x208: {  	v7 =	vmul.f32 v7, v9;
	_ =	sdelay $0x1  }
0x209: {  	v9 =	vmul.f32 v7, v45;
	_ =	sdelay $0x1  }
0x20a: {  	v9 =	vmul.f32 v9, v7;
	_ =	sdelay $0x1  }
0x20b: {  	v9 =	vsub.f32 $1.500000000e+00, v9;
	_ =	sdelay $0x1  }
0x20c: {  	v7 =	vmul.f32 v9, v7;
	_ =	sdelay $0x1  }
0x20d: {  	v8 =	vmul.f32 v7, v45;
	_ =	sdelay $0x1  }
0x20e: {  	v8 =	vmul.f32 v8, v7;
	_ =	sdelay $0x1  }
0x20f: {  	s23 =	sadd.s32 $0xFFFFFFD0, s21;
	v8 =	vsub.f32 $1.500000000e+00, v8  }
0x210: {  	v47 =	vmov s23  }
0x211: {  	v48 =	vshll.u32 v47, $0x3;
	v7 =	vmul.f32 v8, v7  }
0x212: {  	v9 =	vor.u32 v2, v48  }
0x213: {  	v50 =	vor.u32 v1, v48;
	[tilespmem:s15+$0xFFFFFF70] =	vst v40;
	v49 =	vmul.f32 v7, v6  }
0x214: {  	[tilespmem:s15+$0x70] =	vst v5;
	vm11 =	vgt.f32 v6, $0.0e+00  }
0x215: {  	[tilespmem:s15+$0xFFFFFFF0] =	vst v3;
	v51 =	vor.u32 $0x1, v9;
	v3 =	vnsel vm11, $0x0, v49  }
0x216: {  	v53 =	vor.u32 $0x2, v9;
	[tilespmem:s14+$0xFFFFFFF0] =	vst v3  }
0x217: {  	v3 =	vor.u32 $0x1, v50;
	v5 =	vld.idx.msk [tilespmem:v9+s29+$0x0], $0xffff  }
0x218: {  	v7 =	vor.u32 $0x2, v50;
	v52 =	vld.idx.msk [tilespmem:v50+s29+$0x0], $0xffff  }
0x219: {  	v54 =	vld [tilespmem:s18+$0xFFFFFF80]  }
0x21a: {  	v4 =	vld.idx.msk [tilespmem:v51+s29+$0x0], $0xffff  }
0x21b: {  	v8 =	vld.idx.msk [tilespmem:v53+s29+$0x0], $0xffff  }
0x21c: {  	v3 =	vld.idx.msk [tilespmem:v3+s29+$0x0], $0xffff  }
0x21d: {  	v7 =	vld.idx.msk [tilespmem:v7+s29+$0x0], $0xffff  }
0x21e: {  	v55 =	vld [tilespmem:s18+$0x0];
	_ =	sdelay $0x1  }
0x21f: {  	v56 =	vld [tilespmem:s18+$0x80]  }
0x220: {  	v5 =	vsub.f32 v5, v52;
	v3 =	vsub.f32 v4, v3  }
0x221: {  	v58 =	vsub.f32 v8, v7  }
0x222: {  	v57 =	vadd.f32 v54, v5;
	v3 =	vadd.f32 v55, v3;
	_ =	sdelay $0x1  }
0x223: {  	v5 =	vadd.f32 v56, v58;
	v59 =	vmul.f32 v57, v57;
	v60 =	vmul.f32 v3, v3;
	_ =	sdelay $0x1  }
0x224: {  	v61 =	vmul.f32 v5, v5;
	v6 =	vadd.f32 v60, v59;
	_ =	sdelay $0x1  }
0x225: {  	v6 =	vadd.f32 v61, v6;
	_ =	sdelay $0x1  }
0x226: {  	v7 =	vshrl.u32 v6, $0x1;
	v62 =	vmul.f32 $5.000000000e-01, v6  }
0x227: {  	v7 =	vsub.s32 $0x5F3759DF, v7  }
0x228: {  	v63 =	vmul.f32 v7, v62;
	_ =	sdelay $0x1  }
0x229: {  	v9 =	vmul.f32 v7, v63;
	_ =	sdelay $0x1  }
0x22a: {  	v9 =	vsub.f32 $1.500000000e+00, v9;
	_ =	sdelay $0x1  }
0x22b: {  	v7 =	vmul.f32 v7, v9;
	_ =	sdelay $0x1  }
0x22c: {  	v9 =	vmul.f32 v7, v62;
	_ =	sdelay $0x1  }
0x22d: {  	v9 =	vmul.f32 v9, v7;
	_ =	sdelay $0x1  }
0x22e: {  	v9 =	vsub.f32 $1.500000000e+00, v9;
	_ =	sdelay $0x1  }
0x22f: {  	v7 =	vmul.f32 v9, v7;
	_ =	sdelay $0x1  }
0x230: {  	v8 =	vmul.f32 v7, v62;
	_ =	sdelay $0x1  }
0x231: {  	v8 =	vmul.f32 v8, v7;
	_ =	sdelay $0x1  }
0x232: {  	s23 =	sadd.s32 $0xFFFFFFE0, s21;
	v8 =	vsub.f32 $1.500000000e+00, v8  }
0x233: {  	v12 =	vmov s23  }
0x234: {  	v13 =	vshll.u32 v12, $0x3;
	v7 =	vmul.f32 v8, v7  }
0x235: {  	v9 =	vor.u32 v2, v13  }
0x236: {  	v15 =	vor.u32 v1, v13;
	[tilespmem:s15+$0xFFFFFF80] =	vst v57;
	v14 =	vmul.f32 v7, v6  }
0x237: {  	[tilespmem:s15+$0x80] =	vst v5;
	vm12 =	vgt.f32 v6, $0.0e+00  }
0x238: {  	[tilespmem:s15+$0x0] =	vst v3;
	v16 =	vor.u32 $0x1, v9;
	v3 =	vnsel vm12, $0x0, v14  }
0x239: {  	v18 =	vor.u32 $0x2, v9;
	[tilespmem:s14+$0x0] =	vst v3  }
0x23a: {  	v3 =	vor.u32 $0x1, v15;
	v5 =	vld.idx.msk [tilespmem:v9+s29+$0x0], $0xffff  }
0x23b: {  	v7 =	vor.u32 $0x2, v15;
	v17 =	vld.idx.msk [tilespmem:v15+s29+$0x0], $0xffff  }
0x23c: {  	v19 =	vld [tilespmem:s18+$0xFFFFFF90]  }
0x23d: {  	v4 =	vld.idx.msk [tilespmem:v16+s29+$0x0], $0xffff  }
0x23e: {  	v8 =	vld.idx.msk [tilespmem:v18+s29+$0x0], $0xffff  }
0x23f: {  	v3 =	vld.idx.msk [tilespmem:v3+s29+$0x0], $0xffff  }
0x240: {  	v7 =	vld.idx.msk [tilespmem:v7+s29+$0x0], $0xffff  }
0x241: {  	v20 =	vld [tilespmem:s18+$0x10];
	_ =	sdelay $0x1  }
0x242: {  	v21 =	vld [tilespmem:s18+$0x90]  }
0x243: {  	v5 =	vsub.f32 v5, v17;
	v3 =	vsub.f32 v4, v3  }
0x244: {  	v23 =	vsub.f32 v8, v7  }
0x245: {  	v22 =	vadd.f32 v19, v5;
	v3 =	vadd.f32 v20, v3;
	_ =	sdelay $0x1  }
0x246: {  	v5 =	vadd.f32 v21, v23;
	v24 =	vmul.f32 v22, v22;
	v25 =	vmul.f32 v3, v3;
	_ =	sdelay $0x1  }
0x247: {  	v26 =	vmul.f32 v5, v5;
	v6 =	vadd.f32 v25, v24;
	_ =	sdelay $0x1  }
0x248: {  	v6 =	vadd.f32 v26, v6;
	_ =	sdelay $0x1  }
0x249: {  	v7 =	vshrl.u32 v6, $0x1;
	v27 =	vmul.f32 $5.000000000e-01, v6  }
0x24a: {  	v7 =	vsub.s32 $0x5F3759DF, v7  }
0x24b: {  	v28 =	vmul.f32 v7, v27;
	_ =	sdelay $0x1  }
0x24c: {  	v9 =	vmul.f32 v7, v28;
	_ =	sdelay $0x1  }
0x24d: {  	v9 =	vsub.f32 $1.500000000e+00, v9;
	_ =	sdelay $0x1  }
0x24e: {  	v7 =	vmul.f32 v7, v9;
	_ =	sdelay $0x1  }
0x24f: {  	v9 =	vmul.f32 v7, v27;
	_ =	sdelay $0x1  }
0x250: {  	v9 =	vmul.f32 v9, v7;
	_ =	sdelay $0x1  }
0x251: {  	v9 =	vsub.f32 $1.500000000e+00, v9;
	_ =	sdelay $0x1  }
0x252: {  	v7 =	vmul.f32 v9, v7;
	_ =	sdelay $0x1  }
0x253: {  	v8 =	vmul.f32 v7, v27;
	_ =	sdelay $0x1  }
0x254: {  	v8 =	vmul.f32 v8, v7;
	_ =	sdelay $0x1  }
0x255: {  	s23 =	sadd.s32 $0xFFFFFFF0, s21;
	v8 =	vsub.f32 $1.500000000e+00, v8  }
0x256: {  	v29 =	vmov s23  }
0x257: {  	v30 =	vshll.u32 v29, $0x3;
	v7 =	vmul.f32 v8, v7  }
0x258: {  	v9 =	vor.u32 v2, v30  }
0x259: {  	v32 =	vor.u32 v1, v30;
	[tilespmem:s15+$0xFFFFFF90] =	vst v22;
	v31 =	vmul.f32 v7, v6  }
0x25a: {  	[tilespmem:s15+$0x90] =	vst v5;
	vm13 =	vgt.f32 v6, $0.0e+00  }
0x25b: {  	[tilespmem:s15+$0x10] =	vst v3;
	v33 =	vor.u32 $0x1, v9;
	v3 =	vnsel vm13, $0x0, v31  }
0x25c: {  	v35 =	vor.u32 $0x2, v9;
	[tilespmem:s14+$0x10] =	vst v3  }
0x25d: {  	v3 =	vor.u32 $0x1, v32;
	v5 =	vld.idx.msk [tilespmem:v9+s29+$0x0], $0xffff  }
0x25e: {  	v7 =	vor.u32 $0x2, v32;
	v34 =	vld.idx.msk [tilespmem:v32+s29+$0x0], $0xffff  }
0x25f: {  	v36 =	vld [tilespmem:s18+$0xFFFFFFA0]  }
0x260: {  	v4 =	vld.idx.msk [tilespmem:v33+s29+$0x0], $0xffff  }
0x261: {  	v8 =	vld.idx.msk [tilespmem:v35+s29+$0x0], $0xffff  }
0x262: {  	v3 =	vld.idx.msk [tilespmem:v3+s29+$0x0], $0xffff  }
0x263: {  	v7 =	vld.idx.msk [tilespmem:v7+s29+$0x0], $0xffff  }
0x264: {  	v37 =	vld [tilespmem:s18+$0x20];
	_ =	sdelay $0x1  }
0x265: {  	v38 =	vld [tilespmem:s18+$0xA0]  }
0x266: {  	v5 =	vsub.f32 v5, v34;
	v3 =	vsub.f32 v4, v3  }
0x267: {  	v40 =	vsub.f32 v8, v7  }
0x268: {  	v39 =	vadd.f32 v36, v5;
	v3 =	vadd.f32 v37, v3;
	_ =	sdelay $0x1  }
0x269: {  	v5 =	vadd.f32 v38, v40;
	v41 =	vmul.f32 v39, v39;
	v42 =	vmul.f32 v3, v3;
	_ =	sdelay $0x1  }
0x26a: {  	v43 =	vmul.f32 v5, v5;
	v6 =	vadd.f32 v42, v41;
	_ =	sdelay $0x1  }
0x26b: {  	v6 =	vadd.f32 v43, v6;
	_ =	sdelay $0x1  }
0x26c: {  	v7 =	vshrl.u32 v6, $0x1;
	v44 =	vmul.f32 $5.000000000e-01, v6  }
0x26d: {  	v7 =	vsub.s32 $0x5F3759DF, v7  }
0x26e: {  	v45 =	vmul.f32 v7, v44;
	_ =	sdelay $0x1  }
0x26f: {  	v9 =	vmul.f32 v7, v45;
	_ =	sdelay $0x1  }
0x270: {  	v9 =	vsub.f32 $1.500000000e+00, v9;
	_ =	sdelay $0x1  }
0x271: {  	v7 =	vmul.f32 v7, v9;
	_ =	sdelay $0x1  }
0x272: {  	v9 =	vmul.f32 v7, v44;
	_ =	sdelay $0x1  }
0x273: {  	v9 =	vmul.f32 v9, v7;
	_ =	sdelay $0x1  }
0x274: {  	v9 =	vsub.f32 $1.500000000e+00, v9;
	_ =	sdelay $0x1  }
0x275: {  	v7 =	vmul.f32 v9, v7;
	_ =	sdelay $0x1  }
0x276: {  	v8 =	vmul.f32 v7, v44;
	_ =	sdelay $0x1  }
0x277: {  	v8 =	vmul.f32 v8, v7;
	_ =	sdelay $0x1  }
0x278: {  	v8 =	vsub.f32 $1.500000000e+00, v8  }
0x279: {  	v46 =	vmov s21  }
0x27a: {  	v47 =	vshll.u32 v46, $0x3;
	v7 =	vmul.f32 v8, v7  }
0x27b: {  	v9 =	vor.u32 v2, v47  }
0x27c: {  	v49 =	vor.u32 v1, v47;
	[tilespmem:s15+$0xFFFFFFA0] =	vst v39;
	v48 =	vmul.f32 v7, v6  }
0x27d: {  	[tilespmem:s15+$0xA0] =	vst v5;
	vm14 =	vgt.f32 v6, $0.0e+00  }
0x27e: {  	[tilespmem:s15+$0x20] =	vst v3;
	v50 =	vor.u32 $0x1, v9;
	v3 =	vnsel vm14, $0x0, v48  }
0x27f: {  	v52 =	vor.u32 $0x2, v9;
	[tilespmem:s14+$0x20] =	vst v3  }
0x280: {  	v3 =	vor.u32 $0x1, v49;
	v5 =	vld.idx.msk [tilespmem:v9+s29+$0x0], $0xffff  }
0x281: {  	v7 =	vor.u32 $0x2, v49;
	v51 =	vld.idx.msk [tilespmem:v49+s29+$0x0], $0xffff  }
0x282: {  	v53 =	vld [tilespmem:s18+$0xFFFFFFB0]  }
0x283: {  	v4 =	vld.idx.msk [tilespmem:v50+s29+$0x0], $0xffff  }
0x284: {  	v8 =	vld.idx.msk [tilespmem:v52+s29+$0x0], $0xffff  }
0x285: {  	v3 =	vld.idx.msk [tilespmem:v3+s29+$0x0], $0xffff  }
0x286: {  	v7 =	vld.idx.msk [tilespmem:v7+s29+$0x0], $0xffff  }
0x287: {  	v54 =	vld [tilespmem:s18+$0x30];
	_ =	sdelay $0x1  }
0x288: {  	v55 =	vld [tilespmem:s18+$0xB0]  }
0x289: {  	v5 =	vsub.f32 v5, v51;
	v3 =	vsub.f32 v4, v3  }
0x28a: {  	v57 =	vsub.f32 v8, v7  }
0x28b: {  	v56 =	vadd.f32 v53, v5;
	v3 =	vadd.f32 v54, v3;
	_ =	sdelay $0x1  }
0x28c: {  	v5 =	vadd.f32 v55, v57;
	v58 =	vmul.f32 v56, v56;
	v59 =	vmul.f32 v3, v3;
	_ =	sdelay $0x1  }
0x28d: {  	v60 =	vmul.f32 v5, v5;
	v6 =	vadd.f32 v59, v58;
	_ =	sdelay $0x1  }
0x28e: {  	v6 =	vadd.f32 v60, v6;
	_ =	sdelay $0x1  }
0x28f: {  	v7 =	vshrl.u32 v6, $0x1;
	v61 =	vmul.f32 $5.000000000e-01, v6  }
0x290: {  	v7 =	vsub.s32 $0x5F3759DF, v7  }
0x291: {  	v62 =	vmul.f32 v7, v61;
	_ =	sdelay $0x1  }
0x292: {  	v9 =	vmul.f32 v7, v62;
	_ =	sdelay $0x1  }
0x293: {  	v9 =	vsub.f32 $1.500000000e+00, v9;
	_ =	sdelay $0x1  }
0x294: {  	v7 =	vmul.f32 v7, v9;
	_ =	sdelay $0x1  }
0x295: {  	v9 =	vmul.f32 v7, v61;
	_ =	sdelay $0x1  }
0x296: {  	v9 =	vmul.f32 v9, v7;
	_ =	sdelay $0x1  }
0x297: {  	v9 =	vsub.f32 $1.500000000e+00, v9;
	_ =	sdelay $0x1  }
0x298: {  	v7 =	vmul.f32 v9, v7;
	_ =	sdelay $0x1  }
0x299: {  	v8 =	vmul.f32 v7, v61;
	_ =	sdelay $0x1  }
0x29a: {  	v8 =	vmul.f32 v8, v7;
	_ =	sdelay $0x1  }
0x29b: {  	v8 =	vsub.f32 $1.500000000e+00, v8  }
0x29c: {  	s13 =	sadd.s32 $0x8, s13  }
0x29d: {  	p1 =	slt.u32 s13, $0x78;
	v7 =	vmul.f32 v8, v7  }
.Ltmp7:
0x29e: {  	_ = 	snop;
	(pc) =	sbr.rel @p1 .LBB2_6-.Ltmp7, $4  }
0x29f: {  	[tilespmem:s15+$0xFFFFFFB0] =	vst v56;
	v63 =	vmul.f32 v7, v6  }
0x2a0: {  	[tilespmem:s15+$0xB0] =	vst v5;
	vm15 =	vgt.f32 v6, $0.0e+00  }
0x2a1: {  	s21 =	sadd.s32 $0x100, s21;
	[tilespmem:s15+$0x30] =	vst v3;
	v3 =	vnsel vm15, $0x0, v63  }
0x2a2: {  	s18 =	sadd.s32 $0x200, s18;
	s15 =	sadd.s32 $0x200, s15;
	[tilespmem:s14+$0x30] =	vst v3;
	s14 =	sadd.s32 $0x80, s14  }
.Ltmp8:
0x2a3: {  	s3 =	sshll.u32 s4, $0xA;
	(pc) =	sbr.rel .LBB2_8-.Ltmp8, $4  }
0x2a4: {  	s23 =	sshll.u32 s4, $0x8;
	s3 =	sadd.s32 s6, s3  }
0x2a5: {  	[hbm4b:s3+s11] =	stream.linear.scatter [tilespmem:s30], [sflag:$0x4], $0x2000, $0x38;
	[tilespmem:$0x1C288] =	vst v63  }
0x2a6: {  	s3 =	sadd.s32 s7, s23  }
0x2a7: {  	[hbm4b:s3+s11] =	stream.linear.scatter [tilespmem:s31], [sflag:$0x4], $0x800, $0x38;
	[tilespmem:$0x1C288] =	vst v63  }
.LBB2_10:
0x2a8: {  	s3 =	simm.s32 $0x1  }
0x2a9: {  	s4 =	simm.s32 $0x0;
	s15 =	rddreg [dreg:$0x3];
	v3 =	vadd.s32 s3, v0  }
0x2aa: {  	[tilespmem:s2], [sflag:$0x5] =	stream.linear.gather [hbm4b:s15+s4], $0x88, $0x38;
	v4 =	vor.u32 s4, v0;
	[tilespmem:$0x1C288] =	vst v63  }
0x2ab: {  	_ =	swait.ge [sflag:s20], $0x88  }
0x2ac: {  	[sflag:s20] =	ssyncset.done $0x0  }
0x2ad: {  	[sflag:s20] =	ssyncadd.s32 $0xFFFFFF78  }
0x2ae: {  	v3 =	vld.idx.msk [tilespmem:v3+s2+$0x0], $0xffff  }
0x2af: {  	v4 =	vld.idx.msk [tilespmem:v4+s2+$0x0], $0xffff  }
0x2b0: {  	s18 =	simm.s32 $0x11  }
0x2b1: {  	s21 =	simm.s32 $0x10;
	v5 =	vadd.s32 s18, v0  }
0x2b2: {  	v6 =	vor.u32 s21, v0;
	_ =	sdelay $0x1  }
0x2b3: {  	s4 =	simm.s32 $0x1B088;
	v3 =	vsub.s32 v3, v4  }
0x2b4: {  	[tilespmem:s4+$0x0] =	vst v3  }
0x2b5: {  	v3 =	vld.idx.msk [tilespmem:v5+s2+$0x0], $0xffff  }
0x2b6: {  	v5 =	vld.idx.msk [tilespmem:v6+s2+$0x0], $0xffff  }
0x2b7: {  	s23 =	simm.s32 $0x21  }
0x2b8: {  	s9 =	simm.s32 $0x20;
	s13 =	simm.s32 $0x30;
	v4 =	vadd.s32 s23, v0  }
.LBB2_11:
0x2b9: {  	p1 =	sne.s32 s13, $0x70;
	v6 =	vor.u32 s9, v0;
	s9 =	smov.u32 s13;
	_ =	sdelay $0x1  }
0x2ba: {  	s4 =	sadd.s32 $0x10, s4;
	v3 =	vsub.s32 v3, v5  }
0x2bb: {  	[tilespmem:s4+$0x0] =	vst v3  }
.Ltmp9:
0x2bc: {  	v3 =	vld.idx.msk [tilespmem:v4+s2+$0x0], $0xffff;
	(pc) =	sbr.rel @p1 .LBB2_11-.Ltmp9, $3  }
0x2bd: {  	v5 =	vld.idx.msk [tilespmem:v6+s2+$0x0], $0xffff;
	_ =	sdelay $0x1  }
0x2be: {  	s3 =	sadd.s32 $0x1, s13  }
0x2bf: {  	s13 =	sadd.s32 $0x10, s13;
	v4 =	vadd.s32 s3, v0  }
0x2c0: {  	v6 =	vor.u32 s9, v0;
	_ =	sdelay $0x1  }
0x2c1: {  	s3 =	sadd.s32 $0x10, s4;
	v3 =	vsub.s32 v3, v5  }
0x2c2: {  	[tilespmem:s3+$0x0] =	vst v3  }
0x2c3: {  	v3 =	vld.idx.msk [tilespmem:v4+s2+$0x0], $0xffff  }
0x2c4: {  	v4 =	vld.idx.msk [tilespmem:v6+s2+$0x0], $0xffff;
	_ =	sdelay $0x4  }
0x2c5: {  	s3 =	sadd.s32 $0x10, s3;
	v3 =	vsub.s32 v3, v4  }
0x2c6: {  	s9 =	rddreg [dreg:$0x8];
	s13 =	simm.s32 $0x1B088;
	[tilespmem:s3+$0x0] =	vst v3;
	s3 =	simm.s32 $0x0  }
0x2c7: {  	[hbm4b:s9+s3] =	stream.linear.scatter [tilespmem:s13], [sflag:$0x5], $0x80, $0x38;
	[tilespmem:$0x1C288] =	vst v63  }
0x2c8: {  	_ =	swait.ge [sflag:s20], $0x80  }
0x2c9: {  	[sflag:s20] =	ssyncset.done $0x0  }
0x2ca: {  	s14 =	rddreg [dreg:$0xb];
	[sflag:s20] =	ssyncadd.s32 $0xFFFFFF80  }
0x2cb: {  	[tilespmem:s5], [sflag:$0x5] =	stream.linear.gather [hbm4b:s14+s3], $0x400, $0x38;
	[tilespmem:$0x1C288] =	vst v63  }
0x2cc: {  	_ =	swait.ge [sflag:s20], $0x400  }
0x2cd: {  	[sflag:s20] =	ssyncset.done $0x0  }
0x2ce: {  	[sflag:s20] =	ssyncadd.s32 $0xFFFFFC00  }
0x2cf: {  	s18 =	simm.s32 $0x1B508;
	s15 =	rddreg [dreg:$0x4]  }
0x2d0: {  	[tilespmem:s18], [sflag:$0x5] =	stream.linear.gather [hbm4b:s15+s3], $0x480, $0x38;
	[tilespmem:$0x1C288] =	vst v63  }
0x2d1: {  	_ =	swait.ge [sflag:s20], $0x480  }
0x2d2: {  	[sflag:s20] =	ssyncset.done $0x0  }
0x2d3: {  	[sflag:s20] =	ssyncadd.s32 $0xFFFFFB80  }
0x2d4: {  	s23 =	simm.s32 $0x1B988;
	s21 =	rddreg [dreg:$0x5]  }
0x2d5: {  	[tilespmem:s23], [sflag:$0x5] =	stream.linear.gather [hbm4b:s21+s3], $0x480, $0x38;
	[tilespmem:$0x1C288] =	vst v63  }
0x2d6: {  	_ =	swait.ge [sflag:s20], $0x480  }
0x2d7: {  	[sflag:s20] =	ssyncset.done $0x0  }
0x2d8: {  	s9 =	simm.s32 $0x0;
	[sflag:s20] =	ssyncadd.s32 $0xFFFFFB80  }
0x2d9: {  	v3 =	vld [tilespmem:s9+$0x1B508]  }
0x2da: {  	v4 =	vld [tilespmem:s9+$0x1B988];
	_ =	sdelay $0x4  }
0x2db: {  	s4 =	simm.s32 $0x10;
	v5 =	vand.u32 $0xFFFFFFF8, v4;
	v3 =	vshll.u32 v3, $0x3  }
0x2dc: {  	v6 =	vld [tilespmem:s4+$0x1B508];
	v4 =	vand.u32 $0x7, v4;
	v3 =	vadd.s32 v3, v5  }
0x2dd: {  	v5 =	vld [tilespmem:s4+$0x1B988];
	v3 =	vor.u32 v4, v3;
	_ =	sdelay $0x4  }
0x2de: {  	s13 =	simm.s32 $0x20;
	v6 =	vshll.u32 v6, $0x3;
	v7 =	vand.u32 $0xFFFFFFF8, v5;
	v4 =	vld.idx.msk [tilespmem:v3+s5+$0x0], $0xffff  }
0x2df: {  	s14 =	simm.s32 $0xC0;
	v5 =	vand.u32 $0x7, v5;
	v3 =	vld [tilespmem:s13+$0x1B508];
	v6 =	vadd.s32 v6, v7  }
.LBB2_13:
0x2e0: {  	p1 =	sne.s32 s14, $0x11C0;
	v7 =	vld [tilespmem:s13+$0x1B988];
	v5 =	vor.u32 v5, v6;
	_ =	sdelay $0x1  }
.Ltmp10:
0x2e1: {  	(pc) =	sbr.rel @p1 .LBB2_13-.Ltmp10, $4  }
0x2e2: {  	_ = 	snop  }
0x2e3: {  	[tilespmem:s9+$0x1BE08] =	vst v4;
	s9 =	smov.u32 s4;
	s4 =	smov.u32 s13  }
0x2e4: {  	s13 =	sshra.s32 s14, $0x2;
	v8 =	vshll.u32 v3, $0x3;
	v6 =	vand.u32 $0xFFFFFFF8, v7;
	v4 =	vld.idx.msk [tilespmem:v5+s5+$0x0], $0xffff  }
0x2e5: {  	s14 =	sadd.s32 $0x40, s14;
	v5 =	vand.u32 $0x7, v7;
	v3 =	vld [tilespmem:s13+$0x1B508];
	v6 =	vadd.s32 v8, v6  }
0x2e6: {  	v7 =	vld [tilespmem:s13+$0x1B988]  }
0x2e7: {  	v5 =	vor.u32 v5, v6;
	_ =	sdelay $0x3  }
0x2e8: {  	[tilespmem:s9+$0x1BE08] =	vst v4;
	v3 =	vshll.u32 v3, $0x3;
	v62 =	vand.u32 $0xFFFFFFF8, v7  }
0x2e9: {  	v5 =	vld.idx.msk [tilespmem:v5+s5+$0x0], $0xffff;
	v63 =	vand.u32 $0x7, v7;
	v3 =	vadd.s32 v3, v62  }
0x2ea: {  	v3 =	vor.u32 v63, v3;
	_ =	sdelay $0x3  }
0x2eb: {  	[tilespmem:s4+$0x1BE08] =	vst v5  }
0x2ec: {  	v3 =	vld.idx.msk [tilespmem:v3+s5+$0x0], $0xffff;
	_ =	sdelay $0x4  }
.Ltmp11:
0x2ed: {  	s3 =	rddreg [dreg:$0x9];
	s23 =	simm.s32 $0x1BE08;
	[tilespmem:s13+$0x1BE08] =	vst v3;
	(pc) =	sbr.rel .LBB2_15-.Ltmp11, $4  }
0x2ee: {  	[hbm4b:s3+s11] =	stream.linear.scatter [tilespmem:s23], [sflag:$0x5], $0x480, $0x38;
	[tilespmem:$0x1C288] =	vst v63  }
0x2ef: {  	_ =	swait.ge [sflag:s20], $0x480  }
0x2f0: {  	[sflag:s20] =	ssyncset.done $0x0  }
0x2f1: {  	[sflag:s20] =	ssyncadd.s32 $0xFFFFFB80  }
.LBB2_16:
0x2f2: {  	_ =	sfence.sel $0x180000  }
0x2f3: {  	[bflag:$0x0] =	sbarrier.arrive $0xFFFF  }
0x2f4: {  	_ =	strace $0x90000047  }
0x2f5: {  	s0 =	stileid.u32;
	[bflag:$0x2] =	sbarrier.arrive $0xFFFF  }
0x2f6: {  	p0 =	sne.s32 s0, $0x0;
	s0 =	rddreg [dreg:$0xa]  }
0x2f7: {  	s0 =	sadd.s32 @!p0 $0x100000, s0  }
0x2f8: {  	[sflag:s0] =	ssyncadd.tile.s32 @!p0 $0x1;
	_ =	shalt  }
.Lfunc_end2:
_tile_overlayer_lowered:
.L_overlay_start_2:
0x2f9: {  	(tag) =	ssettag $0x2  }
0x2fa: {  	s0 =	rddreg [dreg:$0x0];
	s2 =	stileid.u32  }
0x2fb: {  	s1 =	rddreg [dreg:$0x1];
	p0 =	sne.s32 s2, $0x0  }
0x2fc: {  	s3 =	rddreg [dreg:$0x2];
	[bflag:$0x3] =	sbarrier.arrive $0xFFFF;
	s2 =	simm.s32 @!p0 $0x1C05  }
0x2fd: {  	[timem:s3], [sflag:s2] =	dma.local @!p0 [hbm:s0], s1  }
0x2fe: {  	s0 =	simm.s32 @!p0 $0x5  }
0x2ff: {  	_ =	swait.ge @!p0 [sflag:s0], s1  }
0x300: {  	s1 =	ssub.s32 @!p0 $0x0, s1;
	[sflag:s0] =	ssyncset.done @!p0 $0x0  }
0x301: {  	[sflag:s0] =	ssyncadd.s32 @!p0 s1  }
0x302: {  	[bflag:$0x3] =	sbarrier.arrive $0xFFFF  }
0x303: {  	_ =	shalt  }

</sc_bundles>
